<compile_context>
chip_gen: v7x
topology: tpu7x:2x2x1
jax: 0.10.2.dev20260603
libtpu: 0.0.44.dev20260713+nightly
codegen_flags: <defaults>
</compile_context>

<pallas_src>
import functools

import jax
import jax.numpy as jnp
from jax import lax
from jax.experimental import pallas as pl
from jax.experimental.pallas import tpu as pltpu
from jax.experimental.pallas import tpu_sc as plsc

N = 10000
E = 320000
ND = 128
ED = 16
D = 128
DH = D // 2

NC = 2
NS = 16
L = 16
NW = NC * NS
EPW = E // NW
K = 40
NCHUNK = EPW // K
IB = 50
NB = NCHUNK // IB
HPB = IB // 2
AGG_ROWS = 10112
RPT = AGG_ROWS // NS
ZR = 8

_COLS_E = [32 * j + m for j in range(4) for m in range(16)]
_COLS_O = [c + 16 for c in _COLS_E]


def _pack_pair(ve, vo):
    he = lax.bitcast_convert_type(ve.astype(jnp.bfloat16), jnp.uint16)
    ho = lax.bitcast_convert_type(vo.astype(jnp.bfloat16), jnp.uint16)
    packed = he.astype(jnp.uint32) | (ho.astype(jnp.uint32) << 16)
    return lax.bitcast_convert_type(packed, jnp.int32)



def _t12_body(x_ref, wne_ref, bne_ref, w1_ref, w2_ref,
              ea_ref, wbig_ref, bbig_ref,
              nf_ref, a_ref, b_ref, efcb_ref):
    i = pl.program_id(0)

    @pl.when(i == 0)
    def _():
        nf = jnp.dot(x_ref[...], wne_ref[...],
                     preferred_element_type=jnp.float32)
        nf = nf + bne_ref[...]
        nf_ref[...] = nf
        a_ref[...] = jnp.dot(nf, w1_ref[...],
                             preferred_element_type=jnp.float32)
        b_ref[...] = jnp.dot(nf, w2_ref[...],
                             preferred_element_type=jnp.float32)

    h = jnp.dot(ea_ref[...], wbig_ref[...],
                preferred_element_type=jnp.float32) + bbig_ref[...]
    efcb_ref[:, :DH] = _pack_pair(h[:, :DH], h[:, DH:2 * DH])
    efcb_ref[:, DH:] = _pack_pair(h[:, 2 * DH:3 * DH], h[:, 3 * DH:])


def _t3_body(nf_ref, agg_ref, wn1_ref, wn2_ref, bn_ref, out_ref):
    nf = nf_ref[...]
    agg = agg_ref[0] + agg_ref[1]
    h = (
        jnp.dot(nf, wn1_ref[...], preferred_element_type=jnp.float32)
        + jnp.dot(agg, wn2_ref[...], preferred_element_type=jnp.float32)
        + bn_ref[...]
    )
    out_ref[...] = nf + jnp.maximum(h, 0.0)


def _full(shape):
    return pl.BlockSpec(shape, lambda i: (0, 0))


def _t12(x, Wne, bne, W1, W2, ea, Wbig, bbig):
    blk = 8000
    return pl.pallas_call(
        _t12_body,
        grid=(E // blk,),
        in_specs=[_full((N, ND)), _full((ND, D)), _full((1, D)),
                  _full((D, D)), _full((D, D)),
                  pl.BlockSpec((blk, ED), lambda i: (i, 0)),
                  _full((ED, 2 * D)), _full((1, 2 * D))],
        out_specs=[_full((N, D)), _full((N, D)), _full((N, D)),
                   pl.BlockSpec((blk, D), lambda i: (i, 0))],
        out_shape=[jax.ShapeDtypeStruct((N, D), jnp.float32),
                   jax.ShapeDtypeStruct((N, D), jnp.float32),
                   jax.ShapeDtypeStruct((N, D), jnp.float32),
                   jax.ShapeDtypeStruct((E, D), jnp.int32)],
    )(x, Wne, bne, W1, W2, ea, Wbig, bbig)


def _t3(nf, agg2, Wn1, Wn2, bn):
    blk = 2000
    row = lambda d: pl.BlockSpec((blk, d), lambda i: (i, 0))
    return pl.pallas_call(
        _t3_body,
        grid=(N // blk,),
        in_specs=[row(D),
                  pl.BlockSpec((2, blk, D), lambda i: (0, i, 0)),
                  _full((D, D)), _full((D, D)), _full((1, D))],
        out_specs=row(D),
        out_shape=jax.ShapeDtypeStruct((N, D), jnp.float32),
    )(nf, agg2, Wn1, Wn2, bn)



def _sc_body(src_hbm, dst_hbm, a_hbm, b_hbm, efcb_hbm,
             efnew_hbm, agg_hbm,
             idx_v, a_v, b_v, efcb_v, out_v, agg_sp,
             sem_a0, sem_a1, sem_b0, sem_b1, sem_e, sem_w0, sem_w1,
             sem_s0, sem_s1):
    c = lax.axis_index("c")
    s = lax.axis_index("s")
    w = s * NC + c
    sem_a = (sem_a0, sem_a1)
    sem_b = (sem_b0, sem_b1)
    sem_w = (sem_w0, sem_w1)
    sem_s = (sem_s0, sem_s1)

    def zfill(i, carry):
        for slot in range(2):
            for j in range(D // L):
                out_v[slot, i, pl.ds(j * L, L)] = jnp.zeros((L,), jnp.float32)
        return carry

    lax.fori_loop(0, K, zfill, 0)

    base_row = s * RPT
    nzfull = RPT // K
    ztail = RPT - nzfull * K

    def zdesc(k):
        return pltpu.make_async_copy(
            out_v.at[k % 2], agg_sp.at[pl.ds(base_row + k * K, K)], sem_e)

    zt = pltpu.make_async_copy(
        out_v.at[0, pl.ds(0, ztail)],
        agg_sp.at[pl.ds(base_row + nzfull * K, ztail)], sem_e)
    for k in range(nzfull):
        zdesc(k).start()
    zt.start()
    for k in range(nzfull):
        zdesc(k).wait()
    zt.wait()
    plsc.subcore_barrier()

    ebase = w * EPW

    def unpack2(r, grp):
        v = efcb_v[r, pl.ds(grp * L, L)]
        lo = lax.bitcast_convert_type(lax.shift_left(v, 16), jnp.float32)
        hi = lax.bitcast_convert_type(v & jnp.int32(-65536), jnp.float32)
        return lo, hi

    def gather_descs(j, slot):
        da = pltpu.make_async_copy(a_hbm.at[idx_v.at[j]], a_v.at[slot],
                                   sem_a[slot])
        db = pltpu.make_async_copy(b_hbm.at[idx_v.at[IB + j]], b_v.at[slot],
                                   sem_b[slot])
        return da, db

    def efcb_desc(j, bidx):
        row0 = ebase + bidx * IB * K + j * K
        return pltpu.make_async_copy(efcb_hbm.at[pl.ds(row0, K)], efcb_v,
                                     sem_e)

    def store_descs(j, bidx, slot):
        row0 = ebase + bidx * IB * K + j * K
        dw = pltpu.make_async_copy(out_v.at[slot],
                                   efnew_hbm.at[pl.ds(row0, K)], sem_w[slot])
        dsc = pltpu.make_async_copy(out_v.at[slot],
                                    agg_sp.at[idx_v.at[IB + j]], sem_s[slot])
        return dw, dsc

    def fire(descs):
        for d in descs:
            d.start()

    def fire_stores(j, bidx, slot):
        dw, dsc = store_descs(j, bidx, slot)
        dw.start()
        dsc.start(add=True)

    def wait(descs):
        for d in descs:
            d.wait()

    def compute(slot):
        def crow(r, carry):
            for grp in range(4):
                a_lo = a_v[slot, r, pl.ds(32 * grp, L)]
                a_hi = a_v[slot, r, pl.ds(32 * grp + L, L)]
                b_lo = b_v[slot, r, pl.ds(32 * grp, L)]
                b_hi = b_v[slot, r, pl.ds(32 * grp + L, L)]
                ef_lo, ef_hi = unpack2(r, grp)
                cb_lo, cb_hi = unpack2(r, grp + 4)
                zero = jnp.zeros((L,), jnp.float32)
                out_v[slot, r, pl.ds(32 * grp, L)] = ef_lo + jnp.maximum(
                    a_lo + b_lo + cb_lo, zero)
                out_v[slot, r, pl.ds(32 * grp + L, L)] = ef_hi + jnp.maximum(
                    a_hi + b_hi + cb_hi, zero)
            return carry

        lax.fori_loop(0, K, crow, 0)

    def batch(bidx, carry):
        pltpu.sync_copy(src_hbm.at[w, bidx], idx_v.at[pl.ds(0, IB)])
        pltpu.sync_copy(dst_hbm.at[w, bidx], idx_v.at[pl.ds(IB, IB)])
        fire(gather_descs(0, 0))
        fire((efcb_desc(0, bidx),))

        def pair(h, carry2):
            j0 = 2 * h
            j1 = 2 * h + 1
            wait(gather_descs(j0, 0))
            fire(gather_descs(j1, 1))
            wait((efcb_desc(j0, bidx),))

            @pl.when(h >= 1)
            def _():
                wait(store_descs(j0 - 2, bidx, 0))

            compute(0)
            fire((efcb_desc(j1, bidx),))
            fire_stores(j0, bidx, 0)
            wait(gather_descs(j1, 1))

            @pl.when(h < HPB - 1)
            def _():
                fire(gather_descs(j1 + 1, 0))

            wait((efcb_desc(j1, bidx),))

            @pl.when(h >= 1)
            def _():
                wait(store_descs(j1 - 2, bidx, 1))

            compute(1)

            @pl.when(h < HPB - 1)
            def _():
                fire((efcb_desc(j1 + 1, bidx),))

            fire_stores(j1, bidx, 1)
            return carry2

        lax.fori_loop(0, HPB, pair, 0)
        wait(store_descs(IB - 2, bidx, 0))
        wait(store_descs(IB - 1, bidx, 1))
        return carry

    lax.fori_loop(0, NB, batch, 0)

    plsc.subcore_barrier()

    pltpu.sync_copy(agg_sp.at[pl.ds(base_row, RPT)],
                    agg_hbm.at[c, pl.ds(base_row, RPT)])


@functools.cache
def _sc_call():
    return functools.partial(
        pl.kernel,
        out_type=(
            jax.ShapeDtypeStruct((E, D), jnp.float32),
            jax.ShapeDtypeStruct((NC, AGG_ROWS, D), jnp.float32),
        ),
        mesh=plsc.VectorSubcoreMesh(core_axis_name="c", subcore_axis_name="s",
                                    num_cores=NC, num_subcores=NS),
        scratch_types=[
            pltpu.VMEM((2 * IB, K), jnp.int32),
            pltpu.VMEM((2, K, D), jnp.float32),
            pltpu.VMEM((2, K, D), jnp.float32),
            pltpu.VMEM((K, D), jnp.int32),
            pltpu.VMEM((2, K, D), jnp.float32),
            pltpu.VMEM_SHARED((AGG_ROWS, D), jnp.float32),
            pltpu.SemaphoreType.DMA,
            pltpu.SemaphoreType.DMA,
            pltpu.SemaphoreType.DMA,
            pltpu.SemaphoreType.DMA,
            pltpu.SemaphoreType.DMA,
            pltpu.SemaphoreType.DMA,
            pltpu.SemaphoreType.DMA,
            pltpu.SemaphoreType.DMA,
            pltpu.SemaphoreType.DMA,
        ],
    )(_sc_body)



def kernel(x, edge_attr, edge_index, W_node_enc, b_node_enc, W_edge_enc,
           b_edge_enc, W_edge, b_edge, W_node, b_node):
    src = edge_index[0].reshape(NW, NB, IB, K)
    dst = edge_index[1].reshape(NW, NB, IB, K)
    ce = jnp.array(_COLS_E, dtype=jnp.int32)
    co = jnp.array(_COLS_O, dtype=jnp.int32)
    W1 = W_edge[:D]
    W2 = W_edge[D:2 * D]
    W3 = W_edge[2 * D:]

    WeW3 = W_edge_enc @ W3
    b3f = b_edge_enc @ W3 + b_edge
    Wbig = jnp.concatenate(
        [W_edge_enc[:, ce], W_edge_enc[:, co], WeW3[:, ce], WeW3[:, co]],
        axis=1)
    bbig = jnp.concatenate(
        [b_edge_enc[ce], b_edge_enc[co], b3f[ce], b3f[co]]).reshape(1, 2 * D)
    nf, A, B, efcb = _t12(
        x, W_node_enc, b_node_enc.reshape(1, D), W1, W2,
        edge_attr, Wbig, bbig)
    ef_new, agg2 = _sc_call()(src, dst, A, B, efcb)
    nf_new = _t3(nf, agg2, W_node[:D], W_node[D:], b_node.reshape(1, D))
    return nf_new, ef_new

# --- scband reference (transcript-rebuilt; emitter-appended) ---
"""Pipeline reference for scband-mpnn-28114855919905 (READ-ONLY COPY).

The authoritative reference and input builder live on the scoring server;
editing this copy changes nothing except your own understanding.
"""

import jax, jax.numpy as jnp
import numpy as np

N = 10000
E = 320000
ND = 128
ED = 16
D = 128


def setup_inputs(seed: int = 0) -> dict:
    key = jax.random.key(seed)
    ks = jax.random.split(key, 12)
    x = jax.random.normal(ks[0], (N, ND), dtype=jnp.float32)
    edge_attr = jax.random.normal(ks[1], (E, ED), dtype=jnp.float32)
    edge_index = jax.random.randint(ks[2], (2, E), 0, N, dtype=jnp.int32)
    W_node_enc = jax.random.normal(ks[3], (ND, D), dtype=jnp.float32) / np.sqrt(ND)
    b_node_enc = jnp.zeros((D,), dtype=jnp.float32)
    W_edge_enc = jax.random.normal(ks[4], (ED, D), dtype=jnp.float32) / np.sqrt(ED)
    b_edge_enc = jnp.zeros((D,), dtype=jnp.float32)
    W_edge = jax.random.normal(ks[5], (3 * D, D), dtype=jnp.float32) / np.sqrt(3 * D)
    b_edge = jnp.zeros((D,), dtype=jnp.float32)
    W_node = jax.random.normal(ks[6], (2 * D, D), dtype=jnp.float32) / np.sqrt(2 * D)
    b_node = jnp.zeros((D,), dtype=jnp.float32)
    return {
        "x": x,
        "edge_attr": edge_attr,
        "edge_index": edge_index,
        "W_node_enc": W_node_enc,
        "b_node_enc": b_node_enc,
        "W_edge_enc": W_edge_enc,
        "b_edge_enc": b_edge_enc,
        "W_edge": W_edge,
        "b_edge": b_edge,
        "W_node": W_node,
        "b_node": b_node,
    }


def reference(x, edge_attr, edge_index, W_node_enc, b_node_enc, W_edge_enc,
              b_edge_enc, W_edge, b_edge, W_node, b_node):
    # encoders
    nf = x @ W_node_enc + b_node_enc
    ef = edge_attr @ W_edge_enc + b_edge_enc
    src = edge_index[0]
    dst = edge_index[1]
    # MPLayer: edge update (residual) then node update (residual), sum aggregation
    edge_in = jnp.concatenate([nf[src], nf[dst], ef], axis=-1)
    m = jax.nn.relu(edge_in @ W_edge + b_edge)
    ef_new = ef + m
    agg = jax.ops.segment_sum(ef_new, dst, num_segments=N)
    node_in = jnp.concatenate([nf, agg], axis=-1)
    nf_new = nf + jax.nn.relu(node_in @ W_node + b_node)
    return (nf_new, ef_new)

if __name__ == "__main__":
    import jax
    _d = setup_inputs()
    print(jax.jit(kernel)(*tuple(_d.values())))

</pallas_src>

<mosaic_0001>
#map = affine_map<(d0, d1) -> (0, 0, 0, 0)>
#map1 = affine_map<(d0, d1) -> (0, 0)>
#map2 = affine_map<(d0, d1) -> (0, 0, 0)>
module attributes {stable_mosaic.version = 14 : i64} {
  func.func @_sc_body(%arg0: i32, %arg1: i32, %arg2: memref<32x5x50x40xi32, #tpu.memory_space<hbm>>, %arg3: memref<32x5x50x40xi32, #tpu.memory_space<hbm>>, %arg4: memref<10000x128xf32, #tpu.memory_space<hbm>>, %arg5: memref<10000x128xf32, #tpu.memory_space<hbm>>, %arg6: memref<320000x128xi32, #tpu.memory_space<hbm>>, %arg7: memref<320000x128xf32, #tpu.memory_space<hbm>>, %arg8: memref<2x10112x128xf32, #tpu.memory_space<hbm>>, %arg9: memref<100x40xi32, #tpu.memory_space<vmem>>, %arg10: memref<2x40x128xf32, #tpu.memory_space<vmem>>, %arg11: memref<2x40x128xf32, #tpu.memory_space<vmem>>, %arg12: memref<40x128xi32, #tpu.memory_space<vmem>>, %arg13: memref<2x40x128xf32, #tpu.memory_space<vmem>>, %arg14: memref<10112x128xf32, #tpu.memory_space<vmem_shared>>, %arg15: memref<!tpu.dma_semaphore, #tpu.memory_space<semaphore_mem>>, %arg16: memref<!tpu.dma_semaphore, #tpu.memory_space<semaphore_mem>>, %arg17: memref<!tpu.dma_semaphore, #tpu.memory_space<semaphore_mem>>, %arg18: memref<!tpu.dma_semaphore, #tpu.memory_space<semaphore_mem>>, %arg19: memref<!tpu.dma_semaphore, #tpu.memory_space<semaphore_mem>>, %arg20: memref<!tpu.dma_semaphore, #tpu.memory_space<semaphore_mem>>, %arg21: memref<!tpu.dma_semaphore, #tpu.memory_space<semaphore_mem>>, %arg22: memref<!tpu.dma_semaphore, #tpu.memory_space<semaphore_mem>>, %arg23: memref<!tpu.dma_semaphore, #tpu.memory_space<semaphore_mem>>) attributes {dimension_semantics = [#tpu.dimension_semantics<core_parallel>, #tpu.dimension_semantics<subcore_parallel>], iteration_bounds = array<i64: 2, 16>, scalar_prefetch = 0 : i64, scratch_operands = 15 : i64, tpu.core_type = #tpu.core_type<sc_vector_subcore>, window_params = [{transform_indices = #map}, {transform_indices = #map}, {transform_indices = #map1}, {transform_indices = #map1}, {transform_indices = #map1}, {transform_indices = #map1}, {transform_indices = #map2}]} {
    %mul3A = arith.constant 2 : i32
    %mul3A_0 = arith.muli %arg1, %mul3A : i32
    %add3A = arith.addi %mul3A_0, %arg0 : i32
    %scan3A = arith.constant 0 : i32
    %scan3A_1 = arith.constant 0 : i32
    %scan3A_2 = arith.constant 40 : i32
    %scan3A_3 = arith.addi %scan3A_1, %scan3A_2 : i32
    %scan3A_4 = arith.constant 1 : i32
    scf.for %scan3A_493 = %scan3A_1 to %scan3A_3 step %scan3A_4  : i32 {
      %broadcast_in_dim3A = arith.constant 0.000000e+00 : f32
      %broadcast_in_dim3A_494 = vector.broadcast %broadcast_in_dim3A : f32 to vector<16xf32>
      %swap3A = arith.constant 0 : i32
      %swap3A_495 = arith.index_cast %swap3A : i32 to index
      %swap3A_496 = arith.index_cast %scan3A_493 : i32 to index
      %swap3A_497 = arith.constant 0 : index
      %swap3A_498 = tpu.vector_load %arg13[%swap3A_495, %swap3A_496, %swap3A_497] {strides = array<i32>} : memref<2x40x128xf32, #tpu.memory_space<vmem>>, vector<1x1x16xf32>,
      %swap3A_499 = vector.shape_cast %swap3A_498 : vector<1x1x16xf32> to vector<16xf32>
      %swap3A_500 = vector.shape_cast %broadcast_in_dim3A_494 : vector<16xf32> to vector<1x1x16xf32>
      tpu.vector_store %arg13[%swap3A_495, %swap3A_496, %swap3A_497], %swap3A_500 {strides = array<i32>} : memref<2x40x128xf32, #tpu.memory_space<vmem>>, vector<1x1x16xf32>,
      %broadcast_in_dim3A_501 = arith.constant 0.000000e+00 : f32
      %broadcast_in_dim3A_502 = vector.broadcast %broadcast_in_dim3A_501 : f32 to vector<16xf32>
      %swap3A_503 = arith.constant 0 : i32
      %swap3A_504 = arith.index_cast %swap3A_503 : i32 to index
      %swap3A_505 = arith.index_cast %scan3A_493 : i32 to index
      %swap3A_506 = arith.constant 16 : index
      %swap3A_507 = tpu.vector_load %arg13[%swap3A_504, %swap3A_505, %swap3A_506] {strides = array<i32>} : memref<2x40x128xf32, #tpu.memory_space<vmem>>, vector<1x1x16xf32>,
      %swap3A_508 = vector.shape_cast %swap3A_507 : vector<1x1x16xf32> to vector<16xf32>
      %swap3A_509 = vector.shape_cast %broadcast_in_dim3A_502 : vector<16xf32> to vector<1x1x16xf32>
      tpu.vector_store %arg13[%swap3A_504, %swap3A_505, %swap3A_506], %swap3A_509 {strides = array<i32>} : memref<2x40x128xf32, #tpu.memory_space<vmem>>, vector<1x1x16xf32>,
      %broadcast_in_dim3A_510 = arith.constant 0.000000e+00 : f32
      %broadcast_in_dim3A_511 = vector.broadcast %broadcast_in_dim3A_510 : f32 to vector<16xf32>
      %swap3A_512 = arith.constant 0 : i32
      %swap3A_513 = arith.index_cast %swap3A_512 : i32 to index
      %swap3A_514 = arith.index_cast %scan3A_493 : i32 to index
      %swap3A_515 = arith.constant 32 : index
      %swap3A_516 = tpu.vector_load %arg13[%swap3A_513, %swap3A_514, %swap3A_515] {strides = array<i32>} : memref<2x40x128xf32, #tpu.memory_space<vmem>>, vector<1x1x16xf32>,
      %swap3A_517 = vector.shape_cast %swap3A_516 : vector<1x1x16xf32> to vector<16xf32>
      %swap3A_518 = vector.shape_cast %broadcast_in_dim3A_511 : vector<16xf32> to vector<1x1x16xf32>
      tpu.vector_store %arg13[%swap3A_513, %swap3A_514, %swap3A_515], %swap3A_518 {strides = array<i32>} : memref<2x40x128xf32, #tpu.memory_space<vmem>>, vector<1x1x16xf32>,
      %broadcast_in_dim3A_519 = arith.constant 0.000000e+00 : f32
      %broadcast_in_dim3A_520 = vector.broadcast %broadcast_in_dim3A_519 : f32 to vector<16xf32>
      %swap3A_521 = arith.constant 0 : i32
      %swap3A_522 = arith.index_cast %swap3A_521 : i32 to index
      %swap3A_523 = arith.index_cast %scan3A_493 : i32 to index
      %swap3A_524 = arith.constant 48 : index
      %swap3A_525 = tpu.vector_load %arg13[%swap3A_522, %swap3A_523, %swap3A_524] {strides = array<i32>} : memref<2x40x128xf32, #tpu.memory_space<vmem>>, vector<1x1x16xf32>,
      %swap3A_526 = vector.shape_cast %swap3A_525 : vector<1x1x16xf32> to vector<16xf32>
      %swap3A_527 = vector.shape_cast %broadcast_in_dim3A_520 : vector<16xf32> to vector<1x1x16xf32>
      tpu.vector_store %arg13[%swap3A_522, %swap3A_523, %swap3A_524], %swap3A_527 {strides = array<i32>} : memref<2x40x128xf32, #tpu.memory_space<vmem>>, vector<1x1x16xf32>,
      %broadcast_in_dim3A_528 = arith.constant 0.000000e+00 : f32
      %broadcast_in_dim3A_529 = vector.broadcast %broadcast_in_dim3A_528 : f32 to vector<16xf32>
      %swap3A_530 = arith.constant 0 : i32
      %swap3A_531 = arith.index_cast %swap3A_530 : i32 to index
      %swap3A_532 = arith.index_cast %scan3A_493 : i32 to index
      %swap3A_533 = arith.constant 64 : index
      %swap3A_534 = tpu.vector_load %arg13[%swap3A_531, %swap3A_532, %swap3A_533] {strides = array<i32>} : memref<2x40x128xf32, #tpu.memory_space<vmem>>, vector<1x1x16xf32>,
      %swap3A_535 = vector.shape_cast %swap3A_534 : vector<1x1x16xf32> to vector<16xf32>
      %swap3A_536 = vector.shape_cast %broadcast_in_dim3A_529 : vector<16xf32> to vector<1x1x16xf32>
      tpu.vector_store %arg13[%swap3A_531, %swap3A_532, %swap3A_533], %swap3A_536 {strides = array<i32>} : memref<2x40x128xf32, #tpu.memory_space<vmem>>, vector<1x1x16xf32>,
      %broadcast_in_dim3A_537 = arith.constant 0.000000e+00 : f32
      %broadcast_in_dim3A_538 = vector.broadcast %broadcast_in_dim3A_537 : f32 to vector<16xf32>
      %swap3A_539 = arith.constant 0 : i32
      %swap3A_540 = arith.index_cast %swap3A_539 : i32 to index
      %swap3A_541 = arith.index_cast %scan3A_493 : i32 to index
      %swap3A_542 = arith.constant 80 : index
      %swap3A_543 = tpu.vector_load %arg13[%swap3A_540, %swap3A_541, %swap3A_542] {strides = array<i32>} : memref<2x40x128xf32, #tpu.memory_space<vmem>>, vector<1x1x16xf32>,
      %swap3A_544 = vector.shape_cast %swap3A_543 : vector<1x1x16xf32> to vector<16xf32>
      %swap3A_545 = vector.shape_cast %broadcast_in_dim3A_538 : vector<16xf32> to vector<1x1x16xf32>
      tpu.vector_store %arg13[%swap3A_540, %swap3A_541, %swap3A_542], %swap3A_545 {strides = array<i32>} : memref<2x40x128xf32, #tpu.memory_space<vmem>>, vector<1x1x16xf32>,
      %broadcast_in_dim3A_546 = arith.constant 0.000000e+00 : f32
      %broadcast_in_dim3A_547 = vector.broadcast %broadcast_in_dim3A_546 : f32 to vector<16xf32>
      %swap3A_548 = arith.constant 0 : i32
      %swap3A_549 = arith.index_cast %swap3A_548 : i32 to index
      %swap3A_550 = arith.index_cast %scan3A_493 : i32 to index
      %swap3A_551 = arith.constant 96 : index
      %swap3A_552 = tpu.vector_load %arg13[%swap3A_549, %swap3A_550, %swap3A_551] {strides = array<i32>} : memref<2x40x128xf32, #tpu.memory_space<vmem>>, vector<1x1x16xf32>,
      %swap3A_553 = vector.shape_cast %swap3A_552 : vector<1x1x16xf32> to vector<16xf32>
      %swap3A_554 = vector.shape_cast %broadcast_in_dim3A_547 : vector<16xf32> to vector<1x1x16xf32>
      tpu.vector_store %arg13[%swap3A_549, %swap3A_550, %swap3A_551], %swap3A_554 {strides = array<i32>} : memref<2x40x128xf32, #tpu.memory_space<vmem>>, vector<1x1x16xf32>,
      %broadcast_in_dim3A_555 = arith.constant 0.000000e+00 : f32
      %broadcast_in_dim3A_556 = vector.broadcast %broadcast_in_dim3A_555 : f32 to vector<16xf32>
      %swap3A_557 = arith.constant 0 : i32
      %swap3A_558 = arith.index_cast %swap3A_557 : i32 to index
      %swap3A_559 = arith.index_cast %scan3A_493 : i32 to index
      %swap3A_560 = arith.constant 112 : index
      %swap3A_561 = tpu.vector_load %arg13[%swap3A_558, %swap3A_559, %swap3A_560] {strides = array<i32>} : memref<2x40x128xf32, #tpu.memory_space<vmem>>, vector<1x1x16xf32>,
      %swap3A_562 = vector.shape_cast %swap3A_561 : vector<1x1x16xf32> to vector<16xf32>
      %swap3A_563 = vector.shape_cast %broadcast_in_dim3A_556 : vector<16xf32> to vector<1x1x16xf32>
      tpu.vector_store %arg13[%swap3A_558, %swap3A_559, %swap3A_560], %swap3A_563 {strides = array<i32>} : memref<2x40x128xf32, #tpu.memory_space<vmem>>, vector<1x1x16xf32>,
      %broadcast_in_dim3A_564 = arith.constant 0.000000e+00 : f32
      %broadcast_in_dim3A_565 = vector.broadcast %broadcast_in_dim3A_564 : f32 to vector<16xf32>
      %swap3A_566 = arith.constant 1 : i32
      %swap3A_567 = arith.index_cast %swap3A_566 : i32 to index
      %swap3A_568 = arith.index_cast %scan3A_493 : i32 to index
      %swap3A_569 = arith.constant 0 : index
      %swap3A_570 = tpu.vector_load %arg13[%swap3A_567, %swap3A_568, %swap3A_569] {strides = array<i32>} : memref<2x40x128xf32, #tpu.memory_space<vmem>>, vector<1x1x16xf32>,
      %swap3A_571 = vector.shape_cast %swap3A_570 : vector<1x1x16xf32> to vector<16xf32>
      %swap3A_572 = vector.shape_cast %broadcast_in_dim3A_565 : vector<16xf32> to vector<1x1x16xf32>
      tpu.vector_store %arg13[%swap3A_567, %swap3A_568, %swap3A_569], %swap3A_572 {strides = array<i32>} : memref<2x40x128xf32, #tpu.memory_space<vmem>>, vector<1x1x16xf32>,
      %broadcast_in_dim3A_573 = arith.constant 0.000000e+00 : f32
      %broadcast_in_dim3A_574 = vector.broadcast %broadcast_in_dim3A_573 : f32 to vector<16xf32>
      %swap3A_575 = arith.constant 1 : i32
      %swap3A_576 = arith.index_cast %swap3A_575 : i32 to index
      %swap3A_577 = arith.index_cast %scan3A_493 : i32 to index
      %swap3A_578 = arith.constant 16 : index
      %swap3A_579 = tpu.vector_load %arg13[%swap3A_576, %swap3A_577, %swap3A_578] {strides = array<i32>} : memref<2x40x128xf32, #tpu.memory_space<vmem>>, vector<1x1x16xf32>,
      %swap3A_580 = vector.shape_cast %swap3A_579 : vector<1x1x16xf32> to vector<16xf32>
      %swap3A_581 = vector.shape_cast %broadcast_in_dim3A_574 : vector<16xf32> to vector<1x1x16xf32>
      tpu.vector_store %arg13[%swap3A_576, %swap3A_577, %swap3A_578], %swap3A_581 {strides = array<i32>} : memref<2x40x128xf32, #tpu.memory_space<vmem>>, vector<1x1x16xf32>,
      %broadcast_in_dim3A_582 = arith.constant 0.000000e+00 : f32
      %broadcast_in_dim3A_583 = vector.broadcast %broadcast_in_dim3A_582 : f32 to vector<16xf32>
      %swap3A_584 = arith.constant 1 : i32
      %swap3A_585 = arith.index_cast %swap3A_584 : i32 to index
      %swap3A_586 = arith.index_cast %scan3A_493 : i32 to index
      %swap3A_587 = arith.constant 32 : index
      %swap3A_588 = tpu.vector_load %arg13[%swap3A_585, %swap3A_586, %swap3A_587] {strides = array<i32>} : memref<2x40x128xf32, #tpu.memory_space<vmem>>, vector<1x1x16xf32>,
      %swap3A_589 = vector.shape_cast %swap3A_588 : vector<1x1x16xf32> to vector<16xf32>
      %swap3A_590 = vector.shape_cast %broadcast_in_dim3A_583 : vector<16xf32> to vector<1x1x16xf32>
      tpu.vector_store %arg13[%swap3A_585, %swap3A_586, %swap3A_587], %swap3A_590 {strides = array<i32>} : memref<2x40x128xf32, #tpu.memory_space<vmem>>, vector<1x1x16xf32>,
      %broadcast_in_dim3A_591 = arith.constant 0.000000e+00 : f32
      %broadcast_in_dim3A_592 = vector.broadcast %broadcast_in_dim3A_591 : f32 to vector<16xf32>
      %swap3A_593 = arith.constant 1 : i32
      %swap3A_594 = arith.index_cast %swap3A_593 : i32 to index
      %swap3A_595 = arith.index_cast %scan3A_493 : i32 to index
      %swap3A_596 = arith.constant 48 : index
      %swap3A_597 = tpu.vector_load %arg13[%swap3A_594, %swap3A_595, %swap3A_596] {strides = array<i32>} : memref<2x40x128xf32, #tpu.memory_space<vmem>>, vector<1x1x16xf32>,
      %swap3A_598 = vector.shape_cast %swap3A_597 : vector<1x1x16xf32> to vector<16xf32>
      %swap3A_599 = vector.shape_cast %broadcast_in_dim3A_592 : vector<16xf32> to vector<1x1x16xf32>
      tpu.vector_store %arg13[%swap3A_594, %swap3A_595, %swap3A_596], %swap3A_599 {strides = array<i32>} : memref<2x40x128xf32, #tpu.memory_space<vmem>>, vector<1x1x16xf32>,
      %broadcast_in_dim3A_600 = arith.constant 0.000000e+00 : f32
      %broadcast_in_dim3A_601 = vector.broadcast %broadcast_in_dim3A_600 : f32 to vector<16xf32>
      %swap3A_602 = arith.constant 1 : i32
      %swap3A_603 = arith.index_cast %swap3A_602 : i32 to index
      %swap3A_604 = arith.index_cast %scan3A_493 : i32 to index
      %swap3A_605 = arith.constant 64 : index
      %swap3A_606 = tpu.vector_load %arg13[%swap3A_603, %swap3A_604, %swap3A_605] {strides = array<i32>} : memref<2x40x128xf32, #tpu.memory_space<vmem>>, vector<1x1x16xf32>,
      %swap3A_607 = vector.shape_cast %swap3A_606 : vector<1x1x16xf32> to vector<16xf32>
      %swap3A_608 = vector.shape_cast %broadcast_in_dim3A_601 : vector<16xf32> to vector<1x1x16xf32>
      tpu.vector_store %arg13[%swap3A_603, %swap3A_604, %swap3A_605], %swap3A_608 {strides = array<i32>} : memref<2x40x128xf32, #tpu.memory_space<vmem>>, vector<1x1x16xf32>,
      %broadcast_in_dim3A_609 = arith.constant 0.000000e+00 : f32
      %broadcast_in_dim3A_610 = vector.broadcast %broadcast_in_dim3A_609 : f32 to vector<16xf32>
      %swap3A_611 = arith.constant 1 : i32
      %swap3A_612 = arith.index_cast %swap3A_611 : i32 to index
      %swap3A_613 = arith.index_cast %scan3A_493 : i32 to index
      %swap3A_614 = arith.constant 80 : index
      %swap3A_615 = tpu.vector_load %arg13[%swap3A_612, %swap3A_613, %swap3A_614] {strides = array<i32>} : memref<2x40x128xf32, #tpu.memory_space<vmem>>, vector<1x1x16xf32>,
      %swap3A_616 = vector.shape_cast %swap3A_615 : vector<1x1x16xf32> to vector<16xf32>
      %swap3A_617 = vector.shape_cast %broadcast_in_dim3A_610 : vector<16xf32> to vector<1x1x16xf32>
      tpu.vector_store %arg13[%swap3A_612, %swap3A_613, %swap3A_614], %swap3A_617 {strides = array<i32>} : memref<2x40x128xf32, #tpu.memory_space<vmem>>, vector<1x1x16xf32>,
      %broadcast_in_dim3A_618 = arith.constant 0.000000e+00 : f32
      %broadcast_in_dim3A_619 = vector.broadcast %broadcast_in_dim3A_618 : f32 to vector<16xf32>
      %swap3A_620 = arith.constant 1 : i32
      %swap3A_621 = arith.index_cast %swap3A_620 : i32 to index
      %swap3A_622 = arith.index_cast %scan3A_493 : i32 to index
      %swap3A_623 = arith.constant 96 : index
      %swap3A_624 = tpu.vector_load %arg13[%swap3A_621, %swap3A_622, %swap3A_623] {strides = array<i32>} : memref<2x40x128xf32, #tpu.memory_space<vmem>>, vector<1x1x16xf32>,
      %swap3A_625 = vector.shape_cast %swap3A_624 : vector<1x1x16xf32> to vector<16xf32>
      %swap3A_626 = vector.shape_cast %broadcast_in_dim3A_619 : vector<16xf32> to vector<1x1x16xf32>
      tpu.vector_store %arg13[%swap3A_621, %swap3A_622, %swap3A_623], %swap3A_626 {strides = array<i32>} : memref<2x40x128xf32, #tpu.memory_space<vmem>>, vector<1x1x16xf32>,
      %broadcast_in_dim3A_627 = arith.constant 0.000000e+00 : f32
      %broadcast_in_dim3A_628 = vector.broadcast %broadcast_in_dim3A_627 : f32 to vector<16xf32>
      %swap3A_629 = arith.constant 1 : i32
      %swap3A_630 = arith.index_cast %swap3A_629 : i32 to index
      %swap3A_631 = arith.index_cast %scan3A_493 : i32 to index
      %swap3A_632 = arith.constant 112 : index
      %swap3A_633 = tpu.vector_load %arg13[%swap3A_630, %swap3A_631, %swap3A_632] {strides = array<i32>} : memref<2x40x128xf32, #tpu.memory_space<vmem>>, vector<1x1x16xf32>,
      %swap3A_634 = vector.shape_cast %swap3A_633 : vector<1x1x16xf32> to vector<16xf32>
      %swap3A_635 = vector.shape_cast %broadcast_in_dim3A_628 : vector<16xf32> to vector<1x1x16xf32>
      tpu.vector_store %arg13[%swap3A_630, %swap3A_631, %swap3A_632], %swap3A_635 {strides = array<i32>} : memref<2x40x128xf32, #tpu.memory_space<vmem>>, vector<1x1x16xf32>,
    }
    %scan3A_5 = arith.constant 40 : i32
    %mul3A_6 = arith.constant 632 : i32
    %mul3A_7 = arith.muli %arg1, %mul3A_6 : i32
    %add3A_8 = arith.constant 600 : i32
    %add3A_9 = arith.addi %mul3A_7, %add3A_8 : i32
    %add3A_10 = arith.constant 0 : i32
    %add3A_11 = arith.addi %mul3A_7, %add3A_10 : i32
    %dma_start3A = arith.constant 0 : i32
    %dma_start3A_12 = arith.constant 0 : i32
    %dma_start3A_13 = arith.constant 0 : i32
    %dma_start3A_14 = tpu.memref_slice %arg13[%dma_start3A, %dma_start3A_12, %dma_start3A_13] : memref<2x40x128xf32, #tpu.memory_space<vmem>> -> memref<1x40x128xf32, #tpu.memory_space<vmem>>
    %dma_start3A_15 = tpu.memref_squeeze %dma_start3A_14 : memref<1x40x128xf32, #tpu.memory_space<vmem>> -> memref<40x128xf32, #tpu.memory_space<vmem>>
    %dma_start3A_16 = arith.constant 0 : i32
    %dma_start3A_17 = tpu.memref_slice %arg14[%add3A_11, %dma_start3A_16] : memref<10112x128xf32, #tpu.memory_space<vmem_shared>> -> memref<40x128xf32, #tpu.memory_space<vmem_shared>>
    %dma_start3A_18 = arith.constant 0 : i32
    %dma_start3A_19 = tpu.memref_slice %arg14[%add3A_11, %dma_start3A_18] : memref<10112x128xf32, #tpu.memory_space<vmem_shared>> -> memref<40x128xf32, #tpu.memory_space<vmem_shared>>
    %dma_start3A_20 = arith.constant 0 : i32
    %dma_start3A_21 = arith.constant 0 : i32
    %dma_start3A_22 = tpu.memref_slice %arg13[%dma_start3A, %dma_start3A_20, %dma_start3A_21] : memref<2x40x128xf32, #tpu.memory_space<vmem>> -> memref<1x40x128xf32, #tpu.memory_space<vmem>>
    %dma_start3A_23 = tpu.memref_squeeze %dma_start3A_22 : memref<1x40x128xf32, #tpu.memory_space<vmem>> -> memref<40x128xf32, #tpu.memory_space<vmem>>
    tpu.enqueue_dma source(%dma_start3A_23 : memref<40x128xf32, #tpu.memory_space<vmem>>) target(%dma_start3A_19 : memref<40x128xf32, #tpu.memory_space<vmem_shared>>) target_semaphore(%arg19 : memref<!tpu.dma_semaphore, #tpu.memory_space<semaphore_mem>>)
    %add3A_24 = arith.constant 40 : i32
    %add3A_25 = arith.addi %mul3A_7, %add3A_24 : i32
    %dma_start3A_26 = arith.constant 1 : i32
    %dma_start3A_27 = arith.constant 0 : i32
    %dma_start3A_28 = arith.constant 0 : i32
    %dma_start3A_29 = tpu.memref_slice %arg13[%dma_start3A_26, %dma_start3A_27, %dma_start3A_28] : memref<2x40x128xf32, #tpu.memory_space<vmem>> -> memref<1x40x128xf32, #tpu.memory_space<vmem>>
    %dma_start3A_30 = tpu.memref_squeeze %dma_start3A_29 : memref<1x40x128xf32, #tpu.memory_space<vmem>> -> memref<40x128xf32, #tpu.memory_space<vmem>>
    %dma_start3A_31 = arith.constant 0 : i32
    %dma_start3A_32 = tpu.memref_slice %arg14[%add3A_25, %dma_start3A_31] : memref<10112x128xf32, #tpu.memory_space<vmem_shared>> -> memref<40x128xf32, #tpu.memory_space<vmem_shared>>
    %dma_start3A_33 = arith.constant 0 : i32
    %dma_start3A_34 = tpu.memref_slice %arg14[%add3A_25, %dma_start3A_33] : memref<10112x128xf32, #tpu.memory_space<vmem_shared>> -> memref<40x128xf32, #tpu.memory_space<vmem_shared>>
    %dma_start3A_35 = arith.constant 0 : i32
    %dma_start3A_36 = arith.constant 0 : i32
    %dma_start3A_37 = tpu.memref_slice %arg13[%dma_start3A_26, %dma_start3A_35, %dma_start3A_36] : memref<2x40x128xf32, #tpu.memory_space<vmem>> -> memref<1x40x128xf32, #tpu.memory_space<vmem>>
    %dma_start3A_38 = tpu.memref_squeeze %dma_start3A_37 : memref<1x40x128xf32, #tpu.memory_space<vmem>> -> memref<40x128xf32, #tpu.memory_space<vmem>>
    tpu.enqueue_dma source(%dma_start3A_38 : memref<40x128xf32, #tpu.memory_space<vmem>>) target(%dma_start3A_34 : memref<40x128xf32, #tpu.memory_space<vmem_shared>>) target_semaphore(%arg19 : memref<!tpu.dma_semaphore, #tpu.memory_space<semaphore_mem>>)
    %add3A_39 = arith.constant 80 : i32
    %add3A_40 = arith.addi %mul3A_7, %add3A_39 : i32
    %dma_start3A_41 = arith.constant 0 : i32
    %dma_start3A_42 = arith.constant 0 : i32
    %dma_start3A_43 = arith.constant 0 : i32
    %dma_start3A_44 = tpu.memref_slice %arg13[%dma_start3A_41, %dma_start3A_42, %dma_start3A_43] : memref<2x40x128xf32, #tpu.memory_space<vmem>> -> memref<1x40x128xf32, #tpu.memory_space<vmem>>
    %dma_start3A_45 = tpu.memref_squeeze %dma_start3A_44 : memref<1x40x128xf32, #tpu.memory_space<vmem>> -> memref<40x128xf32, #tpu.memory_space<vmem>>
    %dma_start3A_46 = arith.constant 0 : i32
    %dma_start3A_47 = tpu.memref_slice %arg14[%add3A_40, %dma_start3A_46] : memref<10112x128xf32, #tpu.memory_space<vmem_shared>> -> memref<40x128xf32, #tpu.memory_space<vmem_shared>>
    %dma_start3A_48 = arith.constant 0 : i32
    %dma_start3A_49 = tpu.memref_slice %arg14[%add3A_40, %dma_start3A_48] : memref<10112x128xf32, #tpu.memory_space<vmem_shared>> -> memref<40x128xf32, #tpu.memory_space<vmem_shared>>
    %dma_start3A_50 = arith.constant 0 : i32
    %dma_start3A_51 = arith.constant 0 : i32
    %dma_start3A_52 = tpu.memref_slice %arg13[%dma_start3A_41, %dma_start3A_50, %dma_start3A_51] : memref<2x40x128xf32, #tpu.memory_space<vmem>> -> memref<1x40x128xf32, #tpu.memory_space<vmem>>
    %dma_start3A_53 = tpu.memref_squeeze %dma_start3A_52 : memref<1x40x128xf32, #tpu.memory_space<vmem>> -> memref<40x128xf32, #tpu.memory_space<vmem>>
    tpu.enqueue_dma source(%dma_start3A_53 : memref<40x128xf32, #tpu.memory_space<vmem>>) target(%dma_start3A_49 : memref<40x128xf32, #tpu.memory_space<vmem_shared>>) target_semaphore(%arg19 : memref<!tpu.dma_semaphore, #tpu.memory_space<semaphore_mem>>)
    %add3A_54 = arith.constant 120 : i32
    %add3A_55 = arith.addi %mul3A_7, %add3A_54 : i32
    %dma_start3A_56 = arith.constant 1 : i32
    %dma_start3A_57 = arith.constant 0 : i32
    %dma_start3A_58 = arith.constant 0 : i32
    %dma_start3A_59 = tpu.memref_slice %arg13[%dma_start3A_56, %dma_start3A_57, %dma_start3A_58] : memref<2x40x128xf32, #tpu.memory_space<vmem>> -> memref<1x40x128xf32, #tpu.memory_space<vmem>>
    %dma_start3A_60 = tpu.memref_squeeze %dma_start3A_59 : memref<1x40x128xf32, #tpu.memory_space<vmem>> -> memref<40x128xf32, #tpu.memory_space<vmem>>
    %dma_start3A_61 = arith.constant 0 : i32
    %dma_start3A_62 = tpu.memref_slice %arg14[%add3A_55, %dma_start3A_61] : memref<10112x128xf32, #tpu.memory_space<vmem_shared>> -> memref<40x128xf32, #tpu.memory_space<vmem_shared>>
    %dma_start3A_63 = arith.constant 0 : i32
    %dma_start3A_64 = tpu.memref_slice %arg14[%add3A_55, %dma_start3A_63] : memref<10112x128xf32, #tpu.memory_space<vmem_shared>> -> memref<40x128xf32, #tpu.memory_space<vmem_shared>>
    %dma_start3A_65 = arith.constant 0 : i32
    %dma_start3A_66 = arith.constant 0 : i32
    %dma_start3A_67 = tpu.memref_slice %arg13[%dma_start3A_56, %dma_start3A_65, %dma_start3A_66] : memref<2x40x128xf32, #tpu.memory_space<vmem>> -> memref<1x40x128xf32, #tpu.memory_space<vmem>>
    %dma_start3A_68 = tpu.memref_squeeze %dma_start3A_67 : memref<1x40x128xf32, #tpu.memory_space<vmem>> -> memref<40x128xf32, #tpu.memory_space<vmem>>
    tpu.enqueue_dma source(%dma_start3A_68 : memref<40x128xf32, #tpu.memory_space<vmem>>) target(%dma_start3A_64 : memref<40x128xf32, #tpu.memory_space<vmem_shared>>) target_semaphore(%arg19 : memref<!tpu.dma_semaphore, #tpu.memory_space<semaphore_mem>>)
    %add3A_69 = arith.constant 160 : i32
    %add3A_70 = arith.addi %mul3A_7, %add3A_69 : i32
    %dma_start3A_71 = arith.constant 0 : i32
    %dma_start3A_72 = arith.constant 0 : i32
    %dma_start3A_73 = arith.constant 0 : i32
    %dma_start3A_74 = tpu.memref_slice %arg13[%dma_start3A_71, %dma_start3A_72, %dma_start3A_73] : memref<2x40x128xf32, #tpu.memory_space<vmem>> -> memref<1x40x128xf32, #tpu.memory_space<vmem>>
    %dma_start3A_75 = tpu.memref_squeeze %dma_start3A_74 : memref<1x40x128xf32, #tpu.memory_space<vmem>> -> memref<40x128xf32, #tpu.memory_space<vmem>>
    %dma_start3A_76 = arith.constant 0 : i32
    %dma_start3A_77 = tpu.memref_slice %arg14[%add3A_70, %dma_start3A_76] : memref<10112x128xf32, #tpu.memory_space<vmem_shared>> -> memref<40x128xf32, #tpu.memory_space<vmem_shared>>
    %dma_start3A_78 = arith.constant 0 : i32
    %dma_start3A_79 = tpu.memref_slice %arg14[%add3A_70, %dma_start3A_78] : memref<10112x128xf32, #tpu.memory_space<vmem_shared>> -> memref<40x128xf32, #tpu.memory_space<vmem_shared>>
    %dma_start3A_80 = arith.constant 0 : i32
    %dma_start3A_81 = arith.constant 0 : i32
    %dma_start3A_82 = tpu.memref_slice %arg13[%dma_start3A_71, %dma_start3A_80, %dma_start3A_81] : memref<2x40x128xf32, #tpu.memory_space<vmem>> -> memref<1x40x128xf32, #tpu.memory_space<vmem>>
    %dma_start3A_83 = tpu.memref_squeeze %dma_start3A_82 : memref<1x40x128xf32, #tpu.memory_space<vmem>> -> memref<40x128xf32, #tpu.memory_space<vmem>>
    tpu.enqueue_dma source(%dma_start3A_83 : memref<40x128xf32, #tpu.memory_space<vmem>>) target(%dma_start3A_79 : memref<40x128xf32, #tpu.memory_space<vmem_shared>>) target_semaphore(%arg19 : memref<!tpu.dma_semaphore, #tpu.memory_space<semaphore_mem>>)
    %add3A_84 = arith.constant 200 : i32
    %add3A_85 = arith.addi %mul3A_7, %add3A_84 : i32
    %dma_start3A_86 = arith.constant 1 : i32
    %dma_start3A_87 = arith.constant 0 : i32
    %dma_start3A_88 = arith.constant 0 : i32
    %dma_start3A_89 = tpu.memref_slice %arg13[%dma_start3A_86, %dma_start3A_87, %dma_start3A_88] : memref<2x40x128xf32, #tpu.memory_space<vmem>> -> memref<1x40x128xf32, #tpu.memory_space<vmem>>
    %dma_start3A_90 = tpu.memref_squeeze %dma_start3A_89 : memref<1x40x128xf32, #tpu.memory_space<vmem>> -> memref<40x128xf32, #tpu.memory_space<vmem>>
    %dma_start3A_91 = arith.constant 0 : i32
    %dma_start3A_92 = tpu.memref_slice %arg14[%add3A_85, %dma_start3A_91] : memref<10112x128xf32, #tpu.memory_space<vmem_shared>> -> memref<40x128xf32, #tpu.memory_space<vmem_shared>>
    %dma_start3A_93 = arith.constant 0 : i32
    %dma_start3A_94 = tpu.memref_slice %arg14[%add3A_85, %dma_start3A_93] : memref<10112x128xf32, #tpu.memory_space<vmem_shared>> -> memref<40x128xf32, #tpu.memory_space<vmem_shared>>
    %dma_start3A_95 = arith.constant 0 : i32
    %dma_start3A_96 = arith.constant 0 : i32
    %dma_start3A_97 = tpu.memref_slice %arg13[%dma_start3A_86, %dma_start3A_95, %dma_start3A_96] : memref<2x40x128xf32, #tpu.memory_space<vmem>> -> memref<1x40x128xf32, #tpu.memory_space<vmem>>
    %dma_start3A_98 = tpu.memref_squeeze %dma_start3A_97 : memref<1x40x128xf32, #tpu.memory_space<vmem>> -> memref<40x128xf32, #tpu.memory_space<vmem>>
    tpu.enqueue_dma source(%dma_start3A_98 : memref<40x128xf32, #tpu.memory_space<vmem>>) target(%dma_start3A_94 : memref<40x128xf32, #tpu.memory_space<vmem_shared>>) target_semaphore(%arg19 : memref<!tpu.dma_semaphore, #tpu.memory_space<semaphore_mem>>)
    %add3A_99 = arith.constant 240 : i32
    %add3A_100 = arith.addi %mul3A_7, %add3A_99 : i32
    %dma_start3A_101 = arith.constant 0 : i32
    %dma_start3A_102 = arith.constant 0 : i32
    %dma_start3A_103 = arith.constant 0 : i32
    %dma_start3A_104 = tpu.memref_slice %arg13[%dma_start3A_101, %dma_start3A_102, %dma_start3A_103] : memref<2x40x128xf32, #tpu.memory_space<vmem>> -> memref<1x40x128xf32, #tpu.memory_space<vmem>>
    %dma_start3A_105 = tpu.memref_squeeze %dma_start3A_104 : memref<1x40x128xf32, #tpu.memory_space<vmem>> -> memref<40x128xf32, #tpu.memory_space<vmem>>
    %dma_start3A_106 = arith.constant 0 : i32
    %dma_start3A_107 = tpu.memref_slice %arg14[%add3A_100, %dma_start3A_106] : memref<10112x128xf32, #tpu.memory_space<vmem_shared>> -> memref<40x128xf32, #tpu.memory_space<vmem_shared>>
    %dma_start3A_108 = arith.constant 0 : i32
    %dma_start3A_109 = tpu.memref_slice %arg14[%add3A_100, %dma_start3A_108] : memref<10112x128xf32, #tpu.memory_space<vmem_shared>> -> memref<40x128xf32, #tpu.memory_space<vmem_shared>>
    %dma_start3A_110 = arith.constant 0 : i32
    %dma_start3A_111 = arith.constant 0 : i32
    %dma_start3A_112 = tpu.memref_slice %arg13[%dma_start3A_101, %dma_start3A_110, %dma_start3A_111] : memref<2x40x128xf32, #tpu.memory_space<vmem>> -> memref<1x40x128xf32, #tpu.memory_space<vmem>>
    %dma_start3A_113 = tpu.memref_squeeze %dma_start3A_112 : memref<1x40x128xf32, #tpu.memory_space<vmem>> -> memref<40x128xf32, #tpu.memory_space<vmem>>
    tpu.enqueue_dma source(%dma_start3A_113 : memref<40x128xf32, #tpu.memory_space<vmem>>) target(%dma_start3A_109 : memref<40x128xf32, #tpu.memory_space<vmem_shared>>) target_semaphore(%arg19 : memref<!tpu.dma_semaphore, #tpu.memory_space<semaphore_mem>>)
    %add3A_114 = arith.constant 280 : i32
    %add3A_115 = arith.addi %mul3A_7, %add3A_114 : i32
    %dma_start3A_116 = arith.constant 1 : i32
    %dma_start3A_117 = arith.constant 0 : i32
    %dma_start3A_118 = arith.constant 0 : i32
    %dma_start3A_119 = tpu.memref_slice %arg13[%dma_start3A_116, %dma_start3A_117, %dma_start3A_118] : memref<2x40x128xf32, #tpu.memory_space<vmem>> -> memref<1x40x128xf32, #tpu.memory_space<vmem>>
    %dma_start3A_120 = tpu.memref_squeeze %dma_start3A_119 : memref<1x40x128xf32, #tpu.memory_space<vmem>> -> memref<40x128xf32, #tpu.memory_space<vmem>>
    %dma_start3A_121 = arith.constant 0 : i32
    %dma_start3A_122 = tpu.memref_slice %arg14[%add3A_115, %dma_start3A_121] : memref<10112x128xf32, #tpu.memory_space<vmem_shared>> -> memref<40x128xf32, #tpu.memory_space<vmem_shared>>
    %dma_start3A_123 = arith.constant 0 : i32
    %dma_start3A_124 = tpu.memref_slice %arg14[%add3A_115, %dma_start3A_123] : memref<10112x128xf32, #tpu.memory_space<vmem_shared>> -> memref<40x128xf32, #tpu.memory_space<vmem_shared>>
    %dma_start3A_125 = arith.constant 0 : i32
    %dma_start3A_126 = arith.constant 0 : i32
    %dma_start3A_127 = tpu.memref_slice %arg13[%dma_start3A_116, %dma_start3A_125, %dma_start3A_126] : memref<2x40x128xf32, #tpu.memory_space<vmem>> -> memref<1x40x128xf32, #tpu.memory_space<vmem>>
    %dma_start3A_128 = tpu.memref_squeeze %dma_start3A_127 : memref<1x40x128xf32, #tpu.memory_space<vmem>> -> memref<40x128xf32, #tpu.memory_space<vmem>>
    tpu.enqueue_dma source(%dma_start3A_128 : memref<40x128xf32, #tpu.memory_space<vmem>>) target(%dma_start3A_124 : memref<40x128xf32, #tpu.memory_space<vmem_shared>>) target_semaphore(%arg19 : memref<!tpu.dma_semaphore, #tpu.memory_space<semaphore_mem>>)
    %add3A_129 = arith.constant 320 : i32
    %add3A_130 = arith.addi %mul3A_7, %add3A_129 : i32
    %dma_start3A_131 = arith.constant 0 : i32
    %dma_start3A_132 = arith.constant 0 : i32
    %dma_start3A_133 = arith.constant 0 : i32
    %dma_start3A_134 = tpu.memref_slice %arg13[%dma_start3A_131, %dma_start3A_132, %dma_start3A_133] : memref<2x40x128xf32, #tpu.memory_space<vmem>> -> memref<1x40x128xf32, #tpu.memory_space<vmem>>
    %dma_start3A_135 = tpu.memref_squeeze %dma_start3A_134 : memref<1x40x128xf32, #tpu.memory_space<vmem>> -> memref<40x128xf32, #tpu.memory_space<vmem>>
    %dma_start3A_136 = arith.constant 0 : i32
    %dma_start3A_137 = tpu.memref_slice %arg14[%add3A_130, %dma_start3A_136] : memref<10112x128xf32, #tpu.memory_space<vmem_shared>> -> memref<40x128xf32, #tpu.memory_space<vmem_shared>>
    %dma_start3A_138 = arith.constant 0 : i32
    %dma_start3A_139 = tpu.memref_slice %arg14[%add3A_130, %dma_start3A_138] : memref<10112x128xf32, #tpu.memory_space<vmem_shared>> -> memref<40x128xf32, #tpu.memory_space<vmem_shared>>
    %dma_start3A_140 = arith.constant 0 : i32
    %dma_start3A_141 = arith.constant 0 : i32
    %dma_start3A_142 = tpu.memref_slice %arg13[%dma_start3A_131, %dma_start3A_140, %dma_start3A_141] : memref<2x40x128xf32, #tpu.memory_space<vmem>> -> memref<1x40x128xf32, #tpu.memory_space<vmem>>
    %dma_start3A_143 = tpu.memref_squeeze %dma_start3A_142 : memref<1x40x128xf32, #tpu.memory_space<vmem>> -> memref<40x128xf32, #tpu.memory_space<vmem>>
    tpu.enqueue_dma source(%dma_start3A_143 : memref<40x128xf32, #tpu.memory_space<vmem>>) target(%dma_start3A_139 : memref<40x128xf32, #tpu.memory_space<vmem_shared>>) target_semaphore(%arg19 : memref<!tpu.dma_semaphore, #tpu.memory_space<semaphore_mem>>)
    %add3A_144 = arith.constant 360 : i32
    %add3A_145 = arith.addi %mul3A_7, %add3A_144 : i32
    %dma_start3A_146 = arith.constant 1 : i32
    %dma_start3A_147 = arith.constant 0 : i32
    %dma_start3A_148 = arith.constant 0 : i32
    %dma_start3A_149 = tpu.memref_slice %arg13[%dma_start3A_146, %dma_start3A_147, %dma_start3A_148] : memref<2x40x128xf32, #tpu.memory_space<vmem>> -> memref<1x40x128xf32, #tpu.memory_space<vmem>>
    %dma_start3A_150 = tpu.memref_squeeze %dma_start3A_149 : memref<1x40x128xf32, #tpu.memory_space<vmem>> -> memref<40x128xf32, #tpu.memory_space<vmem>>
    %dma_start3A_151 = arith.constant 0 : i32
    %dma_start3A_152 = tpu.memref_slice %arg14[%add3A_145, %dma_start3A_151] : memref<10112x128xf32, #tpu.memory_space<vmem_shared>> -> memref<40x128xf32, #tpu.memory_space<vmem_shared>>
    %dma_start3A_153 = arith.constant 0 : i32
    %dma_start3A_154 = tpu.memref_slice %arg14[%add3A_145, %dma_start3A_153] : memref<10112x128xf32, #tpu.memory_space<vmem_shared>> -> memref<40x128xf32, #tpu.memory_space<vmem_shared>>
    %dma_start3A_155 = arith.constant 0 : i32
    %dma_start3A_156 = arith.constant 0 : i32
    %dma_start3A_157 = tpu.memref_slice %arg13[%dma_start3A_146, %dma_start3A_155, %dma_start3A_156] : memref<2x40x128xf32, #tpu.memory_space<vmem>> -> memref<1x40x128xf32, #tpu.memory_space<vmem>>
    %dma_start3A_158 = tpu.memref_squeeze %dma_start3A_157 : memref<1x40x128xf32, #tpu.memory_space<vmem>> -> memref<40x128xf32, #tpu.memory_space<vmem>>
    tpu.enqueue_dma source(%dma_start3A_158 : memref<40x128xf32, #tpu.memory_space<vmem>>) target(%dma_start3A_154 : memref<40x128xf32, #tpu.memory_space<vmem_shared>>) target_semaphore(%arg19 : memref<!tpu.dma_semaphore, #tpu.memory_space<semaphore_mem>>)
    %add3A_159 = arith.constant 400 : i32
    %add3A_160 = arith.addi %mul3A_7, %add3A_159 : i32
    %dma_start3A_161 = arith.constant 0 : i32
    %dma_start3A_162 = arith.constant 0 : i32
    %dma_start3A_163 = arith.constant 0 : i32
    %dma_start3A_164 = tpu.memref_slice %arg13[%dma_start3A_161, %dma_start3A_162, %dma_start3A_163] : memref<2x40x128xf32, #tpu.memory_space<vmem>> -> memref<1x40x128xf32, #tpu.memory_space<vmem>>
    %dma_start3A_165 = tpu.memref_squeeze %dma_start3A_164 : memref<1x40x128xf32, #tpu.memory_space<vmem>> -> memref<40x128xf32, #tpu.memory_space<vmem>>
    %dma_start3A_166 = arith.constant 0 : i32
    %dma_start3A_167 = tpu.memref_slice %arg14[%add3A_160, %dma_start3A_166] : memref<10112x128xf32, #tpu.memory_space<vmem_shared>> -> memref<40x128xf32, #tpu.memory_space<vmem_shared>>
    %dma_start3A_168 = arith.constant 0 : i32
    %dma_start3A_169 = tpu.memref_slice %arg14[%add3A_160, %dma_start3A_168] : memref<10112x128xf32, #tpu.memory_space<vmem_shared>> -> memref<40x128xf32, #tpu.memory_space<vmem_shared>>
    %dma_start3A_170 = arith.constant 0 : i32
    %dma_start3A_171 = arith.constant 0 : i32
    %dma_start3A_172 = tpu.memref_slice %arg13[%dma_start3A_161, %dma_start3A_170, %dma_start3A_171] : memref<2x40x128xf32, #tpu.memory_space<vmem>> -> memref<1x40x128xf32, #tpu.memory_space<vmem>>
    %dma_start3A_173 = tpu.memref_squeeze %dma_start3A_172 : memref<1x40x128xf32, #tpu.memory_space<vmem>> -> memref<40x128xf32, #tpu.memory_space<vmem>>
    tpu.enqueue_dma source(%dma_start3A_173 : memref<40x128xf32, #tpu.memory_space<vmem>>) target(%dma_start3A_169 : memref<40x128xf32, #tpu.memory_space<vmem_shared>>) target_semaphore(%arg19 : memref<!tpu.dma_semaphore, #tpu.memory_space<semaphore_mem>>)
    %add3A_174 = arith.constant 440 : i32
    %add3A_175 = arith.addi %mul3A_7, %add3A_174 : i32
    %dma_start3A_176 = arith.constant 1 : i32
    %dma_start3A_177 = arith.constant 0 : i32
    %dma_start3A_178 = arith.constant 0 : i32
    %dma_start3A_179 = tpu.memref_slice %arg13[%dma_start3A_176, %dma_start3A_177, %dma_start3A_178] : memref<2x40x128xf32, #tpu.memory_space<vmem>> -> memref<1x40x128xf32, #tpu.memory_space<vmem>>
    %dma_start3A_180 = tpu.memref_squeeze %dma_start3A_179 : memref<1x40x128xf32, #tpu.memory_space<vmem>> -> memref<40x128xf32, #tpu.memory_space<vmem>>
    %dma_start3A_181 = arith.constant 0 : i32
    %dma_start3A_182 = tpu.memref_slice %arg14[%add3A_175, %dma_start3A_181] : memref<10112x128xf32, #tpu.memory_space<vmem_shared>> -> memref<40x128xf32, #tpu.memory_space<vmem_shared>>
    %dma_start3A_183 = arith.constant 0 : i32
    %dma_start3A_184 = tpu.memref_slice %arg14[%add3A_175, %dma_start3A_183] : memref<10112x128xf32, #tpu.memory_space<vmem_shared>> -> memref<40x128xf32, #tpu.memory_space<vmem_shared>>
    %dma_start3A_185 = arith.constant 0 : i32
    %dma_start3A_186 = arith.constant 0 : i32
    %dma_start3A_187 = tpu.memref_slice %arg13[%dma_start3A_176, %dma_start3A_185, %dma_start3A_186] : memref<2x40x128xf32, #tpu.memory_space<vmem>> -> memref<1x40x128xf32, #tpu.memory_space<vmem>>
    %dma_start3A_188 = tpu.memref_squeeze %dma_start3A_187 : memref<1x40x128xf32, #tpu.memory_space<vmem>> -> memref<40x128xf32, #tpu.memory_space<vmem>>
    tpu.enqueue_dma source(%dma_start3A_188 : memref<40x128xf32, #tpu.memory_space<vmem>>) target(%dma_start3A_184 : memref<40x128xf32, #tpu.memory_space<vmem_shared>>) target_semaphore(%arg19 : memref<!tpu.dma_semaphore, #tpu.memory_space<semaphore_mem>>)
    %add3A_189 = arith.constant 480 : i32
    %add3A_190 = arith.addi %mul3A_7, %add3A_189 : i32
    %dma_start3A_191 = arith.constant 0 : i32
    %dma_start3A_192 = arith.constant 0 : i32
    %dma_start3A_193 = arith.constant 0 : i32
    %dma_start3A_194 = tpu.memref_slice %arg13[%dma_start3A_191, %dma_start3A_192, %dma_start3A_193] : memref<2x40x128xf32, #tpu.memory_space<vmem>> -> memref<1x40x128xf32, #tpu.memory_space<vmem>>
    %dma_start3A_195 = tpu.memref_squeeze %dma_start3A_194 : memref<1x40x128xf32, #tpu.memory_space<vmem>> -> memref<40x128xf32, #tpu.memory_space<vmem>>
    %dma_start3A_196 = arith.constant 0 : i32
    %dma_start3A_197 = tpu.memref_slice %arg14[%add3A_190, %dma_start3A_196] : memref<10112x128xf32, #tpu.memory_space<vmem_shared>> -> memref<40x128xf32, #tpu.memory_space<vmem_shared>>
    %dma_start3A_198 = arith.constant 0 : i32
    %dma_start3A_199 = tpu.memref_slice %arg14[%add3A_190, %dma_start3A_198] : memref<10112x128xf32, #tpu.memory_space<vmem_shared>> -> memref<40x128xf32, #tpu.memory_space<vmem_shared>>
    %dma_start3A_200 = arith.constant 0 : i32
    %dma_start3A_201 = arith.constant 0 : i32
    %dma_start3A_202 = tpu.memref_slice %arg13[%dma_start3A_191, %dma_start3A_200, %dma_start3A_201] : memref<2x40x128xf32, #tpu.memory_space<vmem>> -> memref<1x40x128xf32, #tpu.memory_space<vmem>>
    %dma_start3A_203 = tpu.memref_squeeze %dma_start3A_202 : memref<1x40x128xf32, #tpu.memory_space<vmem>> -> memref<40x128xf32, #tpu.memory_space<vmem>>
    tpu.enqueue_dma source(%dma_start3A_203 : memref<40x128xf32, #tpu.memory_space<vmem>>) target(%dma_start3A_199 : memref<40x128xf32, #tpu.memory_space<vmem_shared>>) target_semaphore(%arg19 : memref<!tpu.dma_semaphore, #tpu.memory_space<semaphore_mem>>)
    %add3A_204 = arith.constant 520 : i32
    %add3A_205 = arith.addi %mul3A_7, %add3A_204 : i32
    %dma_start3A_206 = arith.constant 1 : i32
    %dma_start3A_207 = arith.constant 0 : i32
    %dma_start3A_208 = arith.constant 0 : i32
    %dma_start3A_209 = tpu.memref_slice %arg13[%dma_start3A_206, %dma_start3A_207, %dma_start3A_208] : memref<2x40x128xf32, #tpu.memory_space<vmem>> -> memref<1x40x128xf32, #tpu.memory_space<vmem>>
    %dma_start3A_210 = tpu.memref_squeeze %dma_start3A_209 : memref<1x40x128xf32, #tpu.memory_space<vmem>> -> memref<40x128xf32, #tpu.memory_space<vmem>>
    %dma_start3A_211 = arith.constant 0 : i32
    %dma_start3A_212 = tpu.memref_slice %arg14[%add3A_205, %dma_start3A_211] : memref<10112x128xf32, #tpu.memory_space<vmem_shared>> -> memref<40x128xf32, #tpu.memory_space<vmem_shared>>
    %dma_start3A_213 = arith.constant 0 : i32
    %dma_start3A_214 = tpu.memref_slice %arg14[%add3A_205, %dma_start3A_213] : memref<10112x128xf32, #tpu.memory_space<vmem_shared>> -> memref<40x128xf32, #tpu.memory_space<vmem_shared>>
    %dma_start3A_215 = arith.constant 0 : i32
    %dma_start3A_216 = arith.constant 0 : i32
    %dma_start3A_217 = tpu.memref_slice %arg13[%dma_start3A_206, %dma_start3A_215, %dma_start3A_216] : memref<2x40x128xf32, #tpu.memory_space<vmem>> -> memref<1x40x128xf32, #tpu.memory_space<vmem>>
    %dma_start3A_218 = tpu.memref_squeeze %dma_start3A_217 : memref<1x40x128xf32, #tpu.memory_space<vmem>> -> memref<40x128xf32, #tpu.memory_space<vmem>>
    tpu.enqueue_dma source(%dma_start3A_218 : memref<40x128xf32, #tpu.memory_space<vmem>>) target(%dma_start3A_214 : memref<40x128xf32, #tpu.memory_space<vmem_shared>>) target_semaphore(%arg19 : memref<!tpu.dma_semaphore, #tpu.memory_space<semaphore_mem>>)
    %add3A_219 = arith.constant 560 : i32
    %add3A_220 = arith.addi %mul3A_7, %add3A_219 : i32
    %dma_start3A_221 = arith.constant 0 : i32
    %dma_start3A_222 = arith.constant 0 : i32
    %dma_start3A_223 = arith.constant 0 : i32
    %dma_start3A_224 = tpu.memref_slice %arg13[%dma_start3A_221, %dma_start3A_222, %dma_start3A_223] : memref<2x40x128xf32, #tpu.memory_space<vmem>> -> memref<1x40x128xf32, #tpu.memory_space<vmem>>
    %dma_start3A_225 = tpu.memref_squeeze %dma_start3A_224 : memref<1x40x128xf32, #tpu.memory_space<vmem>> -> memref<40x128xf32, #tpu.memory_space<vmem>>
    %dma_start3A_226 = arith.constant 0 : i32
    %dma_start3A_227 = tpu.memref_slice %arg14[%add3A_220, %dma_start3A_226] : memref<10112x128xf32, #tpu.memory_space<vmem_shared>> -> memref<40x128xf32, #tpu.memory_space<vmem_shared>>
    %dma_start3A_228 = arith.constant 0 : i32
    %dma_start3A_229 = tpu.memref_slice %arg14[%add3A_220, %dma_start3A_228] : memref<10112x128xf32, #tpu.memory_space<vmem_shared>> -> memref<40x128xf32, #tpu.memory_space<vmem_shared>>
    %dma_start3A_230 = arith.constant 0 : i32
    %dma_start3A_231 = arith.constant 0 : i32
    %dma_start3A_232 = tpu.memref_slice %arg13[%dma_start3A_221, %dma_start3A_230, %dma_start3A_231] : memref<2x40x128xf32, #tpu.memory_space<vmem>> -> memref<1x40x128xf32, #tpu.memory_space<vmem>>
    %dma_start3A_233 = tpu.memref_squeeze %dma_start3A_232 : memref<1x40x128xf32, #tpu.memory_space<vmem>> -> memref<40x128xf32, #tpu.memory_space<vmem>>
    tpu.enqueue_dma source(%dma_start3A_233 : memref<40x128xf32, #tpu.memory_space<vmem>>) target(%dma_start3A_229 : memref<40x128xf32, #tpu.memory_space<vmem_shared>>) target_semaphore(%arg19 : memref<!tpu.dma_semaphore, #tpu.memory_space<semaphore_mem>>)
    %dma_start3A_234 = arith.constant 0 : i32
    %dma_start3A_235 = arith.constant 0 : i32
    %dma_start3A_236 = arith.constant 0 : i32
    %dma_start3A_237 = tpu.memref_slice %arg13[%dma_start3A_234, %dma_start3A_235, %dma_start3A_236] : memref<2x40x128xf32, #tpu.memory_space<vmem>> -> memref<1x32x128xf32, #tpu.memory_space<vmem>>
    %dma_start3A_238 = tpu.memref_squeeze %dma_start3A_237 : memref<1x32x128xf32, #tpu.memory_space<vmem>> -> memref<32x128xf32, #tpu.memory_space<vmem>>
    %dma_start3A_239 = arith.constant 0 : i32
    %dma_start3A_240 = tpu.memref_slice %arg14[%add3A_9, %dma_start3A_239] : memref<10112x128xf32, #tpu.memory_space<vmem_shared>> -> memref<32x128xf32, #tpu.memory_space<vmem_shared>>
    %dma_start3A_241 = arith.constant 0 : i32
    %dma_start3A_242 = tpu.memref_slice %arg14[%add3A_9, %dma_start3A_241] : memref<10112x128xf32, #tpu.memory_space<vmem_shared>> -> memref<32x128xf32, #tpu.memory_space<vmem_shared>>
    %dma_start3A_243 = arith.constant 0 : i32
    %dma_start3A_244 = arith.constant 0 : i32
    %dma_start3A_245 = tpu.memref_slice %arg13[%dma_start3A_234, %dma_start3A_243, %dma_start3A_244] : memref<2x40x128xf32, #tpu.memory_space<vmem>> -> memref<1x32x128xf32, #tpu.memory_space<vmem>>
    %dma_start3A_246 = tpu.memref_squeeze %dma_start3A_245 : memref<1x32x128xf32, #tpu.memory_space<vmem>> -> memref<32x128xf32, #tpu.memory_space<vmem>>
    tpu.enqueue_dma source(%dma_start3A_246 : memref<32x128xf32, #tpu.memory_space<vmem>>) target(%dma_start3A_242 : memref<32x128xf32, #tpu.memory_space<vmem_shared>>) target_semaphore(%arg19 : memref<!tpu.dma_semaphore, #tpu.memory_space<semaphore_mem>>)
    %add3A_247 = arith.constant 0 : i32
    %add3A_248 = arith.addi %mul3A_7, %add3A_247 : i32
    %dma_wait3A = arith.constant 0 : i32
    %dma_wait3A_249 = arith.constant 0 : i32
    %dma_wait3A_250 = arith.constant 0 : i32
    %dma_wait3A_251 = tpu.memref_slice %arg13[%dma_wait3A, %dma_wait3A_249, %dma_wait3A_250] : memref<2x40x128xf32, #tpu.memory_space<vmem>> -> memref<1x40x128xf32, #tpu.memory_space<vmem>>
    %dma_wait3A_252 = tpu.memref_squeeze %dma_wait3A_251 : memref<1x40x128xf32, #tpu.memory_space<vmem>> -> memref<40x128xf32, #tpu.memory_space<vmem>>
    %dma_wait3A_253 = arith.constant 0 : i32
    %dma_wait3A_254 = tpu.memref_slice %arg14[%add3A_248, %dma_wait3A_253] : memref<10112x128xf32, #tpu.memory_space<vmem_shared>> -> memref<40x128xf32, #tpu.memory_space<vmem_shared>>
    %dma_wait3A_255 = arith.constant 0 : i32
    %dma_wait3A_256 = tpu.memref_slice %arg14[%add3A_248, %dma_wait3A_255] : memref<10112x128xf32, #tpu.memory_space<vmem_shared>> -> memref<40x128xf32, #tpu.memory_space<vmem_shared>>
    %dma_wait3A_257 = arith.constant 0 : i32
    %dma_wait3A_258 = arith.constant 0 : i32
    %dma_wait3A_259 = tpu.memref_slice %arg13[%dma_wait3A, %dma_wait3A_257, %dma_wait3A_258] : memref<2x40x128xf32, #tpu.memory_space<vmem>> -> memref<1x40x128xf32, #tpu.memory_space<vmem>>
    %dma_wait3A_260 = tpu.memref_squeeze %dma_wait3A_259 : memref<1x40x128xf32, #tpu.memory_space<vmem>> -> memref<40x128xf32, #tpu.memory_space<vmem>>
    tpu.wait_dma2 semaphore(%arg19 : memref<!tpu.dma_semaphore, #tpu.memory_space<semaphore_mem>>) src(%dma_wait3A_260 : memref<40x128xf32, #tpu.memory_space<vmem>>) dst(%dma_wait3A_256 : memref<40x128xf32, #tpu.memory_space<vmem_shared>>)
    %add3A_261 = arith.constant 40 : i32
    %add3A_262 = arith.addi %mul3A_7, %add3A_261 : i32
    %dma_wait3A_263 = arith.constant 1 : i32
    %dma_wait3A_264 = arith.constant 0 : i32
    %dma_wait3A_265 = arith.constant 0 : i32
    %dma_wait3A_266 = tpu.memref_slice %arg13[%dma_wait3A_263, %dma_wait3A_264, %dma_wait3A_265] : memref<2x40x128xf32, #tpu.memory_space<vmem>> -> memref<1x40x128xf32, #tpu.memory_space<vmem>>
    %dma_wait3A_267 = tpu.memref_squeeze %dma_wait3A_266 : memref<1x40x128xf32, #tpu.memory_space<vmem>> -> memref<40x128xf32, #tpu.memory_space<vmem>>
    %dma_wait3A_268 = arith.constant 0 : i32
    %dma_wait3A_269 = tpu.memref_slice %arg14[%add3A_262, %dma_wait3A_268] : memref<10112x128xf32, #tpu.memory_space<vmem_shared>> -> memref<40x128xf32, #tpu.memory_space<vmem_shared>>
    %dma_wait3A_270 = arith.constant 0 : i32
    %dma_wait3A_271 = tpu.memref_slice %arg14[%add3A_262, %dma_wait3A_270] : memref<10112x128xf32, #tpu.memory_space<vmem_shared>> -> memref<40x128xf32, #tpu.memory_space<vmem_shared>>
    %dma_wait3A_272 = arith.constant 0 : i32
    %dma_wait3A_273 = arith.constant 0 : i32
    %dma_wait3A_274 = tpu.memref_slice %arg13[%dma_wait3A_263, %dma_wait3A_272, %dma_wait3A_273] : memref<2x40x128xf32, #tpu.memory_space<vmem>> -> memref<1x40x128xf32, #tpu.memory_space<vmem>>
    %dma_wait3A_275 = tpu.memref_squeeze %dma_wait3A_274 : memref<1x40x128xf32, #tpu.memory_space<vmem>> -> memref<40x128xf32, #tpu.memory_space<vmem>>
    tpu.wait_dma2 semaphore(%arg19 : memref<!tpu.dma_semaphore, #tpu.memory_space<semaphore_mem>>) src(%dma_wait3A_275 : memref<40x128xf32, #tpu.memory_space<vmem>>) dst(%dma_wait3A_271 : memref<40x128xf32, #tpu.memory_space<vmem_shared>>)
    %add3A_276 = arith.constant 80 : i32
    %add3A_277 = arith.addi %mul3A_7, %add3A_276 : i32
    %dma_wait3A_278 = arith.constant 0 : i32
    %dma_wait3A_279 = arith.constant 0 : i32
    %dma_wait3A_280 = arith.constant 0 : i32
    %dma_wait3A_281 = tpu.memref_slice %arg13[%dma_wait3A_278, %dma_wait3A_279, %dma_wait3A_280] : memref<2x40x128xf32, #tpu.memory_space<vmem>> -> memref<1x40x128xf32, #tpu.memory_space<vmem>>
    %dma_wait3A_282 = tpu.memref_squeeze %dma_wait3A_281 : memref<1x40x128xf32, #tpu.memory_space<vmem>> -> memref<40x128xf32, #tpu.memory_space<vmem>>
    %dma_wait3A_283 = arith.constant 0 : i32
    %dma_wait3A_284 = tpu.memref_slice %arg14[%add3A_277, %dma_wait3A_283] : memref<10112x128xf32, #tpu.memory_space<vmem_shared>> -> memref<40x128xf32, #tpu.memory_space<vmem_shared>>
    %dma_wait3A_285 = arith.constant 0 : i32
    %dma_wait3A_286 = tpu.memref_slice %arg14[%add3A_277, %dma_wait3A_285] : memref<10112x128xf32, #tpu.memory_space<vmem_shared>> -> memref<40x128xf32, #tpu.memory_space<vmem_shared>>
    %dma_wait3A_287 = arith.constant 0 : i32
    %dma_wait3A_288 = arith.constant 0 : i32
    %dma_wait3A_289 = tpu.memref_slice %arg13[%dma_wait3A_278, %dma_wait3A_287, %dma_wait3A_288] : memref<2x40x128xf32, #tpu.memory_space<vmem>> -> memref<1x40x128xf32, #tpu.memory_space<vmem>>
    %dma_wait3A_290 = tpu.memref_squeeze %dma_wait3A_289 : memref<1x40x128xf32, #tpu.memory_space<vmem>> -> memref<40x128xf32, #tpu.memory_space<vmem>>
    tpu.wait_dma2 semaphore(%arg19 : memref<!tpu.dma_semaphore, #tpu.memory_space<semaphore_mem>>) src(%dma_wait3A_290 : memref<40x128xf32, #tpu.memory_space<vmem>>) dst(%dma_wait3A_286 : memref<40x128xf32, #tpu.memory_space<vmem_shared>>)
    %add3A_291 = arith.constant 120 : i32
    %add3A_292 = arith.addi %mul3A_7, %add3A_291 : i32
    %dma_wait3A_293 = arith.constant 1 : i32
    %dma_wait3A_294 = arith.constant 0 : i32
    %dma_wait3A_295 = arith.constant 0 : i32
    %dma_wait3A_296 = tpu.memref_slice %arg13[%dma_wait3A_293, %dma_wait3A_294, %dma_wait3A_295] : memref<2x40x128xf32, #tpu.memory_space<vmem>> -> memref<1x40x128xf32, #tpu.memory_space<vmem>>
    %dma_wait3A_297 = tpu.memref_squeeze %dma_wait3A_296 : memref<1x40x128xf32, #tpu.memory_space<vmem>> -> memref<40x128xf32, #tpu.memory_space<vmem>>
    %dma_wait3A_298 = arith.constant 0 : i32
    %dma_wait3A_299 = tpu.memref_slice %arg14[%add3A_292, %dma_wait3A_298] : memref<10112x128xf32, #tpu.memory_space<vmem_shared>> -> memref<40x128xf32, #tpu.memory_space<vmem_shared>>
    %dma_wait3A_300 = arith.constant 0 : i32
    %dma_wait3A_301 = tpu.memref_slice %arg14[%add3A_292, %dma_wait3A_300] : memref<10112x128xf32, #tpu.memory_space<vmem_shared>> -> memref<40x128xf32, #tpu.memory_space<vmem_shared>>
    %dma_wait3A_302 = arith.constant 0 : i32
    %dma_wait3A_303 = arith.constant 0 : i32
    %dma_wait3A_304 = tpu.memref_slice %arg13[%dma_wait3A_293, %dma_wait3A_302, %dma_wait3A_303] : memref<2x40x128xf32, #tpu.memory_space<vmem>> -> memref<1x40x128xf32, #tpu.memory_space<vmem>>
    %dma_wait3A_305 = tpu.memref_squeeze %dma_wait3A_304 : memref<1x40x128xf32, #tpu.memory_space<vmem>> -> memref<40x128xf32, #tpu.memory_space<vmem>>
    tpu.wait_dma2 semaphore(%arg19 : memref<!tpu.dma_semaphore, #tpu.memory_space<semaphore_mem>>) src(%dma_wait3A_305 : memref<40x128xf32, #tpu.memory_space<vmem>>) dst(%dma_wait3A_301 : memref<40x128xf32, #tpu.memory_space<vmem_shared>>)
    %add3A_306 = arith.constant 160 : i32
    %add3A_307 = arith.addi %mul3A_7, %add3A_306 : i32
    %dma_wait3A_308 = arith.constant 0 : i32
    %dma_wait3A_309 = arith.constant 0 : i32
    %dma_wait3A_310 = arith.constant 0 : i32
    %dma_wait3A_311 = tpu.memref_slice %arg13[%dma_wait3A_308, %dma_wait3A_309, %dma_wait3A_310] : memref<2x40x128xf32, #tpu.memory_space<vmem>> -> memref<1x40x128xf32, #tpu.memory_space<vmem>>
    %dma_wait3A_312 = tpu.memref_squeeze %dma_wait3A_311 : memref<1x40x128xf32, #tpu.memory_space<vmem>> -> memref<40x128xf32, #tpu.memory_space<vmem>>
    %dma_wait3A_313 = arith.constant 0 : i32
    %dma_wait3A_314 = tpu.memref_slice %arg14[%add3A_307, %dma_wait3A_313] : memref<10112x128xf32, #tpu.memory_space<vmem_shared>> -> memref<40x128xf32, #tpu.memory_space<vmem_shared>>
    %dma_wait3A_315 = arith.constant 0 : i32
    %dma_wait3A_316 = tpu.memref_slice %arg14[%add3A_307, %dma_wait3A_315] : memref<10112x128xf32, #tpu.memory_space<vmem_shared>> -> memref<40x128xf32, #tpu.memory_space<vmem_shared>>
    %dma_wait3A_317 = arith.constant 0 : i32
    %dma_wait3A_318 = arith.constant 0 : i32
    %dma_wait3A_319 = tpu.memref_slice %arg13[%dma_wait3A_308, %dma_wait3A_317, %dma_wait3A_318] : memref<2x40x128xf32, #tpu.memory_space<vmem>> -> memref<1x40x128xf32, #tpu.memory_space<vmem>>
    %dma_wait3A_320 = tpu.memref_squeeze %dma_wait3A_319 : memref<1x40x128xf32, #tpu.memory_space<vmem>> -> memref<40x128xf32, #tpu.memory_space<vmem>>
    tpu.wait_dma2 semaphore(%arg19 : memref<!tpu.dma_semaphore, #tpu.memory_space<semaphore_mem>>) src(%dma_wait3A_320 : memref<40x128xf32, #tpu.memory_space<vmem>>) dst(%dma_wait3A_316 : memref<40x128xf32, #tpu.memory_space<vmem_shared>>)
    %add3A_321 = arith.constant 200 : i32
    %add3A_322 = arith.addi %mul3A_7, %add3A_321 : i32
    %dma_wait3A_323 = arith.constant 1 : i32
    %dma_wait3A_324 = arith.constant 0 : i32
    %dma_wait3A_325 = arith.constant 0 : i32
    %dma_wait3A_326 = tpu.memref_slice %arg13[%dma_wait3A_323, %dma_wait3A_324, %dma_wait3A_325] : memref<2x40x128xf32, #tpu.memory_space<vmem>> -> memref<1x40x128xf32, #tpu.memory_space<vmem>>
    %dma_wait3A_327 = tpu.memref_squeeze %dma_wait3A_326 : memref<1x40x128xf32, #tpu.memory_space<vmem>> -> memref<40x128xf32, #tpu.memory_space<vmem>>
    %dma_wait3A_328 = arith.constant 0 : i32
    %dma_wait3A_329 = tpu.memref_slice %arg14[%add3A_322, %dma_wait3A_328] : memref<10112x128xf32, #tpu.memory_space<vmem_shared>> -> memref<40x128xf32, #tpu.memory_space<vmem_shared>>
    %dma_wait3A_330 = arith.constant 0 : i32
    %dma_wait3A_331 = tpu.memref_slice %arg14[%add3A_322, %dma_wait3A_330] : memref<10112x128xf32, #tpu.memory_space<vmem_shared>> -> memref<40x128xf32, #tpu.memory_space<vmem_shared>>
    %dma_wait3A_332 = arith.constant 0 : i32
    %dma_wait3A_333 = arith.constant 0 : i32
    %dma_wait3A_334 = tpu.memref_slice %arg13[%dma_wait3A_323, %dma_wait3A_332, %dma_wait3A_333] : memref<2x40x128xf32, #tpu.memory_space<vmem>> -> memref<1x40x128xf32, #tpu.memory_space<vmem>>
    %dma_wait3A_335 = tpu.memref_squeeze %dma_wait3A_334 : memref<1x40x128xf32, #tpu.memory_space<vmem>> -> memref<40x128xf32, #tpu.memory_space<vmem>>
    tpu.wait_dma2 semaphore(%arg19 : memref<!tpu.dma_semaphore, #tpu.memory_space<semaphore_mem>>) src(%dma_wait3A_335 : memref<40x128xf32, #tpu.memory_space<vmem>>) dst(%dma_wait3A_331 : memref<40x128xf32, #tpu.memory_space<vmem_shared>>)
    %add3A_336 = arith.constant 240 : i32
    %add3A_337 = arith.addi %mul3A_7, %add3A_336 : i32
    %dma_wait3A_338 = arith.constant 0 : i32
    %dma_wait3A_339 = arith.constant 0 : i32
    %dma_wait3A_340 = arith.constant 0 : i32
    %dma_wait3A_341 = tpu.memref_slice %arg13[%dma_wait3A_338, %dma_wait3A_339, %dma_wait3A_340] : memref<2x40x128xf32, #tpu.memory_space<vmem>> -> memref<1x40x128xf32, #tpu.memory_space<vmem>>
    %dma_wait3A_342 = tpu.memref_squeeze %dma_wait3A_341 : memref<1x40x128xf32, #tpu.memory_space<vmem>> -> memref<40x128xf32, #tpu.memory_space<vmem>>
    %dma_wait3A_343 = arith.constant 0 : i32
    %dma_wait3A_344 = tpu.memref_slice %arg14[%add3A_337, %dma_wait3A_343] : memref<10112x128xf32, #tpu.memory_space<vmem_shared>> -> memref<40x128xf32, #tpu.memory_space<vmem_shared>>
    %dma_wait3A_345 = arith.constant 0 : i32
    %dma_wait3A_346 = tpu.memref_slice %arg14[%add3A_337, %dma_wait3A_345] : memref<10112x128xf32, #tpu.memory_space<vmem_shared>> -> memref<40x128xf32, #tpu.memory_space<vmem_shared>>
    %dma_wait3A_347 = arith.constant 0 : i32
    %dma_wait3A_348 = arith.constant 0 : i32
    %dma_wait3A_349 = tpu.memref_slice %arg13[%dma_wait3A_338, %dma_wait3A_347, %dma_wait3A_348] : memref<2x40x128xf32, #tpu.memory_space<vmem>> -> memref<1x40x128xf32, #tpu.memory_space<vmem>>
    %dma_wait3A_350 = tpu.memref_squeeze %dma_wait3A_349 : memref<1x40x128xf32, #tpu.memory_space<vmem>> -> memref<40x128xf32, #tpu.memory_space<vmem>>
    tpu.wait_dma2 semaphore(%arg19 : memref<!tpu.dma_semaphore, #tpu.memory_space<semaphore_mem>>) src(%dma_wait3A_350 : memref<40x128xf32, #tpu.memory_space<vmem>>) dst(%dma_wait3A_346 : memref<40x128xf32, #tpu.memory_space<vmem_shared>>)
    %add3A_351 = arith.constant 280 : i32
    %add3A_352 = arith.addi %mul3A_7, %add3A_351 : i32
    %dma_wait3A_353 = arith.constant 1 : i32
    %dma_wait3A_354 = arith.constant 0 : i32
    %dma_wait3A_355 = arith.constant 0 : i32
    %dma_wait3A_356 = tpu.memref_slice %arg13[%dma_wait3A_353, %dma_wait3A_354, %dma_wait3A_355] : memref<2x40x128xf32, #tpu.memory_space<vmem>> -> memref<1x40x128xf32, #tpu.memory_space<vmem>>
    %dma_wait3A_357 = tpu.memref_squeeze %dma_wait3A_356 : memref<1x40x128xf32, #tpu.memory_space<vmem>> -> memref<40x128xf32, #tpu.memory_space<vmem>>
    %dma_wait3A_358 = arith.constant 0 : i32
    %dma_wait3A_359 = tpu.memref_slice %arg14[%add3A_352, %dma_wait3A_358] : memref<10112x128xf32, #tpu.memory_space<vmem_shared>> -> memref<40x128xf32, #tpu.memory_space<vmem_shared>>
    %dma_wait3A_360 = arith.constant 0 : i32
    %dma_wait3A_361 = tpu.memref_slice %arg14[%add3A_352, %dma_wait3A_360] : memref<10112x128xf32, #tpu.memory_space<vmem_shared>> -> memref<40x128xf32, #tpu.memory_space<vmem_shared>>
    %dma_wait3A_362 = arith.constant 0 : i32
    %dma_wait3A_363 = arith.constant 0 : i32
    %dma_wait3A_364 = tpu.memref_slice %arg13[%dma_wait3A_353, %dma_wait3A_362, %dma_wait3A_363] : memref<2x40x128xf32, #tpu.memory_space<vmem>> -> memref<1x40x128xf32, #tpu.memory_space<vmem>>
    %dma_wait3A_365 = tpu.memref_squeeze %dma_wait3A_364 : memref<1x40x128xf32, #tpu.memory_space<vmem>> -> memref<40x128xf32, #tpu.memory_space<vmem>>
    tpu.wait_dma2 semaphore(%arg19 : memref<!tpu.dma_semaphore, #tpu.memory_space<semaphore_mem>>) src(%dma_wait3A_365 : memref<40x128xf32, #tpu.memory_space<vmem>>) dst(%dma_wait3A_361 : memref<40x128xf32, #tpu.memory_space<vmem_shared>>)
    %add3A_366 = arith.constant 320 : i32
    %add3A_367 = arith.addi %mul3A_7, %add3A_366 : i32
    %dma_wait3A_368 = arith.constant 0 : i32
    %dma_wait3A_369 = arith.constant 0 : i32
    %dma_wait3A_370 = arith.constant 0 : i32
    %dma_wait3A_371 = tpu.memref_slice %arg13[%dma_wait3A_368, %dma_wait3A_369, %dma_wait3A_370] : memref<2x40x128xf32, #tpu.memory_space<vmem>> -> memref<1x40x128xf32, #tpu.memory_space<vmem>>
    %dma_wait3A_372 = tpu.memref_squeeze %dma_wait3A_371 : memref<1x40x128xf32, #tpu.memory_space<vmem>> -> memref<40x128xf32, #tpu.memory_space<vmem>>
    %dma_wait3A_373 = arith.constant 0 : i32
    %dma_wait3A_374 = tpu.memref_slice %arg14[%add3A_367, %dma_wait3A_373] : memref<10112x128xf32, #tpu.memory_space<vmem_shared>> -> memref<40x128xf32, #tpu.memory_space<vmem_shared>>
    %dma_wait3A_375 = arith.constant 0 : i32
    %dma_wait3A_376 = tpu.memref_slice %arg14[%add3A_367, %dma_wait3A_375] : memref<10112x128xf32, #tpu.memory_space<vmem_shared>> -> memref<40x128xf32, #tpu.memory_space<vmem_shared>>
    %dma_wait3A_377 = arith.constant 0 : i32
    %dma_wait3A_378 = arith.constant 0 : i32
    %dma_wait3A_379 = tpu.memref_slice %arg13[%dma_wait3A_368, %dma_wait3A_377, %dma_wait3A_378] : memref<2x40x128xf32, #tpu.memory_space<vmem>> -> memref<1x40x128xf32, #tpu.memory_space<vmem>>
    %dma_wait3A_380 = tpu.memref_squeeze %dma_wait3A_379 : memref<1x40x128xf32, #tpu.memory_space<vmem>> -> memref<40x128xf32, #tpu.memory_space<vmem>>
    tpu.wait_dma2 semaphore(%arg19 : memref<!tpu.dma_semaphore, #tpu.memory_space<semaphore_mem>>) src(%dma_wait3A_380 : memref<40x128xf32, #tpu.memory_space<vmem>>) dst(%dma_wait3A_376 : memref<40x128xf32, #tpu.memory_space<vmem_shared>>)
    %add3A_381 = arith.constant 360 : i32
    %add3A_382 = arith.addi %mul3A_7, %add3A_381 : i32
    %dma_wait3A_383 = arith.constant 1 : i32
    %dma_wait3A_384 = arith.constant 0 : i32
    %dma_wait3A_385 = arith.constant 0 : i32
    %dma_wait3A_386 = tpu.memref_slice %arg13[%dma_wait3A_383, %dma_wait3A_384, %dma_wait3A_385] : memref<2x40x128xf32, #tpu.memory_space<vmem>> -> memref<1x40x128xf32, #tpu.memory_space<vmem>>
    %dma_wait3A_387 = tpu.memref_squeeze %dma_wait3A_386 : memref<1x40x128xf32, #tpu.memory_space<vmem>> -> memref<40x128xf32, #tpu.memory_space<vmem>>
    %dma_wait3A_388 = arith.constant 0 : i32
    %dma_wait3A_389 = tpu.memref_slice %arg14[%add3A_382, %dma_wait3A_388] : memref<10112x128xf32, #tpu.memory_space<vmem_shared>> -> memref<40x128xf32, #tpu.memory_space<vmem_shared>>
    %dma_wait3A_390 = arith.constant 0 : i32
    %dma_wait3A_391 = tpu.memref_slice %arg14[%add3A_382, %dma_wait3A_390] : memref<10112x128xf32, #tpu.memory_space<vmem_shared>> -> memref<40x128xf32, #tpu.memory_space<vmem_shared>>
    %dma_wait3A_392 = arith.constant 0 : i32
    %dma_wait3A_393 = arith.constant 0 : i32
    %dma_wait3A_394 = tpu.memref_slice %arg13[%dma_wait3A_383, %dma_wait3A_392, %dma_wait3A_393] : memref<2x40x128xf32, #tpu.memory_space<vmem>> -> memref<1x40x128xf32, #tpu.memory_space<vmem>>
    %dma_wait3A_395 = tpu.memref_squeeze %dma_wait3A_394 : memref<1x40x128xf32, #tpu.memory_space<vmem>> -> memref<40x128xf32, #tpu.memory_space<vmem>>
    tpu.wait_dma2 semaphore(%arg19 : memref<!tpu.dma_semaphore, #tpu.memory_space<semaphore_mem>>) src(%dma_wait3A_395 : memref<40x128xf32, #tpu.memory_space<vmem>>) dst(%dma_wait3A_391 : memref<40x128xf32, #tpu.memory_space<vmem_shared>>)
    %add3A_396 = arith.constant 400 : i32
    %add3A_397 = arith.addi %mul3A_7, %add3A_396 : i32
    %dma_wait3A_398 = arith.constant 0 : i32
    %dma_wait3A_399 = arith.constant 0 : i32
    %dma_wait3A_400 = arith.constant 0 : i32
    %dma_wait3A_401 = tpu.memref_slice %arg13[%dma_wait3A_398, %dma_wait3A_399, %dma_wait3A_400] : memref<2x40x128xf32, #tpu.memory_space<vmem>> -> memref<1x40x128xf32, #tpu.memory_space<vmem>>
    %dma_wait3A_402 = tpu.memref_squeeze %dma_wait3A_401 : memref<1x40x128xf32, #tpu.memory_space<vmem>> -> memref<40x128xf32, #tpu.memory_space<vmem>>
    %dma_wait3A_403 = arith.constant 0 : i32
    %dma_wait3A_404 = tpu.memref_slice %arg14[%add3A_397, %dma_wait3A_403] : memref<10112x128xf32, #tpu.memory_space<vmem_shared>> -> memref<40x128xf32, #tpu.memory_space<vmem_shared>>
    %dma_wait3A_405 = arith.constant 0 : i32
    %dma_wait3A_406 = tpu.memref_slice %arg14[%add3A_397, %dma_wait3A_405] : memref<10112x128xf32, #tpu.memory_space<vmem_shared>> -> memref<40x128xf32, #tpu.memory_space<vmem_shared>>
    %dma_wait3A_407 = arith.constant 0 : i32
    %dma_wait3A_408 = arith.constant 0 : i32
    %dma_wait3A_409 = tpu.memref_slice %arg13[%dma_wait3A_398, %dma_wait3A_407, %dma_wait3A_408] : memref<2x40x128xf32, #tpu.memory_space<vmem>> -> memref<1x40x128xf32, #tpu.memory_space<vmem>>
    %dma_wait3A_410 = tpu.memref_squeeze %dma_wait3A_409 : memref<1x40x128xf32, #tpu.memory_space<vmem>> -> memref<40x128xf32, #tpu.memory_space<vmem>>
    tpu.wait_dma2 semaphore(%arg19 : memref<!tpu.dma_semaphore, #tpu.memory_space<semaphore_mem>>) src(%dma_wait3A_410 : memref<40x128xf32, #tpu.memory_space<vmem>>) dst(%dma_wait3A_406 : memref<40x128xf32, #tpu.memory_space<vmem_shared>>)
    %add3A_411 = arith.constant 440 : i32
    %add3A_412 = arith.addi %mul3A_7, %add3A_411 : i32
    %dma_wait3A_413 = arith.constant 1 : i32
    %dma_wait3A_414 = arith.constant 0 : i32
    %dma_wait3A_415 = arith.constant 0 : i32
    %dma_wait3A_416 = tpu.memref_slice %arg13[%dma_wait3A_413, %dma_wait3A_414, %dma_wait3A_415] : memref<2x40x128xf32, #tpu.memory_space<vmem>> -> memref<1x40x128xf32, #tpu.memory_space<vmem>>
    %dma_wait3A_417 = tpu.memref_squeeze %dma_wait3A_416 : memref<1x40x128xf32, #tpu.memory_space<vmem>> -> memref<40x128xf32, #tpu.memory_space<vmem>>
    %dma_wait3A_418 = arith.constant 0 : i32
    %dma_wait3A_419 = tpu.memref_slice %arg14[%add3A_412, %dma_wait3A_418] : memref<10112x128xf32, #tpu.memory_space<vmem_shared>> -> memref<40x128xf32, #tpu.memory_space<vmem_shared>>
    %dma_wait3A_420 = arith.constant 0 : i32
    %dma_wait3A_421 = tpu.memref_slice %arg14[%add3A_412, %dma_wait3A_420] : memref<10112x128xf32, #tpu.memory_space<vmem_shared>> -> memref<40x128xf32, #tpu.memory_space<vmem_shared>>
    %dma_wait3A_422 = arith.constant 0 : i32
    %dma_wait3A_423 = arith.constant 0 : i32
    %dma_wait3A_424 = tpu.memref_slice %arg13[%dma_wait3A_413, %dma_wait3A_422, %dma_wait3A_423] : memref<2x40x128xf32, #tpu.memory_space<vmem>> -> memref<1x40x128xf32, #tpu.memory_space<vmem>>
    %dma_wait3A_425 = tpu.memref_squeeze %dma_wait3A_424 : memref<1x40x128xf32, #tpu.memory_space<vmem>> -> memref<40x128xf32, #tpu.memory_space<vmem>>
    tpu.wait_dma2 semaphore(%arg19 : memref<!tpu.dma_semaphore, #tpu.memory_space<semaphore_mem>>) src(%dma_wait3A_425 : memref<40x128xf32, #tpu.memory_space<vmem>>) dst(%dma_wait3A_421 : memref<40x128xf32, #tpu.memory_space<vmem_shared>>)
    %add3A_426 = arith.constant 480 : i32
    %add3A_427 = arith.addi %mul3A_7, %add3A_426 : i32
    %dma_wait3A_428 = arith.constant 0 : i32
    %dma_wait3A_429 = arith.constant 0 : i32
    %dma_wait3A_430 = arith.constant 0 : i32
    %dma_wait3A_431 = tpu.memref_slice %arg13[%dma_wait3A_428, %dma_wait3A_429, %dma_wait3A_430] : memref<2x40x128xf32, #tpu.memory_space<vmem>> -> memref<1x40x128xf32, #tpu.memory_space<vmem>>
    %dma_wait3A_432 = tpu.memref_squeeze %dma_wait3A_431 : memref<1x40x128xf32, #tpu.memory_space<vmem>> -> memref<40x128xf32, #tpu.memory_space<vmem>>
    %dma_wait3A_433 = arith.constant 0 : i32
    %dma_wait3A_434 = tpu.memref_slice %arg14[%add3A_427, %dma_wait3A_433] : memref<10112x128xf32, #tpu.memory_space<vmem_shared>> -> memref<40x128xf32, #tpu.memory_space<vmem_shared>>
    %dma_wait3A_435 = arith.constant 0 : i32
    %dma_wait3A_436 = tpu.memref_slice %arg14[%add3A_427, %dma_wait3A_435] : memref<10112x128xf32, #tpu.memory_space<vmem_shared>> -> memref<40x128xf32, #tpu.memory_space<vmem_shared>>
    %dma_wait3A_437 = arith.constant 0 : i32
    %dma_wait3A_438 = arith.constant 0 : i32
    %dma_wait3A_439 = tpu.memref_slice %arg13[%dma_wait3A_428, %dma_wait3A_437, %dma_wait3A_438] : memref<2x40x128xf32, #tpu.memory_space<vmem>> -> memref<1x40x128xf32, #tpu.memory_space<vmem>>
    %dma_wait3A_440 = tpu.memref_squeeze %dma_wait3A_439 : memref<1x40x128xf32, #tpu.memory_space<vmem>> -> memref<40x128xf32, #tpu.memory_space<vmem>>
    tpu.wait_dma2 semaphore(%arg19 : memref<!tpu.dma_semaphore, #tpu.memory_space<semaphore_mem>>) src(%dma_wait3A_440 : memref<40x128xf32, #tpu.memory_space<vmem>>) dst(%dma_wait3A_436 : memref<40x128xf32, #tpu.memory_space<vmem_shared>>)
    %add3A_441 = arith.constant 520 : i32
    %add3A_442 = arith.addi %mul3A_7, %add3A_441 : i32
    %dma_wait3A_443 = arith.constant 1 : i32
    %dma_wait3A_444 = arith.constant 0 : i32
    %dma_wait3A_445 = arith.constant 0 : i32
    %dma_wait3A_446 = tpu.memref_slice %arg13[%dma_wait3A_443, %dma_wait3A_444, %dma_wait3A_445] : memref<2x40x128xf32, #tpu.memory_space<vmem>> -> memref<1x40x128xf32, #tpu.memory_space<vmem>>
    %dma_wait3A_447 = tpu.memref_squeeze %dma_wait3A_446 : memref<1x40x128xf32, #tpu.memory_space<vmem>> -> memref<40x128xf32, #tpu.memory_space<vmem>>
    %dma_wait3A_448 = arith.constant 0 : i32
    %dma_wait3A_449 = tpu.memref_slice %arg14[%add3A_442, %dma_wait3A_448] : memref<10112x128xf32, #tpu.memory_space<vmem_shared>> -> memref<40x128xf32, #tpu.memory_space<vmem_shared>>
    %dma_wait3A_450 = arith.constant 0 : i32
    %dma_wait3A_451 = tpu.memref_slice %arg14[%add3A_442, %dma_wait3A_450] : memref<10112x128xf32, #tpu.memory_space<vmem_shared>> -> memref<40x128xf32, #tpu.memory_space<vmem_shared>>
    %dma_wait3A_452 = arith.constant 0 : i32
    %dma_wait3A_453 = arith.constant 0 : i32
    %dma_wait3A_454 = tpu.memref_slice %arg13[%dma_wait3A_443, %dma_wait3A_452, %dma_wait3A_453] : memref<2x40x128xf32, #tpu.memory_space<vmem>> -> memref<1x40x128xf32, #tpu.memory_space<vmem>>
    %dma_wait3A_455 = tpu.memref_squeeze %dma_wait3A_454 : memref<1x40x128xf32, #tpu.memory_space<vmem>> -> memref<40x128xf32, #tpu.memory_space<vmem>>
    tpu.wait_dma2 semaphore(%arg19 : memref<!tpu.dma_semaphore, #tpu.memory_space<semaphore_mem>>) src(%dma_wait3A_455 : memref<40x128xf32, #tpu.memory_space<vmem>>) dst(%dma_wait3A_451 : memref<40x128xf32, #tpu.memory_space<vmem_shared>>)
    %add3A_456 = arith.constant 560 : i32
    %add3A_457 = arith.addi %mul3A_7, %add3A_456 : i32
    %dma_wait3A_458 = arith.constant 0 : i32
    %dma_wait3A_459 = arith.constant 0 : i32
    %dma_wait3A_460 = arith.constant 0 : i32
    %dma_wait3A_461 = tpu.memref_slice %arg13[%dma_wait3A_458, %dma_wait3A_459, %dma_wait3A_460] : memref<2x40x128xf32, #tpu.memory_space<vmem>> -> memref<1x40x128xf32, #tpu.memory_space<vmem>>
    %dma_wait3A_462 = tpu.memref_squeeze %dma_wait3A_461 : memref<1x40x128xf32, #tpu.memory_space<vmem>> -> memref<40x128xf32, #tpu.memory_space<vmem>>
    %dma_wait3A_463 = arith.constant 0 : i32
    %dma_wait3A_464 = tpu.memref_slice %arg14[%add3A_457, %dma_wait3A_463] : memref<10112x128xf32, #tpu.memory_space<vmem_shared>> -> memref<40x128xf32, #tpu.memory_space<vmem_shared>>
    %dma_wait3A_465 = arith.constant 0 : i32
    %dma_wait3A_466 = tpu.memref_slice %arg14[%add3A_457, %dma_wait3A_465] : memref<10112x128xf32, #tpu.memory_space<vmem_shared>> -> memref<40x128xf32, #tpu.memory_space<vmem_shared>>
    %dma_wait3A_467 = arith.constant 0 : i32
    %dma_wait3A_468 = arith.constant 0 : i32
    %dma_wait3A_469 = tpu.memref_slice %arg13[%dma_wait3A_458, %dma_wait3A_467, %dma_wait3A_468] : memref<2x40x128xf32, #tpu.memory_space<vmem>> -> memref<1x40x128xf32, #tpu.memory_space<vmem>>
    %dma_wait3A_470 = tpu.memref_squeeze %dma_wait3A_469 : memref<1x40x128xf32, #tpu.memory_space<vmem>> -> memref<40x128xf32, #tpu.memory_space<vmem>>
    tpu.wait_dma2 semaphore(%arg19 : memref<!tpu.dma_semaphore, #tpu.memory_space<semaphore_mem>>) src(%dma_wait3A_470 : memref<40x128xf32, #tpu.memory_space<vmem>>) dst(%dma_wait3A_466 : memref<40x128xf32, #tpu.memory_space<vmem_shared>>)
    %dma_wait3A_471 = arith.constant 0 : i32
    %dma_wait3A_472 = arith.constant 0 : i32
    %dma_wait3A_473 = arith.constant 0 : i32
    %dma_wait3A_474 = tpu.memref_slice %arg13[%dma_wait3A_471, %dma_wait3A_472, %dma_wait3A_473] : memref<2x40x128xf32, #tpu.memory_space<vmem>> -> memref<1x32x128xf32, #tpu.memory_space<vmem>>
    %dma_wait3A_475 = tpu.memref_squeeze %dma_wait3A_474 : memref<1x32x128xf32, #tpu.memory_space<vmem>> -> memref<32x128xf32, #tpu.memory_space<vmem>>
    %dma_wait3A_476 = arith.constant 0 : i32
    %dma_wait3A_477 = tpu.memref_slice %arg14[%add3A_9, %dma_wait3A_476] : memref<10112x128xf32, #tpu.memory_space<vmem_shared>> -> memref<32x128xf32, #tpu.memory_space<vmem_shared>>
    %dma_wait3A_478 = arith.constant 0 : i32
    %dma_wait3A_479 = tpu.memref_slice %arg14[%add3A_9, %dma_wait3A_478] : memref<10112x128xf32, #tpu.memory_space<vmem_shared>> -> memref<32x128xf32, #tpu.memory_space<vmem_shared>>
    %dma_wait3A_480 = arith.constant 0 : i32
    %dma_wait3A_481 = arith.constant 0 : i32
    %dma_wait3A_482 = tpu.memref_slice %arg13[%dma_wait3A_471, %dma_wait3A_480, %dma_wait3A_481] : memref<2x40x128xf32, #tpu.memory_space<vmem>> -> memref<1x32x128xf32, #tpu.memory_space<vmem>>
    %dma_wait3A_483 = tpu.memref_squeeze %dma_wait3A_482 : memref<1x32x128xf32, #tpu.memory_space<vmem>> -> memref<32x128xf32, #tpu.memory_space<vmem>>
    tpu.wait_dma2 semaphore(%arg19 : memref<!tpu.dma_semaphore, #tpu.memory_space<semaphore_mem>>) src(%dma_wait3A_483 : memref<32x128xf32, #tpu.memory_space<vmem>>) dst(%dma_wait3A_479 : memref<32x128xf32, #tpu.memory_space<vmem_shared>>)
    %barrier3A = arith.constant 0 : index
    tpu.barrier barrier_id(%barrier3A)
    %mul3A_484 = arith.constant 10000 : i32
    %mul3A_485 = arith.muli %add3A, %mul3A_484 : i32
    %scan3A_486 = arith.constant 0 : i32
    %scan3A_487 = arith.constant 0 : i32
    %scan3A_488 = arith.constant 5 : i32
    %scan3A_489 = arith.addi %scan3A_487, %scan3A_488 : i32
    %scan3A_490 = arith.constant 1 : i32
    scf.for %scan3A_493 = %scan3A_487 to %scan3A_489 step %scan3A_490  : i32 {
      "tpu.region"() ({
        %run_scoped3A = tpu.sem_alloc : memref<!tpu.dma_semaphore, #tpu.memory_space<semaphore_mem>>
        %dma_start3A_599 = arith.constant 0 : i32
        %dma_start3A_600 = arith.constant 0 : i32
        %dma_start3A_601 = tpu.memref_slice %arg9[%dma_start3A_599, %dma_start3A_600] : memref<100x40xi32, #tpu.memory_space<vmem>> -> memref<50x40xi32, #tpu.memory_space<vmem>>
        %dma_start3A_602 = arith.constant 0 : i32
        %dma_start3A_603 = arith.constant 0 : i32
        %dma_start3A_604 = tpu.memref_slice %arg2[%add3A, %scan3A_493, %dma_start3A_602, %dma_start3A_603] : memref<32x5x50x40xi32, #tpu.memory_space<hbm>> -> memref<1x1x50x40xi32, #tpu.memory_space<hbm>>
        %dma_start3A_605 = tpu.memref_squeeze %dma_start3A_604 : memref<1x1x50x40xi32, #tpu.memory_space<hbm>> -> memref<50x40xi32, #tpu.memory_space<hbm>>
        %dma_start3A_606 = arith.constant 0 : i32
        %dma_start3A_607 = arith.constant 0 : i32
        %dma_start3A_608 = tpu.memref_slice %arg9[%dma_start3A_606, %dma_start3A_607] : memref<100x40xi32, #tpu.memory_space<vmem>> -> memref<50x40xi32, #tpu.memory_space<vmem>>
        %dma_start3A_609 = arith.constant 0 : i32
        %dma_start3A_610 = arith.constant 0 : i32
        %dma_start3A_611 = tpu.memref_slice %arg2[%add3A, %scan3A_493, %dma_start3A_609, %dma_start3A_610] : memref<32x5x50x40xi32, #tpu.memory_space<hbm>> -> memref<1x1x50x40xi32, #tpu.memory_space<hbm>>
        %dma_start3A_612 = tpu.memref_squeeze %dma_start3A_611 : memref<1x1x50x40xi32, #tpu.memory_space<hbm>> -> memref<50x40xi32, #tpu.memory_space<hbm>>
        tpu.enqueue_dma source(%dma_start3A_612 : memref<50x40xi32, #tpu.memory_space<hbm>>) target(%dma_start3A_608 : memref<50x40xi32, #tpu.memory_space<vmem>>) target_semaphore(%run_scoped3A : memref<!tpu.dma_semaphore, #tpu.memory_space<semaphore_mem>>)
        %dma_wait3A_613 = arith.constant 0 : i32
        %dma_wait3A_614 = arith.constant 0 : i32
        %dma_wait3A_615 = tpu.memref_slice %arg9[%dma_wait3A_613, %dma_wait3A_614] : memref<100x40xi32, #tpu.memory_space<vmem>> -> memref<50x40xi32, #tpu.memory_space<vmem>>
        %dma_wait3A_616 = arith.constant 0 : i32
        %dma_wait3A_617 = arith.constant 0 : i32
        %dma_wait3A_618 = tpu.memref_slice %arg2[%add3A, %scan3A_493, %dma_wait3A_616, %dma_wait3A_617] : memref<32x5x50x40xi32, #tpu.memory_space<hbm>> -> memref<1x1x50x40xi32, #tpu.memory_space<hbm>>
        %dma_wait3A_619 = tpu.memref_squeeze %dma_wait3A_618 : memref<1x1x50x40xi32, #tpu.memory_space<hbm>> -> memref<50x40xi32, #tpu.memory_space<hbm>>
        %dma_wait3A_620 = arith.constant 0 : i32
        %dma_wait3A_621 = arith.constant 0 : i32
        %dma_wait3A_622 = tpu.memref_slice %arg9[%dma_wait3A_620, %dma_wait3A_621] : memref<100x40xi32, #tpu.memory_space<vmem>> -> memref<50x40xi32, #tpu.memory_space<vmem>>
        %dma_wait3A_623 = arith.constant 0 : i32
        %dma_wait3A_624 = arith.constant 0 : i32
        %dma_wait3A_625 = tpu.memref_slice %arg2[%add3A, %scan3A_493, %dma_wait3A_623, %dma_wait3A_624] : memref<32x5x50x40xi32, #tpu.memory_space<hbm>> -> memref<1x1x50x40xi32, #tpu.memory_space<hbm>>
        %dma_wait3A_626 = tpu.memref_squeeze %dma_wait3A_625 : memref<1x1x50x40xi32, #tpu.memory_space<hbm>> -> memref<50x40xi32, #tpu.memory_space<hbm>>
        tpu.wait_dma2 semaphore(%run_scoped3A : memref<!tpu.dma_semaphore, #tpu.memory_space<semaphore_mem>>) src(%dma_wait3A_626 : memref<50x40xi32, #tpu.memory_space<hbm>>) dst(%dma_wait3A_622 : memref<50x40xi32, #tpu.memory_space<vmem>>)
        tpu.yield
      }) : () -> ()
      "tpu.region"() ({
        %run_scoped3A = tpu.sem_alloc : memref<!tpu.dma_semaphore, #tpu.memory_space<semaphore_mem>>
        %dma_start3A_599 = arith.constant 50 : i32
        %dma_start3A_600 = arith.constant 0 : i32
        %dma_start3A_601 = tpu.memref_slice %arg9[%dma_start3A_599, %dma_start3A_600] : memref<100x40xi32, #tpu.memory_space<vmem>> -> memref<50x40xi32, #tpu.memory_space<vmem>>
        %dma_start3A_602 = arith.constant 0 : i32
        %dma_start3A_603 = arith.constant 0 : i32
        %dma_start3A_604 = tpu.memref_slice %arg3[%add3A, %scan3A_493, %dma_start3A_602, %dma_start3A_603] : memref<32x5x50x40xi32, #tpu.memory_space<hbm>> -> memref<1x1x50x40xi32, #tpu.memory_space<hbm>>
        %dma_start3A_605 = tpu.memref_squeeze %dma_start3A_604 : memref<1x1x50x40xi32, #tpu.memory_space<hbm>> -> memref<50x40xi32, #tpu.memory_space<hbm>>
        %dma_start3A_606 = arith.constant 50 : i32
        %dma_start3A_607 = arith.constant 0 : i32
        %dma_start3A_608 = tpu.memref_slice %arg9[%dma_start3A_606, %dma_start3A_607] : memref<100x40xi32, #tpu.memory_space<vmem>> -> memref<50x40xi32, #tpu.memory_space<vmem>>
        %dma_start3A_609 = arith.constant 0 : i32
        %dma_start3A_610 = arith.constant 0 : i32
        %dma_start3A_611 = tpu.memref_slice %arg3[%add3A, %scan3A_493, %dma_start3A_609, %dma_start3A_610] : memref<32x5x50x40xi32, #tpu.memory_space<hbm>> -> memref<1x1x50x40xi32, #tpu.memory_space<hbm>>
        %dma_start3A_612 = tpu.memref_squeeze %dma_start3A_611 : memref<1x1x50x40xi32, #tpu.memory_space<hbm>> -> memref<50x40xi32, #tpu.memory_space<hbm>>
        tpu.enqueue_dma source(%dma_start3A_612 : memref<50x40xi32, #tpu.memory_space<hbm>>) target(%dma_start3A_608 : memref<50x40xi32, #tpu.memory_space<vmem>>) target_semaphore(%run_scoped3A : memref<!tpu.dma_semaphore, #tpu.memory_space<semaphore_mem>>)
        %dma_wait3A_613 = arith.constant 50 : i32
        %dma_wait3A_614 = arith.constant 0 : i32
        %dma_wait3A_615 = tpu.memref_slice %arg9[%dma_wait3A_613, %dma_wait3A_614] : memref<100x40xi32, #tpu.memory_space<vmem>> -> memref<50x40xi32, #tpu.memory_space<vmem>>
        %dma_wait3A_616 = arith.constant 0 : i32
        %dma_wait3A_617 = arith.constant 0 : i32
        %dma_wait3A_618 = tpu.memref_slice %arg3[%add3A, %scan3A_493, %dma_wait3A_616, %dma_wait3A_617] : memref<32x5x50x40xi32, #tpu.memory_space<hbm>> -> memref<1x1x50x40xi32, #tpu.memory_space<hbm>>
        %dma_wait3A_619 = tpu.memref_squeeze %dma_wait3A_618 : memref<1x1x50x40xi32, #tpu.memory_space<hbm>> -> memref<50x40xi32, #tpu.memory_space<hbm>>
        %dma_wait3A_620 = arith.constant 50 : i32
        %dma_wait3A_621 = arith.constant 0 : i32
        %dma_wait3A_622 = tpu.memref_slice %arg9[%dma_wait3A_620, %dma_wait3A_621] : memref<100x40xi32, #tpu.memory_space<vmem>> -> memref<50x40xi32, #tpu.memory_space<vmem>>
        %dma_wait3A_623 = arith.constant 0 : i32
        %dma_wait3A_624 = arith.constant 0 : i32
        %dma_wait3A_625 = tpu.memref_slice %arg3[%add3A, %scan3A_493, %dma_wait3A_623, %dma_wait3A_624] : memref<32x5x50x40xi32, #tpu.memory_space<hbm>> -> memref<1x1x50x40xi32, #tpu.memory_space<hbm>>
        %dma_wait3A_626 = tpu.memref_squeeze %dma_wait3A_625 : memref<1x1x50x40xi32, #tpu.memory_space<hbm>> -> memref<50x40xi32, #tpu.memory_space<hbm>>
        tpu.wait_dma2 semaphore(%run_scoped3A : memref<!tpu.dma_semaphore, #tpu.memory_space<semaphore_mem>>) src(%dma_wait3A_626 : memref<50x40xi32, #tpu.memory_space<hbm>>) dst(%dma_wait3A_622 : memref<50x40xi32, #tpu.memory_space<vmem>>)
        tpu.yield
      }) : () -> ()
      %dma_start3A_494 = arith.constant 0 : i32
      %dma_start3A_495 = arith.constant 0 : i32
      %dma_start3A_496 = arith.constant 0 : i32
      %dma_start3A_497 = arith.constant 0 : i32
      %dma_start3A_498 = tpu.memref_slice %arg10[%dma_start3A_495, %dma_start3A_496, %dma_start3A_497] : memref<2x40x128xf32, #tpu.memory_space<vmem>> -> memref<1x40x128xf32, #tpu.memory_space<vmem>>
      %dma_start3A_499 = tpu.memref_squeeze %dma_start3A_498 : memref<1x40x128xf32, #tpu.memory_space<vmem>> -> memref<40x128xf32, #tpu.memory_space<vmem>>
      %dma_start3A_500 = arith.constant 0 : i32
      %dma_start3A_501 = tpu.memref_slice %arg9[%dma_start3A_494, %dma_start3A_500] : memref<100x40xi32, #tpu.memory_space<vmem>> -> memref<1x40xi32, #tpu.memory_space<vmem>>
      %dma_start3A_502 = tpu.memref_squeeze %dma_start3A_501 : memref<1x40xi32, #tpu.memory_space<vmem>> -> memref<40xi32, #tpu.memory_space<vmem>>
      %dma_start3A_503 = arith.constant 0 : i32
      %dma_start3A_504 = arith.constant 0 : i32
      %dma_start3A_505 = tpu.memref_slice %arg4[%dma_start3A_503, %dma_start3A_504] : memref<10000x128xf32, #tpu.memory_space<hbm>> -> memref<10000x128xf32, #tpu.memory_space<hbm>>
      tpu.enqueue_indirect_dma source(%dma_start3A_505 : memref<10000x128xf32, #tpu.memory_space<hbm>>) target(%dma_start3A_499 : memref<40x128xf32, #tpu.memory_space<vmem>>) offsets(%dma_start3A_502 : memref<40xi32, #tpu.memory_space<vmem>>) semaphore(%arg15 : memref<!tpu.dma_semaphore, #tpu.memory_space<semaphore_mem>>)
      %dma_start3A_506 = arith.constant 50 : i32
      %dma_start3A_507 = arith.constant 0 : i32
      %dma_start3A_508 = arith.constant 0 : i32
      %dma_start3A_509 = arith.constant 0 : i32
      %dma_start3A_510 = tpu.memref_slice %arg11[%dma_start3A_507, %dma_start3A_508, %dma_start3A_509] : memref<2x40x128xf32, #tpu.memory_space<vmem>> -> memref<1x40x128xf32, #tpu.memory_space<vmem>>
      %dma_start3A_511 = tpu.memref_squeeze %dma_start3A_510 : memref<1x40x128xf32, #tpu.memory_space<vmem>> -> memref<40x128xf32, #tpu.memory_space<vmem>>
      %dma_start3A_512 = arith.constant 0 : i32
      %dma_start3A_513 = tpu.memref_slice %arg9[%dma_start3A_506, %dma_start3A_512] : memref<100x40xi32, #tpu.memory_space<vmem>> -> memref<1x40xi32, #tpu.memory_space<vmem>>
      %dma_start3A_514 = tpu.memref_squeeze %dma_start3A_513 : memref<1x40xi32, #tpu.memory_space<vmem>> -> memref<40xi32, #tpu.memory_space<vmem>>
      %dma_start3A_515 = arith.constant 0 : i32
      %dma_start3A_516 = arith.constant 0 : i32
      %dma_start3A_517 = tpu.memref_slice %arg5[%dma_start3A_515, %dma_start3A_516] : memref<10000x128xf32, #tpu.memory_space<hbm>> -> memref<10000x128xf32, #tpu.memory_space<hbm>>
      tpu.enqueue_indirect_dma source(%dma_start3A_517 : memref<10000x128xf32, #tpu.memory_space<hbm>>) target(%dma_start3A_511 : memref<40x128xf32, #tpu.memory_space<vmem>>) offsets(%dma_start3A_514 : memref<40xi32, #tpu.memory_space<vmem>>) semaphore(%arg17 : memref<!tpu.dma_semaphore, #tpu.memory_space<semaphore_mem>>)
      %mul3A_518 = arith.constant 50 : i32
      %mul3A_519 = arith.muli %scan3A_493, %mul3A_518 : i32
      %mul3A_520 = arith.constant 40 : i32
      %mul3A_521 = arith.muli %mul3A_519, %mul3A_520 : i32
      %add3A_522 = arith.addi %mul3A_485, %mul3A_521 : i32
      %add3A_523 = arith.constant 0 : i32
      %add3A_524 = arith.addi %add3A_522, %add3A_523 : i32
      %dma_start3A_525 = arith.constant 0 : i32
      %dma_start3A_526 = tpu.memref_slice %arg6[%add3A_524, %dma_start3A_525] : memref<320000x128xi32, #tpu.memory_space<hbm>> -> memref<40x128xi32, #tpu.memory_space<hbm>>
      %dma_start3A_527 = arith.constant 0 : i32
      %dma_start3A_528 = tpu.memref_slice %arg6[%add3A_524, %dma_start3A_527] : memref<320000x128xi32, #tpu.memory_space<hbm>> -> memref<40x128xi32, #tpu.memory_space<hbm>>
      tpu.enqueue_dma source(%dma_start3A_528 : memref<40x128xi32, #tpu.memory_space<hbm>>) target(%arg12 : memref<40x128xi32, #tpu.memory_space<vmem>>) target_semaphore(%arg19 : memref<!tpu.dma_semaphore, #tpu.memory_space<semaphore_mem>>)
      %scan3A_529 = arith.constant 0 : i32
      %scan3A_530 = arith.constant 0 : i32
      %scan3A_531 = arith.constant 25 : i32
      %scan3A_532 = arith.addi %scan3A_530, %scan3A_531 : i32
      %scan3A_533 = arith.constant 1 : i32
      scf.for %scan3A_599 = %scan3A_530 to %scan3A_532 step %scan3A_533  : i32 {
        %mul3A_600 = arith.constant 2 : i32
        %mul3A_601 = arith.muli %mul3A_600, %scan3A_599 : i32
        %mul3A_602 = arith.constant 2 : i32
        %mul3A_603 = arith.muli %mul3A_602, %scan3A_599 : i32
        %add3A_604 = arith.constant 1 : i32
        %add3A_605 = arith.addi %mul3A_603, %add3A_604 : i32
        %add3A_606 = arith.constant 50 : i32
        %add3A_607 = arith.addi %add3A_606, %mul3A_601 : i32
        %dma_wait3A_608 = arith.constant 0 : i32
        %dma_wait3A_609 = arith.constant 0 : i32
        %dma_wait3A_610 = arith.constant 0 : i32
        %dma_wait3A_611 = tpu.memref_slice %arg10[%dma_wait3A_608, %dma_wait3A_609, %dma_wait3A_610] : memref<2x40x128xf32, #tpu.memory_space<vmem>> -> memref<1x40x128xf32, #tpu.memory_space<vmem>>
        %dma_wait3A_612 = tpu.memref_squeeze %dma_wait3A_611 : memref<1x40x128xf32, #tpu.memory_space<vmem>> -> memref<40x128xf32, #tpu.memory_space<vmem>>
        %dma_wait3A_613 = arith.constant 0 : i32
        %dma_wait3A_614 = tpu.memref_slice %arg9[%mul3A_601, %dma_wait3A_613] : memref<100x40xi32, #tpu.memory_space<vmem>> -> memref<1x40xi32, #tpu.memory_space<vmem>>
        %dma_wait3A_615 = tpu.memref_squeeze %dma_wait3A_614 : memref<1x40xi32, #tpu.memory_space<vmem>> -> memref<40xi32, #tpu.memory_space<vmem>>
        %dma_wait3A_616 = arith.constant 0 : i32
        %dma_wait3A_617 = arith.constant 0 : i32
        %dma_wait3A_618 = tpu.memref_slice %arg4[%dma_wait3A_616, %dma_wait3A_617] : memref<10000x128xf32, #tpu.memory_space<hbm>> -> memref<10000x128xf32, #tpu.memory_space<hbm>>
        tpu.wait_indirect_dma semaphore(%arg15 : memref<!tpu.dma_semaphore, #tpu.memory_space<semaphore_mem>>) src(%dma_wait3A_618 : memref<10000x128xf32, #tpu.memory_space<hbm>>) dst(%dma_wait3A_612 : memref<40x128xf32, #tpu.memory_space<vmem>>)
        %dma_wait3A_619 = arith.constant 0 : i32
        %dma_wait3A_620 = arith.constant 0 : i32
        %dma_wait3A_621 = arith.constant 0 : i32
        %dma_wait3A_622 = tpu.memref_slice %arg11[%dma_wait3A_619, %dma_wait3A_620, %dma_wait3A_621] : memref<2x40x128xf32, #tpu.memory_space<vmem>> -> memref<1x40x128xf32, #tpu.memory_space<vmem>>
        %dma_wait3A_623 = tpu.memref_squeeze %dma_wait3A_622 : memref<1x40x128xf32, #tpu.memory_space<vmem>> -> memref<40x128xf32, #tpu.memory_space<vmem>>
        %dma_wait3A_624 = arith.constant 0 : i32
        %dma_wait3A_625 = tpu.memref_slice %arg9[%add3A_607, %dma_wait3A_624] : memref<100x40xi32, #tpu.memory_space<vmem>> -> memref<1x40xi32, #tpu.memory_space<vmem>>
        %dma_wait3A_626 = tpu.memref_squeeze %dma_wait3A_625 : memref<1x40xi32, #tpu.memory_space<vmem>> -> memref<40xi32, #tpu.memory_space<vmem>>
        %dma_wait3A_627 = arith.constant 0 : i32
        %dma_wait3A_628 = arith.constant 0 : i32
        %dma_wait3A_629 = tpu.memref_slice %arg5[%dma_wait3A_627, %dma_wait3A_628] : memref<10000x128xf32, #tpu.memory_space<hbm>> -> memref<10000x128xf32, #tpu.memory_space<hbm>>
        tpu.wait_indirect_dma semaphore(%arg17 : memref<!tpu.dma_semaphore, #tpu.memory_space<semaphore_mem>>) src(%dma_wait3A_629 : memref<10000x128xf32, #tpu.memory_space<hbm>>) dst(%dma_wait3A_623 : memref<40x128xf32, #tpu.memory_space<vmem>>)
        %add3A_630 = arith.constant 50 : i32
        %add3A_631 = arith.addi %add3A_630, %add3A_605 : i32
        %dma_start3A_632 = arith.constant 1 : i32
        %dma_start3A_633 = arith.constant 0 : i32
        %dma_start3A_634 = arith.constant 0 : i32
        %dma_start3A_635 = tpu.memref_slice %arg10[%dma_start3A_632, %dma_start3A_633, %dma_start3A_634] : memref<2x40x128xf32, #tpu.memory_space<vmem>> -> memref<1x40x128xf32, #tpu.memory_space<vmem>>
        %dma_start3A_636 = tpu.memref_squeeze %dma_start3A_635 : memref<1x40x128xf32, #tpu.memory_space<vmem>> -> memref<40x128xf32, #tpu.memory_space<vmem>>
        %dma_start3A_637 = arith.constant 0 : i32
        %dma_start3A_638 = tpu.memref_slice %arg9[%add3A_605, %dma_start3A_637] : memref<100x40xi32, #tpu.memory_space<vmem>> -> memref<1x40xi32, #tpu.memory_space<vmem>>
        %dma_start3A_639 = tpu.memref_squeeze %dma_start3A_638 : memref<1x40xi32, #tpu.memory_space<vmem>> -> memref<40xi32, #tpu.memory_space<vmem>>
        %dma_start3A_640 = arith.constant 0 : i32
        %dma_start3A_641 = arith.constant 0 : i32
        %dma_start3A_642 = tpu.memref_slice %arg4[%dma_start3A_640, %dma_start3A_641] : memref<10000x128xf32, #tpu.memory_space<hbm>> -> memref<10000x128xf32, #tpu.memory_space<hbm>>
        tpu.enqueue_indirect_dma source(%dma_start3A_642 : memref<10000x128xf32, #tpu.memory_space<hbm>>) target(%dma_start3A_636 : memref<40x128xf32, #tpu.memory_space<vmem>>) offsets(%dma_start3A_639 : memref<40xi32, #tpu.memory_space<vmem>>) semaphore(%arg16 : memref<!tpu.dma_semaphore, #tpu.memory_space<semaphore_mem>>)
        %dma_start3A_643 = arith.constant 1 : i32
        %dma_start3A_644 = arith.constant 0 : i32
        %dma_start3A_645 = arith.constant 0 : i32
        %dma_start3A_646 = tpu.memref_slice %arg11[%dma_start3A_643, %dma_start3A_644, %dma_start3A_645] : memref<2x40x128xf32, #tpu.memory_space<vmem>> -> memref<1x40x128xf32, #tpu.memory_space<vmem>>
        %dma_start3A_647 = tpu.memref_squeeze %dma_start3A_646 : memref<1x40x128xf32, #tpu.memory_space<vmem>> -> memref<40x128xf32, #tpu.memory_space<vmem>>
        %dma_start3A_648 = arith.constant 0 : i32
        %dma_start3A_649 = tpu.memref_slice %arg9[%add3A_631, %dma_start3A_648] : memref<100x40xi32, #tpu.memory_space<vmem>> -> memref<1x40xi32, #tpu.memory_space<vmem>>
        %dma_start3A_650 = tpu.memref_squeeze %dma_start3A_649 : memref<1x40xi32, #tpu.memory_space<vmem>> -> memref<40xi32, #tpu.memory_space<vmem>>
        %dma_start3A_651 = arith.constant 0 : i32
        %dma_start3A_652 = arith.constant 0 : i32
        %dma_start3A_653 = tpu.memref_slice %arg5[%dma_start3A_651, %dma_start3A_652] : memref<10000x128xf32, #tpu.memory_space<hbm>> -> memref<10000x128xf32, #tpu.memory_space<hbm>>
        tpu.enqueue_indirect_dma source(%dma_start3A_653 : memref<10000x128xf32, #tpu.memory_space<hbm>>) target(%dma_start3A_647 : memref<40x128xf32, #tpu.memory_space<vmem>>) offsets(%dma_start3A_650 : memref<40xi32, #tpu.memory_space<vmem>>) semaphore(%arg18 : memref<!tpu.dma_semaphore, #tpu.memory_space<semaphore_mem>>)
        %mul3A_654 = arith.constant 50 : i32
        %mul3A_655 = arith.muli %scan3A_493, %mul3A_654 : i32
        %mul3A_656 = arith.constant 40 : i32
        %mul3A_657 = arith.muli %mul3A_655, %mul3A_656 : i32
        %add3A_658 = arith.addi %mul3A_485, %mul3A_657 : i32
        %mul3A_659 = arith.constant 40 : i32
        %mul3A_660 = arith.muli %mul3A_601, %mul3A_659 : i32
        %add3A_661 = arith.addi %add3A_658, %mul3A_660 : i32
        %dma_wait3A_662 = arith.constant 0 : i32
        %dma_wait3A_663 = tpu.memref_slice %arg6[%add3A_661, %dma_wait3A_662] : memref<320000x128xi32, #tpu.memory_space<hbm>> -> memref<40x128xi32, #tpu.memory_space<hbm>>
        %dma_wait3A_664 = arith.constant 0 : i32
        %dma_wait3A_665 = tpu.memref_slice %arg6[%add3A_661, %dma_wait3A_664] : memref<320000x128xi32, #tpu.memory_space<hbm>> -> memref<40x128xi32, #tpu.memory_space<hbm>>
        tpu.wait_dma2 semaphore(%arg19 : memref<!tpu.dma_semaphore, #tpu.memory_space<semaphore_mem>>) src(%dma_wait3A_665 : memref<40x128xi32, #tpu.memory_space<hbm>>) dst(%arg12 : memref<40x128xi32, #tpu.memory_space<vmem>>)
        %ge3A = arith.constant 1 : i32
        %ge3A_666 = arith.cmpi sge, %scan3A_599, %ge3A : i32
        %convert_element_type3A = arith.extui %ge3A_666 : i1 to i32
        %cond3A = arith.constant 0 : i32
        %cond3A_667 = arith.cmpi ne, %convert_element_type3A, %cond3A : i32
        scf.if %cond3A_667 {
          %sub3A = arith.constant 2 : i32
          %sub3A_810 = arith.subi %mul3A_601, %sub3A : i32
          %mul3A_811 = arith.constant 50 : i32
          %mul3A_812 = arith.muli %scan3A_493, %mul3A_811 : i32
          %mul3A_813 = arith.constant 40 : i32
          %mul3A_814 = arith.muli %mul3A_812, %mul3A_813 : i32
          %add3A_815 = arith.addi %mul3A_485, %mul3A_814 : i32
          %mul3A_816 = arith.constant 40 : i32
          %mul3A_817 = arith.muli %sub3A_810, %mul3A_816 : i32
          %add3A_818 = arith.addi %add3A_815, %mul3A_817 : i32
          %add3A_819 = arith.constant 50 : i32
          %add3A_820 = arith.addi %add3A_819, %sub3A_810 : i32
          %dma_wait3A_821 = arith.constant 0 : i32
          %dma_wait3A_822 = arith.constant 0 : i32
          %dma_wait3A_823 = arith.constant 0 : i32
          %dma_wait3A_824 = tpu.memref_slice %arg13[%dma_wait3A_821, %dma_wait3A_822, %dma_wait3A_823] : memref<2x40x128xf32, #tpu.memory_space<vmem>> -> memref<1x40x128xf32, #tpu.memory_space<vmem>>
          %dma_wait3A_825 = tpu.memref_squeeze %dma_wait3A_824 : memref<1x40x128xf32, #tpu.memory_space<vmem>> -> memref<40x128xf32, #tpu.memory_space<vmem>>
          %dma_wait3A_826 = arith.constant 0 : i32
          %dma_wait3A_827 = tpu.memref_slice %arg7[%add3A_818, %dma_wait3A_826] : memref<320000x128xf32, #tpu.memory_space<hbm>> -> memref<40x128xf32, #tpu.memory_space<hbm>>
          %dma_wait3A_828 = arith.constant 0 : i32
          %dma_wait3A_829 = tpu.memref_slice %arg7[%add3A_818, %dma_wait3A_828] : memref<320000x128xf32, #tpu.memory_space<hbm>> -> memref<40x128xf32, #tpu.memory_space<hbm>>
          %dma_wait3A_830 = arith.constant 0 : i32
          %dma_wait3A_831 = arith.constant 0 : i32
          %dma_wait3A_832 = tpu.memref_slice %arg13[%dma_wait3A_821, %dma_wait3A_830, %dma_wait3A_831] : memref<2x40x128xf32, #tpu.memory_space<vmem>> -> memref<1x40x128xf32, #tpu.memory_space<vmem>>
          %dma_wait3A_833 = tpu.memref_squeeze %dma_wait3A_832 : memref<1x40x128xf32, #tpu.memory_space<vmem>> -> memref<40x128xf32, #tpu.memory_space<vmem>>
          tpu.wait_dma2 semaphore(%arg20 : memref<!tpu.dma_semaphore, #tpu.memory_space<semaphore_mem>>) src(%dma_wait3A_833 : memref<40x128xf32, #tpu.memory_space<vmem>>) dst(%dma_wait3A_829 : memref<40x128xf32, #tpu.memory_space<hbm>>)
          %dma_wait3A_834 = arith.constant 0 : i32
          %dma_wait3A_835 = arith.constant 0 : i32
          %dma_wait3A_836 = arith.constant 0 : i32
          %dma_wait3A_837 = tpu.memref_slice %arg13[%dma_wait3A_834, %dma_wait3A_835, %dma_wait3A_836] : memref<2x40x128xf32, #tpu.memory_space<vmem>> -> memref<1x40x128xf32, #tpu.memory_space<vmem>>
          %dma_wait3A_838 = tpu.memref_squeeze %dma_wait3A_837 : memref<1x40x128xf32, #tpu.memory_space<vmem>> -> memref<40x128xf32, #tpu.memory_space<vmem>>
          %dma_wait3A_839 = arith.constant 0 : i32
          %dma_wait3A_840 = tpu.memref_slice %arg9[%add3A_820, %dma_wait3A_839] : memref<100x40xi32, #tpu.memory_space<vmem>> -> memref<1x40xi32, #tpu.memory_space<vmem>>
          %dma_wait3A_841 = tpu.memref_squeeze %dma_wait3A_840 : memref<1x40xi32, #tpu.memory_space<vmem>> -> memref<40xi32, #tpu.memory_space<vmem>>
          %dma_wait3A_842 = arith.constant 0 : i32
          %dma_wait3A_843 = arith.constant 0 : i32
          %dma_wait3A_844 = tpu.memref_slice %arg14[%dma_wait3A_842, %dma_wait3A_843] : memref<10112x128xf32, #tpu.memory_space<vmem_shared>> -> memref<10112x128xf32, #tpu.memory_space<vmem_shared>>
          tpu.wait_indirect_dma semaphore(%arg22 : memref<!tpu.dma_semaphore, #tpu.memory_space<semaphore_mem>>) src(%dma_wait3A_838 : memref<40x128xf32, #tpu.memory_space<vmem>>) dst(%dma_wait3A_844 : memref<10112x128xf32, #tpu.memory_space<vmem_shared>>)
        } else {
        }
        %scan3A_668 = arith.constant 0 : i32
        %scan3A_669 = arith.constant 0 : i32
        %scan3A_670 = arith.constant 40 : i32
        %scan3A_671 = arith.addi %scan3A_669, %scan3A_670 : i32
        %scan3A_672 = arith.constant 1 : i32
        scf.for %scan3A_810 = %scan3A_669 to %scan3A_671 step %scan3A_672  : i32 {
          %get3A = arith.constant 0 : i32
          %get3A_811 = arith.index_cast %get3A : i32 to index
          %get3A_812 = arith.index_cast %scan3A_810 : i32 to index
          %get3A_813 = arith.constant 0 : index
          %get3A_814 = tpu.vector_load %arg10[%get3A_811, %get3A_812, %get3A_813] {strides = array<i32>} : memref<2x40x128xf32, #tpu.memory_space<vmem>>, vector<1x1x16xf32>,
          %get3A_815 = vector.shape_cast %get3A_814 : vector<1x1x16xf32> to vector<16xf32>
          %get3A_816 = arith.constant 0 : i32
          %get3A_817 = arith.index_cast %get3A_816 : i32 to index
          %get3A_818 = arith.index_cast %scan3A_810 : i32 to index
          %get3A_819 = arith.constant 16 : index
          %get3A_820 = tpu.vector_load %arg10[%get3A_817, %get3A_818, %get3A_819] {strides = array<i32>} : memref<2x40x128xf32, #tpu.memory_space<vmem>>, vector<1x1x16xf32>,
          %get3A_821 = vector.shape_cast %get3A_820 : vector<1x1x16xf32> to vector<16xf32>
          %get3A_822 = arith.constant 0 : i32
          %get3A_823 = arith.index_cast %get3A_822 : i32 to index
          %get3A_824 = arith.index_cast %scan3A_810 : i32 to index
          %get3A_825 = arith.constant 0 : index
          %get3A_826 = tpu.vector_load %arg11[%get3A_823, %get3A_824, %get3A_825] {strides = array<i32>} : memref<2x40x128xf32, #tpu.memory_space<vmem>>, vector<1x1x16xf32>,
          %get3A_827 = vector.shape_cast %get3A_826 : vector<1x1x16xf32> to vector<16xf32>
          %get3A_828 = arith.constant 0 : i32
          %get3A_829 = arith.index_cast %get3A_828 : i32 to index
          %get3A_830 = arith.index_cast %scan3A_810 : i32 to index
          %get3A_831 = arith.constant 16 : index
          %get3A_832 = tpu.vector_load %arg11[%get3A_829, %get3A_830, %get3A_831] {strides = array<i32>} : memref<2x40x128xf32, #tpu.memory_space<vmem>>, vector<1x1x16xf32>,
          %get3A_833 = vector.shape_cast %get3A_832 : vector<1x1x16xf32> to vector<16xf32>
          %get3A_834 = arith.index_cast %scan3A_810 : i32 to index
          %get3A_835 = arith.constant 0 : index
          %get3A_836 = tpu.vector_load %arg12[%get3A_834, %get3A_835] {strides = array<i32>} : memref<40x128xi32, #tpu.memory_space<vmem>>, vector<1x16xi32>,
          %get3A_837 = vector.shape_cast %get3A_836 : vector<1x16xi32> to vector<16xi32>
          %shift_left3A = arith.constant 16 : i32
          %shift_left3A_838 = vector.broadcast %shift_left3A : i32 to vector<16xi32>
          %shift_left3A_839 = arith.shli %get3A_837, %shift_left3A_838 : vector<16xi32>
          %bitcast_convert_type3A = tpu.bitcast %shift_left3A_839 : vector<16xi32> -> vector<16xf32>
          %and3A = arith.constant -65536 : i32
          %and3A_840 = vector.broadcast %and3A : i32 to vector<16xi32>
          %and3A_841 = arith.andi %get3A_837, %and3A_840 : vector<16xi32>
          %bitcast_convert_type3A_842 = tpu.bitcast %and3A_841 : vector<16xi32> -> vector<16xf32>
          %get3A_843 = arith.index_cast %scan3A_810 : i32 to index
          %get3A_844 = arith.constant 64 : index
          %get3A_845 = tpu.vector_load %arg12[%get3A_843, %get3A_844] {strides = array<i32>} : memref<40x128xi32, #tpu.memory_space<vmem>>, vector<1x16xi32>,
          %get3A_846 = vector.shape_cast %get3A_845 : vector<1x16xi32> to vector<16xi32>
          %shift_left3A_847 = arith.constant 16 : i32
          %shift_left3A_848 = vector.broadcast %shift_left3A_847 : i32 to vector<16xi32>
          %shift_left3A_849 = arith.shli %get3A_846, %shift_left3A_848 : vector<16xi32>
          %bitcast_convert_type3A_850 = tpu.bitcast %shift_left3A_849 : vector<16xi32> -> vector<16xf32>
          %and3A_851 = arith.constant -65536 : i32
          %and3A_852 = vector.broadcast %and3A_851 : i32 to vector<16xi32>
          %and3A_853 = arith.andi %get3A_846, %and3A_852 : vector<16xi32>
          %bitcast_convert_type3A_854 = tpu.bitcast %and3A_853 : vector<16xi32> -> vector<16xf32>
          %broadcast_in_dim3A = arith.constant 0.000000e+00 : f32
          %broadcast_in_dim3A_855 = vector.broadcast %broadcast_in_dim3A : f32 to vector<16xf32>
          %add3A_856 = arith.addf %get3A_815, %get3A_827 : vector<16xf32>
          %add3A_857 = arith.addf %add3A_856, %bitcast_convert_type3A_850 : vector<16xf32>
          %max3A = arith.maximumf %add3A_857, %broadcast_in_dim3A_855 : vector<16xf32>
          %add3A_858 = arith.addf %bitcast_convert_type3A, %max3A : vector<16xf32>
          %swap3A = arith.constant 0 : i32
          %swap3A_859 = arith.index_cast %swap3A : i32 to index
          %swap3A_860 = arith.index_cast %scan3A_810 : i32 to index
          %swap3A_861 = arith.constant 0 : index
          %swap3A_862 = tpu.vector_load %arg13[%swap3A_859, %swap3A_860, %swap3A_861] {strides = array<i32>} : memref<2x40x128xf32, #tpu.memory_space<vmem>>, vector<1x1x16xf32>,
          %swap3A_863 = vector.shape_cast %swap3A_862 : vector<1x1x16xf32> to vector<16xf32>
          %swap3A_864 = vector.shape_cast %add3A_858 : vector<16xf32> to vector<1x1x16xf32>
          tpu.vector_store %arg13[%swap3A_859, %swap3A_860, %swap3A_861], %swap3A_864 {strides = array<i32>} : memref<2x40x128xf32, #tpu.memory_space<vmem>>, vector<1x1x16xf32>,
          %add3A_865 = arith.addf %get3A_821, %get3A_833 : vector<16xf32>
          %add3A_866 = arith.addf %add3A_865, %bitcast_convert_type3A_854 : vector<16xf32>
          %max3A_867 = arith.maximumf %add3A_866, %broadcast_in_dim3A_855 : vector<16xf32>
          %add3A_868 = arith.addf %bitcast_convert_type3A_842, %max3A_867 : vector<16xf32>
          %swap3A_869 = arith.constant 0 : i32
          %swap3A_870 = arith.index_cast %swap3A_869 : i32 to index
          %swap3A_871 = arith.index_cast %scan3A_810 : i32 to index
          %swap3A_872 = arith.constant 16 : index
          %swap3A_873 = tpu.vector_load %arg13[%swap3A_870, %swap3A_871, %swap3A_872] {strides = array<i32>} : memref<2x40x128xf32, #tpu.memory_space<vmem>>, vector<1x1x16xf32>,
          %swap3A_874 = vector.shape_cast %swap3A_873 : vector<1x1x16xf32> to vector<16xf32>
          %swap3A_875 = vector.shape_cast %add3A_868 : vector<16xf32> to vector<1x1x16xf32>
          tpu.vector_store %arg13[%swap3A_870, %swap3A_871, %swap3A_872], %swap3A_875 {strides = array<i32>} : memref<2x40x128xf32, #tpu.memory_space<vmem>>, vector<1x1x16xf32>,
          %get3A_876 = arith.constant 0 : i32
          %get3A_877 = arith.index_cast %get3A_876 : i32 to index
          %get3A_878 = arith.index_cast %scan3A_810 : i32 to index
          %get3A_879 = arith.constant 32 : index
          %get3A_880 = tpu.vector_load %arg10[%get3A_877, %get3A_878, %get3A_879] {strides = array<i32>} : memref<2x40x128xf32, #tpu.memory_space<vmem>>, vector<1x1x16xf32>,
          %get3A_881 = vector.shape_cast %get3A_880 : vector<1x1x16xf32> to vector<16xf32>
          %get3A_882 = arith.constant 0 : i32
          %get3A_883 = arith.index_cast %get3A_882 : i32 to index
          %get3A_884 = arith.index_cast %scan3A_810 : i32 to index
          %get3A_885 = arith.constant 48 : index
          %get3A_886 = tpu.vector_load %arg10[%get3A_883, %get3A_884, %get3A_885] {strides = array<i32>} : memref<2x40x128xf32, #tpu.memory_space<vmem>>, vector<1x1x16xf32>,
          %get3A_887 = vector.shape_cast %get3A_886 : vector<1x1x16xf32> to vector<16xf32>
          %get3A_888 = arith.constant 0 : i32
          %get3A_889 = arith.index_cast %get3A_888 : i32 to index
          %get3A_890 = arith.index_cast %scan3A_810 : i32 to index
          %get3A_891 = arith.constant 32 : index
          %get3A_892 = tpu.vector_load %arg11[%get3A_889, %get3A_890, %get3A_891] {strides = array<i32>} : memref<2x40x128xf32, #tpu.memory_space<vmem>>, vector<1x1x16xf32>,
          %get3A_893 = vector.shape_cast %get3A_892 : vector<1x1x16xf32> to vector<16xf32>
          %get3A_894 = arith.constant 0 : i32
          %get3A_895 = arith.index_cast %get3A_894 : i32 to index
          %get3A_896 = arith.index_cast %scan3A_810 : i32 to index
          %get3A_897 = arith.constant 48 : index
          %get3A_898 = tpu.vector_load %arg11[%get3A_895, %get3A_896, %get3A_897] {strides = array<i32>} : memref<2x40x128xf32, #tpu.memory_space<vmem>>, vector<1x1x16xf32>,
          %get3A_899 = vector.shape_cast %get3A_898 : vector<1x1x16xf32> to vector<16xf32>
          %get3A_900 = arith.index_cast %scan3A_810 : i32 to index
          %get3A_901 = arith.constant 16 : index
          %get3A_902 = tpu.vector_load %arg12[%get3A_900, %get3A_901] {strides = array<i32>} : memref<40x128xi32, #tpu.memory_space<vmem>>, vector<1x16xi32>,
          %get3A_903 = vector.shape_cast %get3A_902 : vector<1x16xi32> to vector<16xi32>
          %shift_left3A_904 = arith.constant 16 : i32
          %shift_left3A_905 = vector.broadcast %shift_left3A_904 : i32 to vector<16xi32>
          %shift_left3A_906 = arith.shli %get3A_903, %shift_left3A_905 : vector<16xi32>
          %bitcast_convert_type3A_907 = tpu.bitcast %shift_left3A_906 : vector<16xi32> -> vector<16xf32>
          %and3A_908 = arith.constant -65536 : i32
          %and3A_909 = vector.broadcast %and3A_908 : i32 to vector<16xi32>
          %and3A_910 = arith.andi %get3A_903, %and3A_909 : vector<16xi32>
          %bitcast_convert_type3A_911 = tpu.bitcast %and3A_910 : vector<16xi32> -> vector<16xf32>
          %get3A_912 = arith.index_cast %scan3A_810 : i32 to index
          %get3A_913 = arith.constant 80 : index
          %get3A_914 = tpu.vector_load %arg12[%get3A_912, %get3A_913] {strides = array<i32>} : memref<40x128xi32, #tpu.memory_space<vmem>>, vector<1x16xi32>,
          %get3A_915 = vector.shape_cast %get3A_914 : vector<1x16xi32> to vector<16xi32>
          %shift_left3A_916 = arith.constant 16 : i32
          %shift_left3A_917 = vector.broadcast %shift_left3A_916 : i32 to vector<16xi32>
          %shift_left3A_918 = arith.shli %get3A_915, %shift_left3A_917 : vector<16xi32>
          %bitcast_convert_type3A_919 = tpu.bitcast %shift_left3A_918 : vector<16xi32> -> vector<16xf32>
          %and3A_920 = arith.constant -65536 : i32
          %and3A_921 = vector.broadcast %and3A_920 : i32 to vector<16xi32>
          %and3A_922 = arith.andi %get3A_915, %and3A_921 : vector<16xi32>
          %bitcast_convert_type3A_923 = tpu.bitcast %and3A_922 : vector<16xi32> -> vector<16xf32>
          %broadcast_in_dim3A_924 = arith.constant 0.000000e+00 : f32
          %broadcast_in_dim3A_925 = vector.broadcast %broadcast_in_dim3A_924 : f32 to vector<16xf32>
          %add3A_926 = arith.addf %get3A_881, %get3A_893 : vector<16xf32>
          %add3A_927 = arith.addf %add3A_926, %bitcast_convert_type3A_919 : vector<16xf32>
          %max3A_928 = arith.maximumf %add3A_927, %broadcast_in_dim3A_925 : vector<16xf32>
          %add3A_929 = arith.addf %bitcast_convert_type3A_907, %max3A_928 : vector<16xf32>
          %swap3A_930 = arith.constant 0 : i32
          %swap3A_931 = arith.index_cast %swap3A_930 : i32 to index
          %swap3A_932 = arith.index_cast %scan3A_810 : i32 to index
          %swap3A_933 = arith.constant 32 : index
          %swap3A_934 = tpu.vector_load %arg13[%swap3A_931, %swap3A_932, %swap3A_933] {strides = array<i32>} : memref<2x40x128xf32, #tpu.memory_space<vmem>>, vector<1x1x16xf32>,
          %swap3A_935 = vector.shape_cast %swap3A_934 : vector<1x1x16xf32> to vector<16xf32>
          %swap3A_936 = vector.shape_cast %add3A_929 : vector<16xf32> to vector<1x1x16xf32>
          tpu.vector_store %arg13[%swap3A_931, %swap3A_932, %swap3A_933], %swap3A_936 {strides = array<i32>} : memref<2x40x128xf32, #tpu.memory_space<vmem>>, vector<1x1x16xf32>,
          %add3A_937 = arith.addf %get3A_887, %get3A_899 : vector<16xf32>
          %add3A_938 = arith.addf %add3A_937, %bitcast_convert_type3A_923 : vector<16xf32>
          %max3A_939 = arith.maximumf %add3A_938, %broadcast_in_dim3A_925 : vector<16xf32>
          %add3A_940 = arith.addf %bitcast_convert_type3A_911, %max3A_939 : vector<16xf32>
          %swap3A_941 = arith.constant 0 : i32
          %swap3A_942 = arith.index_cast %swap3A_941 : i32 to index
          %swap3A_943 = arith.index_cast %scan3A_810 : i32 to index
          %swap3A_944 = arith.constant 48 : index
          %swap3A_945 = tpu.vector_load %arg13[%swap3A_942, %swap3A_943, %swap3A_944] {strides = array<i32>} : memref<2x40x128xf32, #tpu.memory_space<vmem>>, vector<1x1x16xf32>,
          %swap3A_946 = vector.shape_cast %swap3A_945 : vector<1x1x16xf32> to vector<16xf32>
          %swap3A_947 = vector.shape_cast %add3A_940 : vector<16xf32> to vector<1x1x16xf32>
          tpu.vector_store %arg13[%swap3A_942, %swap3A_943, %swap3A_944], %swap3A_947 {strides = array<i32>} : memref<2x40x128xf32, #tpu.memory_space<vmem>>, vector<1x1x16xf32>,
          %get3A_948 = arith.constant 0 : i32
          %get3A_949 = arith.index_cast %get3A_948 : i32 to index
          %get3A_950 = arith.index_cast %scan3A_810 : i32 to index
          %get3A_951 = arith.constant 64 : index
          %get3A_952 = tpu.vector_load %arg10[%get3A_949, %get3A_950, %get3A_951] {strides = array<i32>} : memref<2x40x128xf32, #tpu.memory_space<vmem>>, vector<1x1x16xf32>,
          %get3A_953 = vector.shape_cast %get3A_952 : vector<1x1x16xf32> to vector<16xf32>
          %get3A_954 = arith.constant 0 : i32
          %get3A_955 = arith.index_cast %get3A_954 : i32 to index
          %get3A_956 = arith.index_cast %scan3A_810 : i32 to index
          %get3A_957 = arith.constant 80 : index
          %get3A_958 = tpu.vector_load %arg10[%get3A_955, %get3A_956, %get3A_957] {strides = array<i32>} : memref<2x40x128xf32, #tpu.memory_space<vmem>>, vector<1x1x16xf32>,
          %get3A_959 = vector.shape_cast %get3A_958 : vector<1x1x16xf32> to vector<16xf32>
          %get3A_960 = arith.constant 0 : i32
          %get3A_961 = arith.index_cast %get3A_960 : i32 to index
          %get3A_962 = arith.index_cast %scan3A_810 : i32 to index
          %get3A_963 = arith.constant 64 : index
          %get3A_964 = tpu.vector_load %arg11[%get3A_961, %get3A_962, %get3A_963] {strides = array<i32>} : memref<2x40x128xf32, #tpu.memory_space<vmem>>, vector<1x1x16xf32>,
          %get3A_965 = vector.shape_cast %get3A_964 : vector<1x1x16xf32> to vector<16xf32>
          %get3A_966 = arith.constant 0 : i32
          %get3A_967 = arith.index_cast %get3A_966 : i32 to index
          %get3A_968 = arith.index_cast %scan3A_810 : i32 to index
          %get3A_969 = arith.constant 80 : index
          %get3A_970 = tpu.vector_load %arg11[%get3A_967, %get3A_968, %get3A_969] {strides = array<i32>} : memref<2x40x128xf32, #tpu.memory_space<vmem>>, vector<1x1x16xf32>,
          %get3A_971 = vector.shape_cast %get3A_970 : vector<1x1x16xf32> to vector<16xf32>
          %get3A_972 = arith.index_cast %scan3A_810 : i32 to index
          %get3A_973 = arith.constant 32 : index
          %get3A_974 = tpu.vector_load %arg12[%get3A_972, %get3A_973] {strides = array<i32>} : memref<40x128xi32, #tpu.memory_space<vmem>>, vector<1x16xi32>,
          %get3A_975 = vector.shape_cast %get3A_974 : vector<1x16xi32> to vector<16xi32>
          %shift_left3A_976 = arith.constant 16 : i32
          %shift_left3A_977 = vector.broadcast %shift_left3A_976 : i32 to vector<16xi32>
          %shift_left3A_978 = arith.shli %get3A_975, %shift_left3A_977 : vector<16xi32>
          %bitcast_convert_type3A_979 = tpu.bitcast %shift_left3A_978 : vector<16xi32> -> vector<16xf32>
          %and3A_980 = arith.constant -65536 : i32
          %and3A_981 = vector.broadcast %and3A_980 : i32 to vector<16xi32>
          %and3A_982 = arith.andi %get3A_975, %and3A_981 : vector<16xi32>
          %bitcast_convert_type3A_983 = tpu.bitcast %and3A_982 : vector<16xi32> -> vector<16xf32>
          %get3A_984 = arith.index_cast %scan3A_810 : i32 to index
          %get3A_985 = arith.constant 96 : index
          %get3A_986 = tpu.vector_load %arg12[%get3A_984, %get3A_985] {strides = array<i32>} : memref<40x128xi32, #tpu.memory_space<vmem>>, vector<1x16xi32>,
          %get3A_987 = vector.shape_cast %get3A_986 : vector<1x16xi32> to vector<16xi32>
          %shift_left3A_988 = arith.constant 16 : i32
          %shift_left3A_989 = vector.broadcast %shift_left3A_988 : i32 to vector<16xi32>
          %shift_left3A_990 = arith.shli %get3A_987, %shift_left3A_989 : vector<16xi32>
          %bitcast_convert_type3A_991 = tpu.bitcast %shift_left3A_990 : vector<16xi32> -> vector<16xf32>
          %and3A_992 = arith.constant -65536 : i32
          %and3A_993 = vector.broadcast %and3A_992 : i32 to vector<16xi32>
          %and3A_994 = arith.andi %get3A_987, %and3A_993 : vector<16xi32>
          %bitcast_convert_type3A_995 = tpu.bitcast %and3A_994 : vector<16xi32> -> vector<16xf32>
          %broadcast_in_dim3A_996 = arith.constant 0.000000e+00 : f32
          %broadcast_in_dim3A_997 = vector.broadcast %broadcast_in_dim3A_996 : f32 to vector<16xf32>
          %add3A_998 = arith.addf %get3A_953, %get3A_965 : vector<16xf32>
          %add3A_999 = arith.addf %add3A_998, %bitcast_convert_type3A_991 : vector<16xf32>
          %max3A_1000 = arith.maximumf %add3A_999, %broadcast_in_dim3A_997 : vector<16xf32>
          %add3A_1001 = arith.addf %bitcast_convert_type3A_979, %max3A_1000 : vector<16xf32>
          %swap3A_1002 = arith.constant 0 : i32
          %swap3A_1003 = arith.index_cast %swap3A_1002 : i32 to index
          %swap3A_1004 = arith.index_cast %scan3A_810 : i32 to index
          %swap3A_1005 = arith.constant 64 : index
          %swap3A_1006 = tpu.vector_load %arg13[%swap3A_1003, %swap3A_1004, %swap3A_1005] {strides = array<i32>} : memref<2x40x128xf32, #tpu.memory_space<vmem>>, vector<1x1x16xf32>,
          %swap3A_1007 = vector.shape_cast %swap3A_1006 : vector<1x1x16xf32> to vector<16xf32>
          %swap3A_1008 = vector.shape_cast %add3A_1001 : vector<16xf32> to vector<1x1x16xf32>
          tpu.vector_store %arg13[%swap3A_1003, %swap3A_1004, %swap3A_1005], %swap3A_1008 {strides = array<i32>} : memref<2x40x128xf32, #tpu.memory_space<vmem>>, vector<1x1x16xf32>,
          %add3A_1009 = arith.addf %get3A_959, %get3A_971 : vector<16xf32>
          %add3A_1010 = arith.addf %add3A_1009, %bitcast_convert_type3A_995 : vector<16xf32>
          %max3A_1011 = arith.maximumf %add3A_1010, %broadcast_in_dim3A_997 : vector<16xf32>
          %add3A_1012 = arith.addf %bitcast_convert_type3A_983, %max3A_1011 : vector<16xf32>
          %swap3A_1013 = arith.constant 0 : i32
          %swap3A_1014 = arith.index_cast %swap3A_1013 : i32 to index
          %swap3A_1015 = arith.index_cast %scan3A_810 : i32 to index
          %swap3A_1016 = arith.constant 80 : index
          %swap3A_1017 = tpu.vector_load %arg13[%swap3A_1014, %swap3A_1015, %swap3A_1016] {strides = array<i32>} : memref<2x40x128xf32, #tpu.memory_space<vmem>>, vector<1x1x16xf32>,
          %swap3A_1018 = vector.shape_cast %swap3A_1017 : vector<1x1x16xf32> to vector<16xf32>
          %swap3A_1019 = vector.shape_cast %add3A_1012 : vector<16xf32> to vector<1x1x16xf32>
          tpu.vector_store %arg13[%swap3A_1014, %swap3A_1015, %swap3A_1016], %swap3A_1019 {strides = array<i32>} : memref<2x40x128xf32, #tpu.memory_space<vmem>>, vector<1x1x16xf32>,
          %get3A_1020 = arith.constant 0 : i32
          %get3A_1021 = arith.index_cast %get3A_1020 : i32 to index
          %get3A_1022 = arith.index_cast %scan3A_810 : i32 to index
          %get3A_1023 = arith.constant 96 : index
          %get3A_1024 = tpu.vector_load %arg10[%get3A_1021, %get3A_1022, %get3A_1023] {strides = array<i32>} : memref<2x40x128xf32, #tpu.memory_space<vmem>>, vector<1x1x16xf32>,
          %get3A_1025 = vector.shape_cast %get3A_1024 : vector<1x1x16xf32> to vector<16xf32>
          %get3A_1026 = arith.constant 0 : i32
          %get3A_1027 = arith.index_cast %get3A_1026 : i32 to index
          %get3A_1028 = arith.index_cast %scan3A_810 : i32 to index
          %get3A_1029 = arith.constant 112 : index
          %get3A_1030 = tpu.vector_load %arg10[%get3A_1027, %get3A_1028, %get3A_1029] {strides = array<i32>} : memref<2x40x128xf32, #tpu.memory_space<vmem>>, vector<1x1x16xf32>,
          %get3A_1031 = vector.shape_cast %get3A_1030 : vector<1x1x16xf32> to vector<16xf32>
          %get3A_1032 = arith.constant 0 : i32
          %get3A_1033 = arith.index_cast %get3A_1032 : i32 to index
          %get3A_1034 = arith.index_cast %scan3A_810 : i32 to index
          %get3A_1035 = arith.constant 96 : index
          %get3A_1036 = tpu.vector_load %arg11[%get3A_1033, %get3A_1034, %get3A_1035] {strides = array<i32>} : memref<2x40x128xf32, #tpu.memory_space<vmem>>, vector<1x1x16xf32>,
          %get3A_1037 = vector.shape_cast %get3A_1036 : vector<1x1x16xf32> to vector<16xf32>
          %get3A_1038 = arith.constant 0 : i32
          %get3A_1039 = arith.index_cast %get3A_1038 : i32 to index
          %get3A_1040 = arith.index_cast %scan3A_810 : i32 to index
          %get3A_1041 = arith.constant 112 : index
          %get3A_1042 = tpu.vector_load %arg11[%get3A_1039, %get3A_1040, %get3A_1041] {strides = array<i32>} : memref<2x40x128xf32, #tpu.memory_space<vmem>>, vector<1x1x16xf32>,
          %get3A_1043 = vector.shape_cast %get3A_1042 : vector<1x1x16xf32> to vector<16xf32>
          %get3A_1044 = arith.index_cast %scan3A_810 : i32 to index
          %get3A_1045 = arith.constant 48 : index
          %get3A_1046 = tpu.vector_load %arg12[%get3A_1044, %get3A_1045] {strides = array<i32>} : memref<40x128xi32, #tpu.memory_space<vmem>>, vector<1x16xi32>,
          %get3A_1047 = vector.shape_cast %get3A_1046 : vector<1x16xi32> to vector<16xi32>
          %shift_left3A_1048 = arith.constant 16 : i32
          %shift_left3A_1049 = vector.broadcast %shift_left3A_1048 : i32 to vector<16xi32>
          %shift_left3A_1050 = arith.shli %get3A_1047, %shift_left3A_1049 : vector<16xi32>
          %bitcast_convert_type3A_1051 = tpu.bitcast %shift_left3A_1050 : vector<16xi32> -> vector<16xf32>
          %and3A_1052 = arith.constant -65536 : i32
          %and3A_1053 = vector.broadcast %and3A_1052 : i32 to vector<16xi32>
          %and3A_1054 = arith.andi %get3A_1047, %and3A_1053 : vector<16xi32>
          %bitcast_convert_type3A_1055 = tpu.bitcast %and3A_1054 : vector<16xi32> -> vector<16xf32>
          %get3A_1056 = arith.index_cast %scan3A_810 : i32 to index
          %get3A_1057 = arith.constant 112 : index
          %get3A_1058 = tpu.vector_load %arg12[%get3A_1056, %get3A_1057] {strides = array<i32>} : memref<40x128xi32, #tpu.memory_space<vmem>>, vector<1x16xi32>,
          %get3A_1059 = vector.shape_cast %get3A_1058 : vector<1x16xi32> to vector<16xi32>
          %shift_left3A_1060 = arith.constant 16 : i32
          %shift_left3A_1061 = vector.broadcast %shift_left3A_1060 : i32 to vector<16xi32>
          %shift_left3A_1062 = arith.shli %get3A_1059, %shift_left3A_1061 : vector<16xi32>
          %bitcast_convert_type3A_1063 = tpu.bitcast %shift_left3A_1062 : vector<16xi32> -> vector<16xf32>
          %and3A_1064 = arith.constant -65536 : i32
          %and3A_1065 = vector.broadcast %and3A_1064 : i32 to vector<16xi32>
          %and3A_1066 = arith.andi %get3A_1059, %and3A_1065 : vector<16xi32>
          %bitcast_convert_type3A_1067 = tpu.bitcast %and3A_1066 : vector<16xi32> -> vector<16xf32>
          %broadcast_in_dim3A_1068 = arith.constant 0.000000e+00 : f32
          %broadcast_in_dim3A_1069 = vector.broadcast %broadcast_in_dim3A_1068 : f32 to vector<16xf32>
          %add3A_1070 = arith.addf %get3A_1025, %get3A_1037 : vector<16xf32>
          %add3A_1071 = arith.addf %add3A_1070, %bitcast_convert_type3A_1063 : vector<16xf32>
          %max3A_1072 = arith.maximumf %add3A_1071, %broadcast_in_dim3A_1069 : vector<16xf32>
          %add3A_1073 = arith.addf %bitcast_convert_type3A_1051, %max3A_1072 : vector<16xf32>
          %swap3A_1074 = arith.constant 0 : i32
          %swap3A_1075 = arith.index_cast %swap3A_1074 : i32 to index
          %swap3A_1076 = arith.index_cast %scan3A_810 : i32 to index
          %swap3A_1077 = arith.constant 96 : index
          %swap3A_1078 = tpu.vector_load %arg13[%swap3A_1075, %swap3A_1076, %swap3A_1077] {strides = array<i32>} : memref<2x40x128xf32, #tpu.memory_space<vmem>>, vector<1x1x16xf32>,
          %swap3A_1079 = vector.shape_cast %swap3A_1078 : vector<1x1x16xf32> to vector<16xf32>
          %swap3A_1080 = vector.shape_cast %add3A_1073 : vector<16xf32> to vector<1x1x16xf32>
          tpu.vector_store %arg13[%swap3A_1075, %swap3A_1076, %swap3A_1077], %swap3A_1080 {strides = array<i32>} : memref<2x40x128xf32, #tpu.memory_space<vmem>>, vector<1x1x16xf32>,
          %add3A_1081 = arith.addf %get3A_1031, %get3A_1043 : vector<16xf32>
          %add3A_1082 = arith.addf %add3A_1081, %bitcast_convert_type3A_1067 : vector<16xf32>
          %max3A_1083 = arith.maximumf %add3A_1082, %broadcast_in_dim3A_1069 : vector<16xf32>
          %add3A_1084 = arith.addf %bitcast_convert_type3A_1055, %max3A_1083 : vector<16xf32>
          %swap3A_1085 = arith.constant 0 : i32
          %swap3A_1086 = arith.index_cast %swap3A_1085 : i32 to index
          %swap3A_1087 = arith.index_cast %scan3A_810 : i32 to index
          %swap3A_1088 = arith.constant 112 : index
          %swap3A_1089 = tpu.vector_load %arg13[%swap3A_1086, %swap3A_1087, %swap3A_1088] {strides = array<i32>} : memref<2x40x128xf32, #tpu.memory_space<vmem>>, vector<1x1x16xf32>,
          %swap3A_1090 = vector.shape_cast %swap3A_1089 : vector<1x1x16xf32> to vector<16xf32>
          %swap3A_1091 = vector.shape_cast %add3A_1084 : vector<16xf32> to vector<1x1x16xf32>
          tpu.vector_store %arg13[%swap3A_1086, %swap3A_1087, %swap3A_1088], %swap3A_1091 {strides = array<i32>} : memref<2x40x128xf32, #tpu.memory_space<vmem>>, vector<1x1x16xf32>,
        }
        %scan3A_673 = arith.constant 40 : i32
        %mul3A_674 = arith.constant 50 : i32
        %mul3A_675 = arith.muli %scan3A_493, %mul3A_674 : i32
        %mul3A_676 = arith.constant 40 : i32
        %mul3A_677 = arith.muli %mul3A_675, %mul3A_676 : i32
        %add3A_678 = arith.addi %mul3A_485, %mul3A_677 : i32
        %mul3A_679 = arith.constant 40 : i32
        %mul3A_680 = arith.muli %add3A_605, %mul3A_679 : i32
        %add3A_681 = arith.addi %add3A_678, %mul3A_680 : i32
        %dma_start3A_682 = arith.constant 0 : i32
        %dma_start3A_683 = tpu.memref_slice %arg6[%add3A_681, %dma_start3A_682] : memref<320000x128xi32, #tpu.memory_space<hbm>> -> memref<40x128xi32, #tpu.memory_space<hbm>>
        %dma_start3A_684 = arith.constant 0 : i32
        %dma_start3A_685 = tpu.memref_slice %arg6[%add3A_681, %dma_start3A_684] : memref<320000x128xi32, #tpu.memory_space<hbm>> -> memref<40x128xi32, #tpu.memory_space<hbm>>
        tpu.enqueue_dma source(%dma_start3A_685 : memref<40x128xi32, #tpu.memory_space<hbm>>) target(%arg12 : memref<40x128xi32, #tpu.memory_space<vmem>>) target_semaphore(%arg19 : memref<!tpu.dma_semaphore, #tpu.memory_space<semaphore_mem>>)
        %mul3A_686 = arith.constant 50 : i32
        %mul3A_687 = arith.muli %scan3A_493, %mul3A_686 : i32
        %mul3A_688 = arith.constant 40 : i32
        %mul3A_689 = arith.muli %mul3A_687, %mul3A_688 : i32
        %add3A_690 = arith.addi %mul3A_485, %mul3A_689 : i32
        %mul3A_691 = arith.constant 40 : i32
        %mul3A_692 = arith.muli %mul3A_601, %mul3A_691 : i32
        %add3A_693 = arith.addi %add3A_690, %mul3A_692 : i32
        %add3A_694 = arith.constant 50 : i32
        %add3A_695 = arith.addi %add3A_694, %mul3A_601 : i32
        %dma_start3A_696 = arith.constant 0 : i32
        %dma_start3A_697 = arith.constant 0 : i32
        %dma_start3A_698 = arith.constant 0 : i32
        %dma_start3A_699 = tpu.memref_slice %arg13[%dma_start3A_696, %dma_start3A_697, %dma_start3A_698] : memref<2x40x128xf32, #tpu.memory_space<vmem>> -> memref<1x40x128xf32, #tpu.memory_space<vmem>>
        %dma_start3A_700 = tpu.memref_squeeze %dma_start3A_699 : memref<1x40x128xf32, #tpu.memory_space<vmem>> -> memref<40x128xf32, #tpu.memory_space<vmem>>
        %dma_start3A_701 = arith.constant 0 : i32
        %dma_start3A_702 = tpu.memref_slice %arg7[%add3A_693, %dma_start3A_701] : memref<320000x128xf32, #tpu.memory_space<hbm>> -> memref<40x128xf32, #tpu.memory_space<hbm>>
        %dma_start3A_703 = arith.constant 0 : i32
        %dma_start3A_704 = tpu.memref_slice %arg7[%add3A_693, %dma_start3A_703] : memref<320000x128xf32, #tpu.memory_space<hbm>> -> memref<40x128xf32, #tpu.memory_space<hbm>>
        %dma_start3A_705 = arith.constant 0 : i32
        %dma_start3A_706 = arith.constant 0 : i32
        %dma_start3A_707 = tpu.memref_slice %arg13[%dma_start3A_696, %dma_start3A_705, %dma_start3A_706] : memref<2x40x128xf32, #tpu.memory_space<vmem>> -> memref<1x40x128xf32, #tpu.memory_space<vmem>>
        %dma_start3A_708 = tpu.memref_squeeze %dma_start3A_707 : memref<1x40x128xf32, #tpu.memory_space<vmem>> -> memref<40x128xf32, #tpu.memory_space<vmem>>
        tpu.enqueue_dma source(%dma_start3A_708 : memref<40x128xf32, #tpu.memory_space<vmem>>) target(%dma_start3A_704 : memref<40x128xf32, #tpu.memory_space<hbm>>) target_semaphore(%arg20 : memref<!tpu.dma_semaphore, #tpu.memory_space<semaphore_mem>>)
        %dma_start3A_709 = arith.constant 0 : i32
        %dma_start3A_710 = arith.constant 0 : i32
        %dma_start3A_711 = arith.constant 0 : i32
        %dma_start3A_712 = tpu.memref_slice %arg13[%dma_start3A_709, %dma_start3A_710, %dma_start3A_711] : memref<2x40x128xf32, #tpu.memory_space<vmem>> -> memref<1x40x128xf32, #tpu.memory_space<vmem>>
        %dma_start3A_713 = tpu.memref_squeeze %dma_start3A_712 : memref<1x40x128xf32, #tpu.memory_space<vmem>> -> memref<40x128xf32, #tpu.memory_space<vmem>>
        %dma_start3A_714 = arith.constant 0 : i32
        %dma_start3A_715 = tpu.memref_slice %arg9[%add3A_695, %dma_start3A_714] : memref<100x40xi32, #tpu.memory_space<vmem>> -> memref<1x40xi32, #tpu.memory_space<vmem>>
        %dma_start3A_716 = tpu.memref_squeeze %dma_start3A_715 : memref<1x40xi32, #tpu.memory_space<vmem>> -> memref<40xi32, #tpu.memory_space<vmem>>
        %dma_start3A_717 = arith.constant 0 : i32
        %dma_start3A_718 = arith.constant 0 : i32
        %dma_start3A_719 = tpu.memref_slice %arg14[%dma_start3A_717, %dma_start3A_718] : memref<10112x128xf32, #tpu.memory_space<vmem_shared>> -> memref<10112x128xf32, #tpu.memory_space<vmem_shared>>
        tpu.enqueue_indirect_dma source(%dma_start3A_713 : memref<40x128xf32, #tpu.memory_space<vmem>>) target(%dma_start3A_719 : memref<10112x128xf32, #tpu.memory_space<vmem_shared>>) offsets(%dma_start3A_716 : memref<40xi32, #tpu.memory_space<vmem>>) semaphore(%arg22 : memref<!tpu.dma_semaphore, #tpu.memory_space<semaphore_mem>>) {add = true}
        %add3A_720 = arith.constant 50 : i32
        %add3A_721 = arith.addi %add3A_720, %add3A_605 : i32
        %dma_wait3A_722 = arith.constant 1 : i32
        %dma_wait3A_723 = arith.constant 0 : i32
        %dma_wait3A_724 = arith.constant 0 : i32
        %dma_wait3A_725 = tpu.memref_slice %arg10[%dma_wait3A_722, %dma_wait3A_723, %dma_wait3A_724] : memref<2x40x128xf32, #tpu.memory_space<vmem>> -> memref<1x40x128xf32, #tpu.memory_space<vmem>>
        %dma_wait3A_726 = tpu.memref_squeeze %dma_wait3A_725 : memref<1x40x128xf32, #tpu.memory_space<vmem>> -> memref<40x128xf32, #tpu.memory_space<vmem>>
        %dma_wait3A_727 = arith.constant 0 : i32
        %dma_wait3A_728 = tpu.memref_slice %arg9[%add3A_605, %dma_wait3A_727] : memref<100x40xi32, #tpu.memory_space<vmem>> -> memref<1x40xi32, #tpu.memory_space<vmem>>
        %dma_wait3A_729 = tpu.memref_squeeze %dma_wait3A_728 : memref<1x40xi32, #tpu.memory_space<vmem>> -> memref<40xi32, #tpu.memory_space<vmem>>
        %dma_wait3A_730 = arith.constant 0 : i32
        %dma_wait3A_731 = arith.constant 0 : i32
        %dma_wait3A_732 = tpu.memref_slice %arg4[%dma_wait3A_730, %dma_wait3A_731] : memref<10000x128xf32, #tpu.memory_space<hbm>> -> memref<10000x128xf32, #tpu.memory_space<hbm>>
        tpu.wait_indirect_dma semaphore(%arg16 : memref<!tpu.dma_semaphore, #tpu.memory_space<semaphore_mem>>) src(%dma_wait3A_732 : memref<10000x128xf32, #tpu.memory_space<hbm>>) dst(%dma_wait3A_726 : memref<40x128xf32, #tpu.memory_space<vmem>>)
        %dma_wait3A_733 = arith.constant 1 : i32
        %dma_wait3A_734 = arith.constant 0 : i32
        %dma_wait3A_735 = arith.constant 0 : i32
        %dma_wait3A_736 = tpu.memref_slice %arg11[%dma_wait3A_733, %dma_wait3A_734, %dma_wait3A_735] : memref<2x40x128xf32, #tpu.memory_space<vmem>> -> memref<1x40x128xf32, #tpu.memory_space<vmem>>
        %dma_wait3A_737 = tpu.memref_squeeze %dma_wait3A_736 : memref<1x40x128xf32, #tpu.memory_space<vmem>> -> memref<40x128xf32, #tpu.memory_space<vmem>>
        %dma_wait3A_738 = arith.constant 0 : i32
        %dma_wait3A_739 = tpu.memref_slice %arg9[%add3A_721, %dma_wait3A_738] : memref<100x40xi32, #tpu.memory_space<vmem>> -> memref<1x40xi32, #tpu.memory_space<vmem>>
        %dma_wait3A_740 = tpu.memref_squeeze %dma_wait3A_739 : memref<1x40xi32, #tpu.memory_space<vmem>> -> memref<40xi32, #tpu.memory_space<vmem>>
        %dma_wait3A_741 = arith.constant 0 : i32
        %dma_wait3A_742 = arith.constant 0 : i32
        %dma_wait3A_743 = tpu.memref_slice %arg5[%dma_wait3A_741, %dma_wait3A_742] : memref<10000x128xf32, #tpu.memory_space<hbm>> -> memref<10000x128xf32, #tpu.memory_space<hbm>>
        tpu.wait_indirect_dma semaphore(%arg18 : memref<!tpu.dma_semaphore, #tpu.memory_space<semaphore_mem>>) src(%dma_wait3A_743 : memref<10000x128xf32, #tpu.memory_space<hbm>>) dst(%dma_wait3A_737 : memref<40x128xf32, #tpu.memory_space<vmem>>)
        %lt3A = arith.constant 24 : i32
        %lt3A_744 = arith.cmpi slt, %scan3A_599, %lt3A : i32
        %convert_element_type3A_745 = arith.extui %lt3A_744 : i1 to i32
        %cond3A_746 = arith.constant 0 : i32
        %cond3A_747 = arith.cmpi ne, %convert_element_type3A_745, %cond3A_746 : i32
        scf.if %cond3A_747 {
          %add3A_810 = arith.constant 1 : i32
          %add3A_811 = arith.addi %add3A_605, %add3A_810 : i32
          %add3A_812 = arith.constant 50 : i32
          %add3A_813 = arith.addi %add3A_812, %add3A_811 : i32
          %dma_start3A_814 = arith.constant 0 : i32
          %dma_start3A_815 = arith.constant 0 : i32
          %dma_start3A_816 = arith.constant 0 : i32
          %dma_start3A_817 = tpu.memref_slice %arg10[%dma_start3A_814, %dma_start3A_815, %dma_start3A_816] : memref<2x40x128xf32, #tpu.memory_space<vmem>> -> memref<1x40x128xf32, #tpu.memory_space<vmem>>
          %dma_start3A_818 = tpu.memref_squeeze %dma_start3A_817 : memref<1x40x128xf32, #tpu.memory_space<vmem>> -> memref<40x128xf32, #tpu.memory_space<vmem>>
          %dma_start3A_819 = arith.constant 0 : i32
          %dma_start3A_820 = tpu.memref_slice %arg9[%add3A_811, %dma_start3A_819] : memref<100x40xi32, #tpu.memory_space<vmem>> -> memref<1x40xi32, #tpu.memory_space<vmem>>
          %dma_start3A_821 = tpu.memref_squeeze %dma_start3A_820 : memref<1x40xi32, #tpu.memory_space<vmem>> -> memref<40xi32, #tpu.memory_space<vmem>>
          %dma_start3A_822 = arith.constant 0 : i32
          %dma_start3A_823 = arith.constant 0 : i32
          %dma_start3A_824 = tpu.memref_slice %arg4[%dma_start3A_822, %dma_start3A_823] : memref<10000x128xf32, #tpu.memory_space<hbm>> -> memref<10000x128xf32, #tpu.memory_space<hbm>>
          tpu.enqueue_indirect_dma source(%dma_start3A_824 : memref<10000x128xf32, #tpu.memory_space<hbm>>) target(%dma_start3A_818 : memref<40x128xf32, #tpu.memory_space<vmem>>) offsets(%dma_start3A_821 : memref<40xi32, #tpu.memory_space<vmem>>) semaphore(%arg15 : memref<!tpu.dma_semaphore, #tpu.memory_space<semaphore_mem>>)
          %dma_start3A_825 = arith.constant 0 : i32
          %dma_start3A_826 = arith.constant 0 : i32
          %dma_start3A_827 = arith.constant 0 : i32
          %dma_start3A_828 = tpu.memref_slice %arg11[%dma_start3A_825, %dma_start3A_826, %dma_start3A_827] : memref<2x40x128xf32, #tpu.memory_space<vmem>> -> memref<1x40x128xf32, #tpu.memory_space<vmem>>
          %dma_start3A_829 = tpu.memref_squeeze %dma_start3A_828 : memref<1x40x128xf32, #tpu.memory_space<vmem>> -> memref<40x128xf32, #tpu.memory_space<vmem>>
          %dma_start3A_830 = arith.constant 0 : i32
          %dma_start3A_831 = tpu.memref_slice %arg9[%add3A_813, %dma_start3A_830] : memref<100x40xi32, #tpu.memory_space<vmem>> -> memref<1x40xi32, #tpu.memory_space<vmem>>
          %dma_start3A_832 = tpu.memref_squeeze %dma_start3A_831 : memref<1x40xi32, #tpu.memory_space<vmem>> -> memref<40xi32, #tpu.memory_space<vmem>>
          %dma_start3A_833 = arith.constant 0 : i32
          %dma_start3A_834 = arith.constant 0 : i32
          %dma_start3A_835 = tpu.memref_slice %arg5[%dma_start3A_833, %dma_start3A_834] : memref<10000x128xf32, #tpu.memory_space<hbm>> -> memref<10000x128xf32, #tpu.memory_space<hbm>>
          tpu.enqueue_indirect_dma source(%dma_start3A_835 : memref<10000x128xf32, #tpu.memory_space<hbm>>) target(%dma_start3A_829 : memref<40x128xf32, #tpu.memory_space<vmem>>) offsets(%dma_start3A_832 : memref<40xi32, #tpu.memory_space<vmem>>) semaphore(%arg17 : memref<!tpu.dma_semaphore, #tpu.memory_space<semaphore_mem>>)
        } else {
        }
        %mul3A_748 = arith.constant 50 : i32
        %mul3A_749 = arith.muli %scan3A_493, %mul3A_748 : i32
        %mul3A_750 = arith.constant 40 : i32
        %mul3A_751 = arith.muli %mul3A_749, %mul3A_750 : i32
        %add3A_752 = arith.addi %mul3A_485, %mul3A_751 : i32
        %mul3A_753 = arith.constant 40 : i32
        %mul3A_754 = arith.muli %add3A_605, %mul3A_753 : i32
        %add3A_755 = arith.addi %add3A_752, %mul3A_754 : i32
        %dma_wait3A_756 = arith.constant 0 : i32
        %dma_wait3A_757 = tpu.memref_slice %arg6[%add3A_755, %dma_wait3A_756] : memref<320000x128xi32, #tpu.memory_space<hbm>> -> memref<40x128xi32, #tpu.memory_space<hbm>>
        %dma_wait3A_758 = arith.constant 0 : i32
        %dma_wait3A_759 = tpu.memref_slice %arg6[%add3A_755, %dma_wait3A_758] : memref<320000x128xi32, #tpu.memory_space<hbm>> -> memref<40x128xi32, #tpu.memory_space<hbm>>
        tpu.wait_dma2 semaphore(%arg19 : memref<!tpu.dma_semaphore, #tpu.memory_space<semaphore_mem>>) src(%dma_wait3A_759 : memref<40x128xi32, #tpu.memory_space<hbm>>) dst(%arg12 : memref<40x128xi32, #tpu.memory_space<vmem>>)
        %ge3A_760 = arith.constant 1 : i32
        %ge3A_761 = arith.cmpi sge, %scan3A_599, %ge3A_760 : i32
        %convert_element_type3A_762 = arith.extui %ge3A_761 : i1 to i32
        %cond3A_763 = arith.constant 0 : i32
        %cond3A_764 = arith.cmpi ne, %convert_element_type3A_762, %cond3A_763 : i32
        scf.if %cond3A_764 {
          %sub3A = arith.constant 2 : i32
          %sub3A_810 = arith.subi %add3A_605, %sub3A : i32
          %mul3A_811 = arith.constant 50 : i32
          %mul3A_812 = arith.muli %scan3A_493, %mul3A_811 : i32
          %mul3A_813 = arith.constant 40 : i32
          %mul3A_814 = arith.muli %mul3A_812, %mul3A_813 : i32
          %add3A_815 = arith.addi %mul3A_485, %mul3A_814 : i32
          %mul3A_816 = arith.constant 40 : i32
          %mul3A_817 = arith.muli %sub3A_810, %mul3A_816 : i32
          %add3A_818 = arith.addi %add3A_815, %mul3A_817 : i32
          %add3A_819 = arith.constant 50 : i32
          %add3A_820 = arith.addi %add3A_819, %sub3A_810 : i32
          %dma_wait3A_821 = arith.constant 1 : i32
          %dma_wait3A_822 = arith.constant 0 : i32
          %dma_wait3A_823 = arith.constant 0 : i32
          %dma_wait3A_824 = tpu.memref_slice %arg13[%dma_wait3A_821, %dma_wait3A_822, %dma_wait3A_823] : memref<2x40x128xf32, #tpu.memory_space<vmem>> -> memref<1x40x128xf32, #tpu.memory_space<vmem>>
          %dma_wait3A_825 = tpu.memref_squeeze %dma_wait3A_824 : memref<1x40x128xf32, #tpu.memory_space<vmem>> -> memref<40x128xf32, #tpu.memory_space<vmem>>
          %dma_wait3A_826 = arith.constant 0 : i32
          %dma_wait3A_827 = tpu.memref_slice %arg7[%add3A_818, %dma_wait3A_826] : memref<320000x128xf32, #tpu.memory_space<hbm>> -> memref<40x128xf32, #tpu.memory_space<hbm>>
          %dma_wait3A_828 = arith.constant 0 : i32
          %dma_wait3A_829 = tpu.memref_slice %arg7[%add3A_818, %dma_wait3A_828] : memref<320000x128xf32, #tpu.memory_space<hbm>> -> memref<40x128xf32, #tpu.memory_space<hbm>>
          %dma_wait3A_830 = arith.constant 0 : i32
          %dma_wait3A_831 = arith.constant 0 : i32
          %dma_wait3A_832 = tpu.memref_slice %arg13[%dma_wait3A_821, %dma_wait3A_830, %dma_wait3A_831] : memref<2x40x128xf32, #tpu.memory_space<vmem>> -> memref<1x40x128xf32, #tpu.memory_space<vmem>>
          %dma_wait3A_833 = tpu.memref_squeeze %dma_wait3A_832 : memref<1x40x128xf32, #tpu.memory_space<vmem>> -> memref<40x128xf32, #tpu.memory_space<vmem>>
          tpu.wait_dma2 semaphore(%arg21 : memref<!tpu.dma_semaphore, #tpu.memory_space<semaphore_mem>>) src(%dma_wait3A_833 : memref<40x128xf32, #tpu.memory_space<vmem>>) dst(%dma_wait3A_829 : memref<40x128xf32, #tpu.memory_space<hbm>>)
          %dma_wait3A_834 = arith.constant 1 : i32
          %dma_wait3A_835 = arith.constant 0 : i32
          %dma_wait3A_836 = arith.constant 0 : i32
          %dma_wait3A_837 = tpu.memref_slice %arg13[%dma_wait3A_834, %dma_wait3A_835, %dma_wait3A_836] : memref<2x40x128xf32, #tpu.memory_space<vmem>> -> memref<1x40x128xf32, #tpu.memory_space<vmem>>
          %dma_wait3A_838 = tpu.memref_squeeze %dma_wait3A_837 : memref<1x40x128xf32, #tpu.memory_space<vmem>> -> memref<40x128xf32, #tpu.memory_space<vmem>>
          %dma_wait3A_839 = arith.constant 0 : i32
          %dma_wait3A_840 = tpu.memref_slice %arg9[%add3A_820, %dma_wait3A_839] : memref<100x40xi32, #tpu.memory_space<vmem>> -> memref<1x40xi32, #tpu.memory_space<vmem>>
          %dma_wait3A_841 = tpu.memref_squeeze %dma_wait3A_840 : memref<1x40xi32, #tpu.memory_space<vmem>> -> memref<40xi32, #tpu.memory_space<vmem>>
          %dma_wait3A_842 = arith.constant 0 : i32
          %dma_wait3A_843 = arith.constant 0 : i32
          %dma_wait3A_844 = tpu.memref_slice %arg14[%dma_wait3A_842, %dma_wait3A_843] : memref<10112x128xf32, #tpu.memory_space<vmem_shared>> -> memref<10112x128xf32, #tpu.memory_space<vmem_shared>>
          tpu.wait_indirect_dma semaphore(%arg23 : memref<!tpu.dma_semaphore, #tpu.memory_space<semaphore_mem>>) src(%dma_wait3A_838 : memref<40x128xf32, #tpu.memory_space<vmem>>) dst(%dma_wait3A_844 : memref<10112x128xf32, #tpu.memory_space<vmem_shared>>)
        } else {
        }
        %scan3A_765 = arith.constant 0 : i32
        %scan3A_766 = arith.constant 0 : i32
        %scan3A_767 = arith.constant 40 : i32
        %scan3A_768 = arith.addi %scan3A_766, %scan3A_767 : i32
        %scan3A_769 = arith.constant 1 : i32
        scf.for %scan3A_810 = %scan3A_766 to %scan3A_768 step %scan3A_769  : i32 {
          %get3A = arith.constant 1 : i32
          %get3A_811 = arith.index_cast %get3A : i32 to index
          %get3A_812 = arith.index_cast %scan3A_810 : i32 to index
          %get3A_813 = arith.constant 0 : index
          %get3A_814 = tpu.vector_load %arg10[%get3A_811, %get3A_812, %get3A_813] {strides = array<i32>} : memref<2x40x128xf32, #tpu.memory_space<vmem>>, vector<1x1x16xf32>,
          %get3A_815 = vector.shape_cast %get3A_814 : vector<1x1x16xf32> to vector<16xf32>
          %get3A_816 = arith.constant 1 : i32
          %get3A_817 = arith.index_cast %get3A_816 : i32 to index
          %get3A_818 = arith.index_cast %scan3A_810 : i32 to index
          %get3A_819 = arith.constant 16 : index
          %get3A_820 = tpu.vector_load %arg10[%get3A_817, %get3A_818, %get3A_819] {strides = array<i32>} : memref<2x40x128xf32, #tpu.memory_space<vmem>>, vector<1x1x16xf32>,
          %get3A_821 = vector.shape_cast %get3A_820 : vector<1x1x16xf32> to vector<16xf32>
          %get3A_822 = arith.constant 1 : i32
          %get3A_823 = arith.index_cast %get3A_822 : i32 to index
          %get3A_824 = arith.index_cast %scan3A_810 : i32 to index
          %get3A_825 = arith.constant 0 : index
          %get3A_826 = tpu.vector_load %arg11[%get3A_823, %get3A_824, %get3A_825] {strides = array<i32>} : memref<2x40x128xf32, #tpu.memory_space<vmem>>, vector<1x1x16xf32>,
          %get3A_827 = vector.shape_cast %get3A_826 : vector<1x1x16xf32> to vector<16xf32>
          %get3A_828 = arith.constant 1 : i32
          %get3A_829 = arith.index_cast %get3A_828 : i32 to index
          %get3A_830 = arith.index_cast %scan3A_810 : i32 to index
          %get3A_831 = arith.constant 16 : index
          %get3A_832 = tpu.vector_load %arg11[%get3A_829, %get3A_830, %get3A_831] {strides = array<i32>} : memref<2x40x128xf32, #tpu.memory_space<vmem>>, vector<1x1x16xf32>,
          %get3A_833 = vector.shape_cast %get3A_832 : vector<1x1x16xf32> to vector<16xf32>
          %get3A_834 = arith.index_cast %scan3A_810 : i32 to index
          %get3A_835 = arith.constant 0 : index
          %get3A_836 = tpu.vector_load %arg12[%get3A_834, %get3A_835] {strides = array<i32>} : memref<40x128xi32, #tpu.memory_space<vmem>>, vector<1x16xi32>,
          %get3A_837 = vector.shape_cast %get3A_836 : vector<1x16xi32> to vector<16xi32>
          %shift_left3A = arith.constant 16 : i32
          %shift_left3A_838 = vector.broadcast %shift_left3A : i32 to vector<16xi32>
          %shift_left3A_839 = arith.shli %get3A_837, %shift_left3A_838 : vector<16xi32>
          %bitcast_convert_type3A = tpu.bitcast %shift_left3A_839 : vector<16xi32> -> vector<16xf32>
          %and3A = arith.constant -65536 : i32
          %and3A_840 = vector.broadcast %and3A : i32 to vector<16xi32>
          %and3A_841 = arith.andi %get3A_837, %and3A_840 : vector<16xi32>
          %bitcast_convert_type3A_842 = tpu.bitcast %and3A_841 : vector<16xi32> -> vector<16xf32>
          %get3A_843 = arith.index_cast %scan3A_810 : i32 to index
          %get3A_844 = arith.constant 64 : index
          %get3A_845 = tpu.vector_load %arg12[%get3A_843, %get3A_844] {strides = array<i32>} : memref<40x128xi32, #tpu.memory_space<vmem>>, vector<1x16xi32>,
          %get3A_846 = vector.shape_cast %get3A_845 : vector<1x16xi32> to vector<16xi32>
          %shift_left3A_847 = arith.constant 16 : i32
          %shift_left3A_848 = vector.broadcast %shift_left3A_847 : i32 to vector<16xi32>
          %shift_left3A_849 = arith.shli %get3A_846, %shift_left3A_848 : vector<16xi32>
          %bitcast_convert_type3A_850 = tpu.bitcast %shift_left3A_849 : vector<16xi32> -> vector<16xf32>
          %and3A_851 = arith.constant -65536 : i32
          %and3A_852 = vector.broadcast %and3A_851 : i32 to vector<16xi32>
          %and3A_853 = arith.andi %get3A_846, %and3A_852 : vector<16xi32>
          %bitcast_convert_type3A_854 = tpu.bitcast %and3A_853 : vector<16xi32> -> vector<16xf32>
          %broadcast_in_dim3A = arith.constant 0.000000e+00 : f32
          %broadcast_in_dim3A_855 = vector.broadcast %broadcast_in_dim3A : f32 to vector<16xf32>
          %add3A_856 = arith.addf %get3A_815, %get3A_827 : vector<16xf32>
          %add3A_857 = arith.addf %add3A_856, %bitcast_convert_type3A_850 : vector<16xf32>
          %max3A = arith.maximumf %add3A_857, %broadcast_in_dim3A_855 : vector<16xf32>
          %add3A_858 = arith.addf %bitcast_convert_type3A, %max3A : vector<16xf32>
          %swap3A = arith.constant 1 : i32
          %swap3A_859 = arith.index_cast %swap3A : i32 to index
          %swap3A_860 = arith.index_cast %scan3A_810 : i32 to index
          %swap3A_861 = arith.constant 0 : index
          %swap3A_862 = tpu.vector_load %arg13[%swap3A_859, %swap3A_860, %swap3A_861] {strides = array<i32>} : memref<2x40x128xf32, #tpu.memory_space<vmem>>, vector<1x1x16xf32>,
          %swap3A_863 = vector.shape_cast %swap3A_862 : vector<1x1x16xf32> to vector<16xf32>
          %swap3A_864 = vector.shape_cast %add3A_858 : vector<16xf32> to vector<1x1x16xf32>
          tpu.vector_store %arg13[%swap3A_859, %swap3A_860, %swap3A_861], %swap3A_864 {strides = array<i32>} : memref<2x40x128xf32, #tpu.memory_space<vmem>>, vector<1x1x16xf32>,
          %add3A_865 = arith.addf %get3A_821, %get3A_833 : vector<16xf32>
          %add3A_866 = arith.addf %add3A_865, %bitcast_convert_type3A_854 : vector<16xf32>
          %max3A_867 = arith.maximumf %add3A_866, %broadcast_in_dim3A_855 : vector<16xf32>
          %add3A_868 = arith.addf %bitcast_convert_type3A_842, %max3A_867 : vector<16xf32>
          %swap3A_869 = arith.constant 1 : i32
          %swap3A_870 = arith.index_cast %swap3A_869 : i32 to index
          %swap3A_871 = arith.index_cast %scan3A_810 : i32 to index
          %swap3A_872 = arith.constant 16 : index
          %swap3A_873 = tpu.vector_load %arg13[%swap3A_870, %swap3A_871, %swap3A_872] {strides = array<i32>} : memref<2x40x128xf32, #tpu.memory_space<vmem>>, vector<1x1x16xf32>,
          %swap3A_874 = vector.shape_cast %swap3A_873 : vector<1x1x16xf32> to vector<16xf32>
          %swap3A_875 = vector.shape_cast %add3A_868 : vector<16xf32> to vector<1x1x16xf32>
          tpu.vector_store %arg13[%swap3A_870, %swap3A_871, %swap3A_872], %swap3A_875 {strides = array<i32>} : memref<2x40x128xf32, #tpu.memory_space<vmem>>, vector<1x1x16xf32>,
          %get3A_876 = arith.constant 1 : i32
          %get3A_877 = arith.index_cast %get3A_876 : i32 to index
          %get3A_878 = arith.index_cast %scan3A_810 : i32 to index
          %get3A_879 = arith.constant 32 : index
          %get3A_880 = tpu.vector_load %arg10[%get3A_877, %get3A_878, %get3A_879] {strides = array<i32>} : memref<2x40x128xf32, #tpu.memory_space<vmem>>, vector<1x1x16xf32>,
          %get3A_881 = vector.shape_cast %get3A_880 : vector<1x1x16xf32> to vector<16xf32>
          %get3A_882 = arith.constant 1 : i32
          %get3A_883 = arith.index_cast %get3A_882 : i32 to index
          %get3A_884 = arith.index_cast %scan3A_810 : i32 to index
          %get3A_885 = arith.constant 48 : index
          %get3A_886 = tpu.vector_load %arg10[%get3A_883, %get3A_884, %get3A_885] {strides = array<i32>} : memref<2x40x128xf32, #tpu.memory_space<vmem>>, vector<1x1x16xf32>,
          %get3A_887 = vector.shape_cast %get3A_886 : vector<1x1x16xf32> to vector<16xf32>
          %get3A_888 = arith.constant 1 : i32
          %get3A_889 = arith.index_cast %get3A_888 : i32 to index
          %get3A_890 = arith.index_cast %scan3A_810 : i32 to index
          %get3A_891 = arith.constant 32 : index
          %get3A_892 = tpu.vector_load %arg11[%get3A_889, %get3A_890, %get3A_891] {strides = array<i32>} : memref<2x40x128xf32, #tpu.memory_space<vmem>>, vector<1x1x16xf32>,
          %get3A_893 = vector.shape_cast %get3A_892 : vector<1x1x16xf32> to vector<16xf32>
          %get3A_894 = arith.constant 1 : i32
          %get3A_895 = arith.index_cast %get3A_894 : i32 to index
          %get3A_896 = arith.index_cast %scan3A_810 : i32 to index
          %get3A_897 = arith.constant 48 : index
          %get3A_898 = tpu.vector_load %arg11[%get3A_895, %get3A_896, %get3A_897] {strides = array<i32>} : memref<2x40x128xf32, #tpu.memory_space<vmem>>, vector<1x1x16xf32>,
          %get3A_899 = vector.shape_cast %get3A_898 : vector<1x1x16xf32> to vector<16xf32>
          %get3A_900 = arith.index_cast %scan3A_810 : i32 to index
          %get3A_901 = arith.constant 16 : index
          %get3A_902 = tpu.vector_load %arg12[%get3A_900, %get3A_901] {strides = array<i32>} : memref<40x128xi32, #tpu.memory_space<vmem>>, vector<1x16xi32>,
          %get3A_903 = vector.shape_cast %get3A_902 : vector<1x16xi32> to vector<16xi32>
          %shift_left3A_904 = arith.constant 16 : i32
          %shift_left3A_905 = vector.broadcast %shift_left3A_904 : i32 to vector<16xi32>
          %shift_left3A_906 = arith.shli %get3A_903, %shift_left3A_905 : vector<16xi32>
          %bitcast_convert_type3A_907 = tpu.bitcast %shift_left3A_906 : vector<16xi32> -> vector<16xf32>
          %and3A_908 = arith.constant -65536 : i32
          %and3A_909 = vector.broadcast %and3A_908 : i32 to vector<16xi32>
          %and3A_910 = arith.andi %get3A_903, %and3A_909 : vector<16xi32>
          %bitcast_convert_type3A_911 = tpu.bitcast %and3A_910 : vector<16xi32> -> vector<16xf32>
          %get3A_912 = arith.index_cast %scan3A_810 : i32 to index
          %get3A_913 = arith.constant 80 : index
          %get3A_914 = tpu.vector_load %arg12[%get3A_912, %get3A_913] {strides = array<i32>} : memref<40x128xi32, #tpu.memory_space<vmem>>, vector<1x16xi32>,
          %get3A_915 = vector.shape_cast %get3A_914 : vector<1x16xi32> to vector<16xi32>
          %shift_left3A_916 = arith.constant 16 : i32
          %shift_left3A_917 = vector.broadcast %shift_left3A_916 : i32 to vector<16xi32>
          %shift_left3A_918 = arith.shli %get3A_915, %shift_left3A_917 : vector<16xi32>
          %bitcast_convert_type3A_919 = tpu.bitcast %shift_left3A_918 : vector<16xi32> -> vector<16xf32>
          %and3A_920 = arith.constant -65536 : i32
          %and3A_921 = vector.broadcast %and3A_920 : i32 to vector<16xi32>
          %and3A_922 = arith.andi %get3A_915, %and3A_921 : vector<16xi32>
          %bitcast_convert_type3A_923 = tpu.bitcast %and3A_922 : vector<16xi32> -> vector<16xf32>
          %broadcast_in_dim3A_924 = arith.constant 0.000000e+00 : f32
          %broadcast_in_dim3A_925 = vector.broadcast %broadcast_in_dim3A_924 : f32 to vector<16xf32>
          %add3A_926 = arith.addf %get3A_881, %get3A_893 : vector<16xf32>
          %add3A_927 = arith.addf %add3A_926, %bitcast_convert_type3A_919 : vector<16xf32>
          %max3A_928 = arith.maximumf %add3A_927, %broadcast_in_dim3A_925 : vector<16xf32>
          %add3A_929 = arith.addf %bitcast_convert_type3A_907, %max3A_928 : vector<16xf32>
          %swap3A_930 = arith.constant 1 : i32
          %swap3A_931 = arith.index_cast %swap3A_930 : i32 to index
          %swap3A_932 = arith.index_cast %scan3A_810 : i32 to index
          %swap3A_933 = arith.constant 32 : index
          %swap3A_934 = tpu.vector_load %arg13[%swap3A_931, %swap3A_932, %swap3A_933] {strides = array<i32>} : memref<2x40x128xf32, #tpu.memory_space<vmem>>, vector<1x1x16xf32>,
          %swap3A_935 = vector.shape_cast %swap3A_934 : vector<1x1x16xf32> to vector<16xf32>
          %swap3A_936 = vector.shape_cast %add3A_929 : vector<16xf32> to vector<1x1x16xf32>
          tpu.vector_store %arg13[%swap3A_931, %swap3A_932, %swap3A_933], %swap3A_936 {strides = array<i32>} : memref<2x40x128xf32, #tpu.memory_space<vmem>>, vector<1x1x16xf32>,
          %add3A_937 = arith.addf %get3A_887, %get3A_899 : vector<16xf32>
          %add3A_938 = arith.addf %add3A_937, %bitcast_convert_type3A_923 : vector<16xf32>
          %max3A_939 = arith.maximumf %add3A_938, %broadcast_in_dim3A_925 : vector<16xf32>
          %add3A_940 = arith.addf %bitcast_convert_type3A_911, %max3A_939 : vector<16xf32>
          %swap3A_941 = arith.constant 1 : i32
          %swap3A_942 = arith.index_cast %swap3A_941 : i32 to index
          %swap3A_943 = arith.index_cast %scan3A_810 : i32 to index
          %swap3A_944 = arith.constant 48 : index
          %swap3A_945 = tpu.vector_load %arg13[%swap3A_942, %swap3A_943, %swap3A_944] {strides = array<i32>} : memref<2x40x128xf32, #tpu.memory_space<vmem>>, vector<1x1x16xf32>,
          %swap3A_946 = vector.shape_cast %swap3A_945 : vector<1x1x16xf32> to vector<16xf32>
          %swap3A_947 = vector.shape_cast %add3A_940 : vector<16xf32> to vector<1x1x16xf32>
          tpu.vector_store %arg13[%swap3A_942, %swap3A_943, %swap3A_944], %swap3A_947 {strides = array<i32>} : memref<2x40x128xf32, #tpu.memory_space<vmem>>, vector<1x1x16xf32>,
          %get3A_948 = arith.constant 1 : i32
          %get3A_949 = arith.index_cast %get3A_948 : i32 to index
          %get3A_950 = arith.index_cast %scan3A_810 : i32 to index
          %get3A_951 = arith.constant 64 : index
          %get3A_952 = tpu.vector_load %arg10[%get3A_949, %get3A_950, %get3A_951] {strides = array<i32>} : memref<2x40x128xf32, #tpu.memory_space<vmem>>, vector<1x1x16xf32>,
          %get3A_953 = vector.shape_cast %get3A_952 : vector<1x1x16xf32> to vector<16xf32>
          %get3A_954 = arith.constant 1 : i32
          %get3A_955 = arith.index_cast %get3A_954 : i32 to index
          %get3A_956 = arith.index_cast %scan3A_810 : i32 to index
          %get3A_957 = arith.constant 80 : index
          %get3A_958 = tpu.vector_load %arg10[%get3A_955, %get3A_956, %get3A_957] {strides = array<i32>} : memref<2x40x128xf32, #tpu.memory_space<vmem>>, vector<1x1x16xf32>,
          %get3A_959 = vector.shape_cast %get3A_958 : vector<1x1x16xf32> to vector<16xf32>
          %get3A_960 = arith.constant 1 : i32
          %get3A_961 = arith.index_cast %get3A_960 : i32 to index
          %get3A_962 = arith.index_cast %scan3A_810 : i32 to index
          %get3A_963 = arith.constant 64 : index
          %get3A_964 = tpu.vector_load %arg11[%get3A_961, %get3A_962, %get3A_963] {strides = array<i32>} : memref<2x40x128xf32, #tpu.memory_space<vmem>>, vector<1x1x16xf32>,
          %get3A_965 = vector.shape_cast %get3A_964 : vector<1x1x16xf32> to vector<16xf32>
          %get3A_966 = arith.constant 1 : i32
          %get3A_967 = arith.index_cast %get3A_966 : i32 to index
          %get3A_968 = arith.index_cast %scan3A_810 : i32 to index
          %get3A_969 = arith.constant 80 : index
          %get3A_970 = tpu.vector_load %arg11[%get3A_967, %get3A_968, %get3A_969] {strides = array<i32>} : memref<2x40x128xf32, #tpu.memory_space<vmem>>, vector<1x1x16xf32>,
          %get3A_971 = vector.shape_cast %get3A_970 : vector<1x1x16xf32> to vector<16xf32>
          %get3A_972 = arith.index_cast %scan3A_810 : i32 to index
          %get3A_973 = arith.constant 32 : index
          %get3A_974 = tpu.vector_load %arg12[%get3A_972, %get3A_973] {strides = array<i32>} : memref<40x128xi32, #tpu.memory_space<vmem>>, vector<1x16xi32>,
          %get3A_975 = vector.shape_cast %get3A_974 : vector<1x16xi32> to vector<16xi32>
          %shift_left3A_976 = arith.constant 16 : i32
          %shift_left3A_977 = vector.broadcast %shift_left3A_976 : i32 to vector<16xi32>
          %shift_left3A_978 = arith.shli %get3A_975, %shift_left3A_977 : vector<16xi32>
          %bitcast_convert_type3A_979 = tpu.bitcast %shift_left3A_978 : vector<16xi32> -> vector<16xf32>
          %and3A_980 = arith.constant -65536 : i32
          %and3A_981 = vector.broadcast %and3A_980 : i32 to vector<16xi32>
          %and3A_982 = arith.andi %get3A_975, %and3A_981 : vector<16xi32>
          %bitcast_convert_type3A_983 = tpu.bitcast %and3A_982 : vector<16xi32> -> vector<16xf32>
          %get3A_984 = arith.index_cast %scan3A_810 : i32 to index
          %get3A_985 = arith.constant 96 : index
          %get3A_986 = tpu.vector_load %arg12[%get3A_984, %get3A_985] {strides = array<i32>} : memref<40x128xi32, #tpu.memory_space<vmem>>, vector<1x16xi32>,
          %get3A_987 = vector.shape_cast %get3A_986 : vector<1x16xi32> to vector<16xi32>
          %shift_left3A_988 = arith.constant 16 : i32
          %shift_left3A_989 = vector.broadcast %shift_left3A_988 : i32 to vector<16xi32>
          %shift_left3A_990 = arith.shli %get3A_987, %shift_left3A_989 : vector<16xi32>
          %bitcast_convert_type3A_991 = tpu.bitcast %shift_left3A_990 : vector<16xi32> -> vector<16xf32>
          %and3A_992 = arith.constant -65536 : i32
          %and3A_993 = vector.broadcast %and3A_992 : i32 to vector<16xi32>
          %and3A_994 = arith.andi %get3A_987, %and3A_993 : vector<16xi32>
          %bitcast_convert_type3A_995 = tpu.bitcast %and3A_994 : vector<16xi32> -> vector<16xf32>
          %broadcast_in_dim3A_996 = arith.constant 0.000000e+00 : f32
          %broadcast_in_dim3A_997 = vector.broadcast %broadcast_in_dim3A_996 : f32 to vector<16xf32>
          %add3A_998 = arith.addf %get3A_953, %get3A_965 : vector<16xf32>
          %add3A_999 = arith.addf %add3A_998, %bitcast_convert_type3A_991 : vector<16xf32>
          %max3A_1000 = arith.maximumf %add3A_999, %broadcast_in_dim3A_997 : vector<16xf32>
          %add3A_1001 = arith.addf %bitcast_convert_type3A_979, %max3A_1000 : vector<16xf32>
          %swap3A_1002 = arith.constant 1 : i32
          %swap3A_1003 = arith.index_cast %swap3A_1002 : i32 to index
          %swap3A_1004 = arith.index_cast %scan3A_810 : i32 to index
          %swap3A_1005 = arith.constant 64 : index
          %swap3A_1006 = tpu.vector_load %arg13[%swap3A_1003, %swap3A_1004, %swap3A_1005] {strides = array<i32>} : memref<2x40x128xf32, #tpu.memory_space<vmem>>, vector<1x1x16xf32>,
          %swap3A_1007 = vector.shape_cast %swap3A_1006 : vector<1x1x16xf32> to vector<16xf32>
          %swap3A_1008 = vector.shape_cast %add3A_1001 : vector<16xf32> to vector<1x1x16xf32>
          tpu.vector_store %arg13[%swap3A_1003, %swap3A_1004, %swap3A_1005], %swap3A_1008 {strides = array<i32>} : memref<2x40x128xf32, #tpu.memory_space<vmem>>, vector<1x1x16xf32>,
          %add3A_1009 = arith.addf %get3A_959, %get3A_971 : vector<16xf32>
          %add3A_1010 = arith.addf %add3A_1009, %bitcast_convert_type3A_995 : vector<16xf32>
          %max3A_1011 = arith.maximumf %add3A_1010, %broadcast_in_dim3A_997 : vector<16xf32>
          %add3A_1012 = arith.addf %bitcast_convert_type3A_983, %max3A_1011 : vector<16xf32>
          %swap3A_1013 = arith.constant 1 : i32
          %swap3A_1014 = arith.index_cast %swap3A_1013 : i32 to index
          %swap3A_1015 = arith.index_cast %scan3A_810 : i32 to index
          %swap3A_1016 = arith.constant 80 : index
          %swap3A_1017 = tpu.vector_load %arg13[%swap3A_1014, %swap3A_1015, %swap3A_1016] {strides = array<i32>} : memref<2x40x128xf32, #tpu.memory_space<vmem>>, vector<1x1x16xf32>,
          %swap3A_1018 = vector.shape_cast %swap3A_1017 : vector<1x1x16xf32> to vector<16xf32>
          %swap3A_1019 = vector.shape_cast %add3A_1012 : vector<16xf32> to vector<1x1x16xf32>
          tpu.vector_store %arg13[%swap3A_1014, %swap3A_1015, %swap3A_1016], %swap3A_1019 {strides = array<i32>} : memref<2x40x128xf32, #tpu.memory_space<vmem>>, vector<1x1x16xf32>,
          %get3A_1020 = arith.constant 1 : i32
          %get3A_1021 = arith.index_cast %get3A_1020 : i32 to index
          %get3A_1022 = arith.index_cast %scan3A_810 : i32 to index
          %get3A_1023 = arith.constant 96 : index
          %get3A_1024 = tpu.vector_load %arg10[%get3A_1021, %get3A_1022, %get3A_1023] {strides = array<i32>} : memref<2x40x128xf32, #tpu.memory_space<vmem>>, vector<1x1x16xf32>,
          %get3A_1025 = vector.shape_cast %get3A_1024 : vector<1x1x16xf32> to vector<16xf32>
          %get3A_1026 = arith.constant 1 : i32
          %get3A_1027 = arith.index_cast %get3A_1026 : i32 to index
          %get3A_1028 = arith.index_cast %scan3A_810 : i32 to index
          %get3A_1029 = arith.constant 112 : index
          %get3A_1030 = tpu.vector_load %arg10[%get3A_1027, %get3A_1028, %get3A_1029] {strides = array<i32>} : memref<2x40x128xf32, #tpu.memory_space<vmem>>, vector<1x1x16xf32>,
          %get3A_1031 = vector.shape_cast %get3A_1030 : vector<1x1x16xf32> to vector<16xf32>
          %get3A_1032 = arith.constant 1 : i32
          %get3A_1033 = arith.index_cast %get3A_1032 : i32 to index
          %get3A_1034 = arith.index_cast %scan3A_810 : i32 to index
          %get3A_1035 = arith.constant 96 : index
          %get3A_1036 = tpu.vector_load %arg11[%get3A_1033, %get3A_1034, %get3A_1035] {strides = array<i32>} : memref<2x40x128xf32, #tpu.memory_space<vmem>>, vector<1x1x16xf32>,
          %get3A_1037 = vector.shape_cast %get3A_1036 : vector<1x1x16xf32> to vector<16xf32>
          %get3A_1038 = arith.constant 1 : i32
          %get3A_1039 = arith.index_cast %get3A_1038 : i32 to index
          %get3A_1040 = arith.index_cast %scan3A_810 : i32 to index
          %get3A_1041 = arith.constant 112 : index
          %get3A_1042 = tpu.vector_load %arg11[%get3A_1039, %get3A_1040, %get3A_1041] {strides = array<i32>} : memref<2x40x128xf32, #tpu.memory_space<vmem>>, vector<1x1x16xf32>,
          %get3A_1043 = vector.shape_cast %get3A_1042 : vector<1x1x16xf32> to vector<16xf32>
          %get3A_1044 = arith.index_cast %scan3A_810 : i32 to index
          %get3A_1045 = arith.constant 48 : index
          %get3A_1046 = tpu.vector_load %arg12[%get3A_1044, %get3A_1045] {strides = array<i32>} : memref<40x128xi32, #tpu.memory_space<vmem>>, vector<1x16xi32>,
          %get3A_1047 = vector.shape_cast %get3A_1046 : vector<1x16xi32> to vector<16xi32>
          %shift_left3A_1048 = arith.constant 16 : i32
          %shift_left3A_1049 = vector.broadcast %shift_left3A_1048 : i32 to vector<16xi32>
          %shift_left3A_1050 = arith.shli %get3A_1047, %shift_left3A_1049 : vector<16xi32>
          %bitcast_convert_type3A_1051 = tpu.bitcast %shift_left3A_1050 : vector<16xi32> -> vector<16xf32>
          %and3A_1052 = arith.constant -65536 : i32
          %and3A_1053 = vector.broadcast %and3A_1052 : i32 to vector<16xi32>
          %and3A_1054 = arith.andi %get3A_1047, %and3A_1053 : vector<16xi32>
          %bitcast_convert_type3A_1055 = tpu.bitcast %and3A_1054 : vector<16xi32> -> vector<16xf32>
          %get3A_1056 = arith.index_cast %scan3A_810 : i32 to index
          %get3A_1057 = arith.constant 112 : index
          %get3A_1058 = tpu.vector_load %arg12[%get3A_1056, %get3A_1057] {strides = array<i32>} : memref<40x128xi32, #tpu.memory_space<vmem>>, vector<1x16xi32>,
          %get3A_1059 = vector.shape_cast %get3A_1058 : vector<1x16xi32> to vector<16xi32>
          %shift_left3A_1060 = arith.constant 16 : i32
          %shift_left3A_1061 = vector.broadcast %shift_left3A_1060 : i32 to vector<16xi32>
          %shift_left3A_1062 = arith.shli %get3A_1059, %shift_left3A_1061 : vector<16xi32>
          %bitcast_convert_type3A_1063 = tpu.bitcast %shift_left3A_1062 : vector<16xi32> -> vector<16xf32>
          %and3A_1064 = arith.constant -65536 : i32
          %and3A_1065 = vector.broadcast %and3A_1064 : i32 to vector<16xi32>
          %and3A_1066 = arith.andi %get3A_1059, %and3A_1065 : vector<16xi32>
          %bitcast_convert_type3A_1067 = tpu.bitcast %and3A_1066 : vector<16xi32> -> vector<16xf32>
          %broadcast_in_dim3A_1068 = arith.constant 0.000000e+00 : f32
          %broadcast_in_dim3A_1069 = vector.broadcast %broadcast_in_dim3A_1068 : f32 to vector<16xf32>
          %add3A_1070 = arith.addf %get3A_1025, %get3A_1037 : vector<16xf32>
          %add3A_1071 = arith.addf %add3A_1070, %bitcast_convert_type3A_1063 : vector<16xf32>
          %max3A_1072 = arith.maximumf %add3A_1071, %broadcast_in_dim3A_1069 : vector<16xf32>
          %add3A_1073 = arith.addf %bitcast_convert_type3A_1051, %max3A_1072 : vector<16xf32>
          %swap3A_1074 = arith.constant 1 : i32
          %swap3A_1075 = arith.index_cast %swap3A_1074 : i32 to index
          %swap3A_1076 = arith.index_cast %scan3A_810 : i32 to index
          %swap3A_1077 = arith.constant 96 : index
          %swap3A_1078 = tpu.vector_load %arg13[%swap3A_1075, %swap3A_1076, %swap3A_1077] {strides = array<i32>} : memref<2x40x128xf32, #tpu.memory_space<vmem>>, vector<1x1x16xf32>,
          %swap3A_1079 = vector.shape_cast %swap3A_1078 : vector<1x1x16xf32> to vector<16xf32>
          %swap3A_1080 = vector.shape_cast %add3A_1073 : vector<16xf32> to vector<1x1x16xf32>
          tpu.vector_store %arg13[%swap3A_1075, %swap3A_1076, %swap3A_1077], %swap3A_1080 {strides = array<i32>} : memref<2x40x128xf32, #tpu.memory_space<vmem>>, vector<1x1x16xf32>,
          %add3A_1081 = arith.addf %get3A_1031, %get3A_1043 : vector<16xf32>
          %add3A_1082 = arith.addf %add3A_1081, %bitcast_convert_type3A_1067 : vector<16xf32>
          %max3A_1083 = arith.maximumf %add3A_1082, %broadcast_in_dim3A_1069 : vector<16xf32>
          %add3A_1084 = arith.addf %bitcast_convert_type3A_1055, %max3A_1083 : vector<16xf32>
          %swap3A_1085 = arith.constant 1 : i32
          %swap3A_1086 = arith.index_cast %swap3A_1085 : i32 to index
          %swap3A_1087 = arith.index_cast %scan3A_810 : i32 to index
          %swap3A_1088 = arith.constant 112 : index
          %swap3A_1089 = tpu.vector_load %arg13[%swap3A_1086, %swap3A_1087, %swap3A_1088] {strides = array<i32>} : memref<2x40x128xf32, #tpu.memory_space<vmem>>, vector<1x1x16xf32>,
          %swap3A_1090 = vector.shape_cast %swap3A_1089 : vector<1x1x16xf32> to vector<16xf32>
          %swap3A_1091 = vector.shape_cast %add3A_1084 : vector<16xf32> to vector<1x1x16xf32>
          tpu.vector_store %arg13[%swap3A_1086, %swap3A_1087, %swap3A_1088], %swap3A_1091 {strides = array<i32>} : memref<2x40x128xf32, #tpu.memory_space<vmem>>, vector<1x1x16xf32>,
        }
        %scan3A_770 = arith.constant 40 : i32
        %lt3A_771 = arith.constant 24 : i32
        %lt3A_772 = arith.cmpi slt, %scan3A_599, %lt3A_771 : i32
        %convert_element_type3A_773 = arith.extui %lt3A_772 : i1 to i32
        %cond3A_774 = arith.constant 0 : i32
        %cond3A_775 = arith.cmpi ne, %convert_element_type3A_773, %cond3A_774 : i32
        scf.if %cond3A_775 {
          %add3A_810 = arith.constant 1 : i32
          %add3A_811 = arith.addi %add3A_605, %add3A_810 : i32
          %mul3A_812 = arith.constant 50 : i32
          %mul3A_813 = arith.muli %scan3A_493, %mul3A_812 : i32
          %mul3A_814 = arith.constant 40 : i32
          %mul3A_815 = arith.muli %mul3A_813, %mul3A_814 : i32
          %add3A_816 = arith.addi %mul3A_485, %mul3A_815 : i32
          %mul3A_817 = arith.constant 40 : i32
          %mul3A_818 = arith.muli %add3A_811, %mul3A_817 : i32
          %add3A_819 = arith.addi %add3A_816, %mul3A_818 : i32
          %dma_start3A_820 = arith.constant 0 : i32
          %dma_start3A_821 = tpu.memref_slice %arg6[%add3A_819, %dma_start3A_820] : memref<320000x128xi32, #tpu.memory_space<hbm>> -> memref<40x128xi32, #tpu.memory_space<hbm>>
          %dma_start3A_822 = arith.constant 0 : i32
          %dma_start3A_823 = tpu.memref_slice %arg6[%add3A_819, %dma_start3A_822] : memref<320000x128xi32, #tpu.memory_space<hbm>> -> memref<40x128xi32, #tpu.memory_space<hbm>>
          tpu.enqueue_dma source(%dma_start3A_823 : memref<40x128xi32, #tpu.memory_space<hbm>>) target(%arg12 : memref<40x128xi32, #tpu.memory_space<vmem>>) target_semaphore(%arg19 : memref<!tpu.dma_semaphore, #tpu.memory_space<semaphore_mem>>)
        } else {
        }
        %mul3A_776 = arith.constant 50 : i32
        %mul3A_777 = arith.muli %scan3A_493, %mul3A_776 : i32
        %mul3A_778 = arith.constant 40 : i32
        %mul3A_779 = arith.muli %mul3A_777, %mul3A_778 : i32
        %add3A_780 = arith.addi %mul3A_485, %mul3A_779 : i32
        %mul3A_781 = arith.constant 40 : i32
        %mul3A_782 = arith.muli %add3A_605, %mul3A_781 : i32
        %add3A_783 = arith.addi %add3A_780, %mul3A_782 : i32
        %add3A_784 = arith.constant 50 : i32
        %add3A_785 = arith.addi %add3A_784, %add3A_605 : i32
        %dma_start3A_786 = arith.constant 1 : i32
        %dma_start3A_787 = arith.constant 0 : i32
        %dma_start3A_788 = arith.constant 0 : i32
        %dma_start3A_789 = tpu.memref_slice %arg13[%dma_start3A_786, %dma_start3A_787, %dma_start3A_788] : memref<2x40x128xf32, #tpu.memory_space<vmem>> -> memref<1x40x128xf32, #tpu.memory_space<vmem>>
        %dma_start3A_790 = tpu.memref_squeeze %dma_start3A_789 : memref<1x40x128xf32, #tpu.memory_space<vmem>> -> memref<40x128xf32, #tpu.memory_space<vmem>>
        %dma_start3A_791 = arith.constant 0 : i32
        %dma_start3A_792 = tpu.memref_slice %arg7[%add3A_783, %dma_start3A_791] : memref<320000x128xf32, #tpu.memory_space<hbm>> -> memref<40x128xf32, #tpu.memory_space<hbm>>
        %dma_start3A_793 = arith.constant 0 : i32
        %dma_start3A_794 = tpu.memref_slice %arg7[%add3A_783, %dma_start3A_793] : memref<320000x128xf32, #tpu.memory_space<hbm>> -> memref<40x128xf32, #tpu.memory_space<hbm>>
        %dma_start3A_795 = arith.constant 0 : i32
        %dma_start3A_796 = arith.constant 0 : i32
        %dma_start3A_797 = tpu.memref_slice %arg13[%dma_start3A_786, %dma_start3A_795, %dma_start3A_796] : memref<2x40x128xf32, #tpu.memory_space<vmem>> -> memref<1x40x128xf32, #tpu.memory_space<vmem>>
        %dma_start3A_798 = tpu.memref_squeeze %dma_start3A_797 : memref<1x40x128xf32, #tpu.memory_space<vmem>> -> memref<40x128xf32, #tpu.memory_space<vmem>>
        tpu.enqueue_dma source(%dma_start3A_798 : memref<40x128xf32, #tpu.memory_space<vmem>>) target(%dma_start3A_794 : memref<40x128xf32, #tpu.memory_space<hbm>>) target_semaphore(%arg21 : memref<!tpu.dma_semaphore, #tpu.memory_space<semaphore_mem>>)
        %dma_start3A_799 = arith.constant 1 : i32
        %dma_start3A_800 = arith.constant 0 : i32
        %dma_start3A_801 = arith.constant 0 : i32
        %dma_start3A_802 = tpu.memref_slice %arg13[%dma_start3A_799, %dma_start3A_800, %dma_start3A_801] : memref<2x40x128xf32, #tpu.memory_space<vmem>> -> memref<1x40x128xf32, #tpu.memory_space<vmem>>
        %dma_start3A_803 = tpu.memref_squeeze %dma_start3A_802 : memref<1x40x128xf32, #tpu.memory_space<vmem>> -> memref<40x128xf32, #tpu.memory_space<vmem>>
        %dma_start3A_804 = arith.constant 0 : i32
        %dma_start3A_805 = tpu.memref_slice %arg9[%add3A_785, %dma_start3A_804] : memref<100x40xi32, #tpu.memory_space<vmem>> -> memref<1x40xi32, #tpu.memory_space<vmem>>
        %dma_start3A_806 = tpu.memref_squeeze %dma_start3A_805 : memref<1x40xi32, #tpu.memory_space<vmem>> -> memref<40xi32, #tpu.memory_space<vmem>>
        %dma_start3A_807 = arith.constant 0 : i32
        %dma_start3A_808 = arith.constant 0 : i32
        %dma_start3A_809 = tpu.memref_slice %arg14[%dma_start3A_807, %dma_start3A_808] : memref<10112x128xf32, #tpu.memory_space<vmem_shared>> -> memref<10112x128xf32, #tpu.memory_space<vmem_shared>>
        tpu.enqueue_indirect_dma source(%dma_start3A_803 : memref<40x128xf32, #tpu.memory_space<vmem>>) target(%dma_start3A_809 : memref<10112x128xf32, #tpu.memory_space<vmem_shared>>) offsets(%dma_start3A_806 : memref<40xi32, #tpu.memory_space<vmem>>) semaphore(%arg23 : memref<!tpu.dma_semaphore, #tpu.memory_space<semaphore_mem>>) {add = true}
      }
      %scan3A_534 = arith.constant 25 : i32
      %mul3A_535 = arith.constant 50 : i32
      %mul3A_536 = arith.muli %scan3A_493, %mul3A_535 : i32
      %mul3A_537 = arith.constant 40 : i32
      %mul3A_538 = arith.muli %mul3A_536, %mul3A_537 : i32
      %add3A_539 = arith.addi %mul3A_485, %mul3A_538 : i32
      %add3A_540 = arith.constant 1920 : i32
      %add3A_541 = arith.addi %add3A_539, %add3A_540 : i32
      %dma_wait3A_542 = arith.constant 0 : i32
      %dma_wait3A_543 = arith.constant 0 : i32
      %dma_wait3A_544 = arith.constant 0 : i32
      %dma_wait3A_545 = tpu.memref_slice %arg13[%dma_wait3A_542, %dma_wait3A_543, %dma_wait3A_544] : memref<2x40x128xf32, #tpu.memory_space<vmem>> -> memref<1x40x128xf32, #tpu.memory_space<vmem>>
      %dma_wait3A_546 = tpu.memref_squeeze %dma_wait3A_545 : memref<1x40x128xf32, #tpu.memory_space<vmem>> -> memref<40x128xf32, #tpu.memory_space<vmem>>
      %dma_wait3A_547 = arith.constant 0 : i32
      %dma_wait3A_548 = tpu.memref_slice %arg7[%add3A_541, %dma_wait3A_547] : memref<320000x128xf32, #tpu.memory_space<hbm>> -> memref<40x128xf32, #tpu.memory_space<hbm>>
      %dma_wait3A_549 = arith.constant 0 : i32
      %dma_wait3A_550 = tpu.memref_slice %arg7[%add3A_541, %dma_wait3A_549] : memref<320000x128xf32, #tpu.memory_space<hbm>> -> memref<40x128xf32, #tpu.memory_space<hbm>>
      %dma_wait3A_551 = arith.constant 0 : i32
      %dma_wait3A_552 = arith.constant 0 : i32
      %dma_wait3A_553 = tpu.memref_slice %arg13[%dma_wait3A_542, %dma_wait3A_551, %dma_wait3A_552] : memref<2x40x128xf32, #tpu.memory_space<vmem>> -> memref<1x40x128xf32, #tpu.memory_space<vmem>>
      %dma_wait3A_554 = tpu.memref_squeeze %dma_wait3A_553 : memref<1x40x128xf32, #tpu.memory_space<vmem>> -> memref<40x128xf32, #tpu.memory_space<vmem>>
      tpu.wait_dma2 semaphore(%arg20 : memref<!tpu.dma_semaphore, #tpu.memory_space<semaphore_mem>>) src(%dma_wait3A_554 : memref<40x128xf32, #tpu.memory_space<vmem>>) dst(%dma_wait3A_550 : memref<40x128xf32, #tpu.memory_space<hbm>>)
      %dma_wait3A_555 = arith.constant 0 : i32
      %dma_wait3A_556 = arith.constant 98 : i32
      %dma_wait3A_557 = arith.constant 0 : i32
      %dma_wait3A_558 = arith.constant 0 : i32
      %dma_wait3A_559 = tpu.memref_slice %arg13[%dma_wait3A_555, %dma_wait3A_557, %dma_wait3A_558] : memref<2x40x128xf32, #tpu.memory_space<vmem>> -> memref<1x40x128xf32, #tpu.memory_space<vmem>>
      %dma_wait3A_560 = tpu.memref_squeeze %dma_wait3A_559 : memref<1x40x128xf32, #tpu.memory_space<vmem>> -> memref<40x128xf32, #tpu.memory_space<vmem>>
      %dma_wait3A_561 = arith.constant 0 : i32
      %dma_wait3A_562 = tpu.memref_slice %arg9[%dma_wait3A_556, %dma_wait3A_561] : memref<100x40xi32, #tpu.memory_space<vmem>> -> memref<1x40xi32, #tpu.memory_space<vmem>>
      %dma_wait3A_563 = tpu.memref_squeeze %dma_wait3A_562 : memref<1x40xi32, #tpu.memory_space<vmem>> -> memref<40xi32, #tpu.memory_space<vmem>>
      %dma_wait3A_564 = arith.constant 0 : i32
      %dma_wait3A_565 = arith.constant 0 : i32
      %dma_wait3A_566 = tpu.memref_slice %arg14[%dma_wait3A_564, %dma_wait3A_565] : memref<10112x128xf32, #tpu.memory_space<vmem_shared>> -> memref<10112x128xf32, #tpu.memory_space<vmem_shared>>
      tpu.wait_indirect_dma semaphore(%arg22 : memref<!tpu.dma_semaphore, #tpu.memory_space<semaphore_mem>>) src(%dma_wait3A_560 : memref<40x128xf32, #tpu.memory_space<vmem>>) dst(%dma_wait3A_566 : memref<10112x128xf32, #tpu.memory_space<vmem_shared>>)
      %mul3A_567 = arith.constant 50 : i32
      %mul3A_568 = arith.muli %scan3A_493, %mul3A_567 : i32
      %mul3A_569 = arith.constant 40 : i32
      %mul3A_570 = arith.muli %mul3A_568, %mul3A_569 : i32
      %add3A_571 = arith.addi %mul3A_485, %mul3A_570 : i32
      %add3A_572 = arith.constant 1960 : i32
      %add3A_573 = arith.addi %add3A_571, %add3A_572 : i32
      %dma_wait3A_574 = arith.constant 1 : i32
      %dma_wait3A_575 = arith.constant 0 : i32
      %dma_wait3A_576 = arith.constant 0 : i32
      %dma_wait3A_577 = tpu.memref_slice %arg13[%dma_wait3A_574, %dma_wait3A_575, %dma_wait3A_576] : memref<2x40x128xf32, #tpu.memory_space<vmem>> -> memref<1x40x128xf32, #tpu.memory_space<vmem>>
      %dma_wait3A_578 = tpu.memref_squeeze %dma_wait3A_577 : memref<1x40x128xf32, #tpu.memory_space<vmem>> -> memref<40x128xf32, #tpu.memory_space<vmem>>
      %dma_wait3A_579 = arith.constant 0 : i32
      %dma_wait3A_580 = tpu.memref_slice %arg7[%add3A_573, %dma_wait3A_579] : memref<320000x128xf32, #tpu.memory_space<hbm>> -> memref<40x128xf32, #tpu.memory_space<hbm>>
      %dma_wait3A_581 = arith.constant 0 : i32
      %dma_wait3A_582 = tpu.memref_slice %arg7[%add3A_573, %dma_wait3A_581] : memref<320000x128xf32, #tpu.memory_space<hbm>> -> memref<40x128xf32, #tpu.memory_space<hbm>>
      %dma_wait3A_583 = arith.constant 0 : i32
      %dma_wait3A_584 = arith.constant 0 : i32
      %dma_wait3A_585 = tpu.memref_slice %arg13[%dma_wait3A_574, %dma_wait3A_583, %dma_wait3A_584] : memref<2x40x128xf32, #tpu.memory_space<vmem>> -> memref<1x40x128xf32, #tpu.memory_space<vmem>>
      %dma_wait3A_586 = tpu.memref_squeeze %dma_wait3A_585 : memref<1x40x128xf32, #tpu.memory_space<vmem>> -> memref<40x128xf32, #tpu.memory_space<vmem>>
      tpu.wait_dma2 semaphore(%arg21 : memref<!tpu.dma_semaphore, #tpu.memory_space<semaphore_mem>>) src(%dma_wait3A_586 : memref<40x128xf32, #tpu.memory_space<vmem>>) dst(%dma_wait3A_582 : memref<40x128xf32, #tpu.memory_space<hbm>>)
      %dma_wait3A_587 = arith.constant 1 : i32
      %dma_wait3A_588 = arith.constant 99 : i32
      %dma_wait3A_589 = arith.constant 0 : i32
      %dma_wait3A_590 = arith.constant 0 : i32
      %dma_wait3A_591 = tpu.memref_slice %arg13[%dma_wait3A_587, %dma_wait3A_589, %dma_wait3A_590] : memref<2x40x128xf32, #tpu.memory_space<vmem>> -> memref<1x40x128xf32, #tpu.memory_space<vmem>>
      %dma_wait3A_592 = tpu.memref_squeeze %dma_wait3A_591 : memref<1x40x128xf32, #tpu.memory_space<vmem>> -> memref<40x128xf32, #tpu.memory_space<vmem>>
      %dma_wait3A_593 = arith.constant 0 : i32
      %dma_wait3A_594 = tpu.memref_slice %arg9[%dma_wait3A_588, %dma_wait3A_593] : memref<100x40xi32, #tpu.memory_space<vmem>> -> memref<1x40xi32, #tpu.memory_space<vmem>>
      %dma_wait3A_595 = tpu.memref_squeeze %dma_wait3A_594 : memref<1x40xi32, #tpu.memory_space<vmem>> -> memref<40xi32, #tpu.memory_space<vmem>>
      %dma_wait3A_596 = arith.constant 0 : i32
      %dma_wait3A_597 = arith.constant 0 : i32
      %dma_wait3A_598 = tpu.memref_slice %arg14[%dma_wait3A_596, %dma_wait3A_597] : memref<10112x128xf32, #tpu.memory_space<vmem_shared>> -> memref<10112x128xf32, #tpu.memory_space<vmem_shared>>
      tpu.wait_indirect_dma semaphore(%arg23 : memref<!tpu.dma_semaphore, #tpu.memory_space<semaphore_mem>>) src(%dma_wait3A_592 : memref<40x128xf32, #tpu.memory_space<vmem>>) dst(%dma_wait3A_598 : memref<10112x128xf32, #tpu.memory_space<vmem_shared>>)
    }
    %scan3A_491 = arith.constant 5 : i32
    %barrier3A_492 = arith.constant 0 : index
    tpu.barrier barrier_id(%barrier3A_492)
    "tpu.region"() ({
      %run_scoped3A = tpu.sem_alloc : memref<!tpu.dma_semaphore, #tpu.memory_space<semaphore_mem>>
      %dma_start3A_493 = arith.constant 0 : i32
      %dma_start3A_494 = tpu.memref_slice %arg8[%arg0, %mul3A_7, %dma_start3A_493] : memref<2x10112x128xf32, #tpu.memory_space<hbm>> -> memref<1x632x128xf32, #tpu.memory_space<hbm>>
      %dma_start3A_495 = tpu.memref_squeeze %dma_start3A_494 : memref<1x632x128xf32, #tpu.memory_space<hbm>> -> memref<632x128xf32, #tpu.memory_space<hbm>>
      %dma_start3A_496 = arith.constant 0 : i32
      %dma_start3A_497 = tpu.memref_slice %arg14[%mul3A_7, %dma_start3A_496] : memref<10112x128xf32, #tpu.memory_space<vmem_shared>> -> memref<632x128xf32, #tpu.memory_space<vmem_shared>>
      tpu.enqueue_dma source(%dma_start3A_497 : memref<632x128xf32, #tpu.memory_space<vmem_shared>>) target(%dma_start3A_495 : memref<632x128xf32, #tpu.memory_space<hbm>>) target_semaphore(%run_scoped3A : memref<!tpu.dma_semaphore, #tpu.memory_space<semaphore_mem>>)
      %dma_wait3A_498 = arith.constant 0 : i32
      %dma_wait3A_499 = tpu.memref_slice %arg8[%arg0, %mul3A_7, %dma_wait3A_498] : memref<2x10112x128xf32, #tpu.memory_space<hbm>> -> memref<1x632x128xf32, #tpu.memory_space<hbm>>
      %dma_wait3A_500 = tpu.memref_squeeze %dma_wait3A_499 : memref<1x632x128xf32, #tpu.memory_space<hbm>> -> memref<632x128xf32, #tpu.memory_space<hbm>>
      %dma_wait3A_501 = arith.constant 0 : i32
      %dma_wait3A_502 = tpu.memref_slice %arg14[%mul3A_7, %dma_wait3A_501] : memref<10112x128xf32, #tpu.memory_space<vmem_shared>> -> memref<632x128xf32, #tpu.memory_space<vmem_shared>>
      tpu.wait_dma2 semaphore(%run_scoped3A : memref<!tpu.dma_semaphore, #tpu.memory_space<semaphore_mem>>) src(%dma_wait3A_502 : memref<632x128xf32, #tpu.memory_space<vmem_shared>>) dst(%dma_wait3A_500 : memref<632x128xf32, #tpu.memory_space<hbm>>)
      tpu.yield
    }) : () -> ()
    return
  }
}

module attributes {stable_mosaic.version = 14 : i64} {
  func.func @_t12_body(%arg0: i32, %arg1: memref<10000x128xf32, #tpu.memory_space<vmem>>, %arg2: memref<128x128xf32, #tpu.memory_space<vmem>>, %arg3: memref<1x128xf32, #tpu.memory_space<vmem>>, %arg4: memref<128x128xf32, #tpu.memory_space<vmem>>, %arg5: memref<128x128xf32, #tpu.memory_space<vmem>>, %arg6: memref<8000x16xf32, #tpu.memory_space<vmem>>, %arg7: memref<16x256xf32, #tpu.memory_space<vmem>>, %arg8: memref<1x256xf32, #tpu.memory_space<vmem>>, %arg9: memref<10000x128xf32, #tpu.memory_space<vmem>>, %arg10: memref<10000x128xf32, #tpu.memory_space<vmem>>, %arg11: memref<10000x128xf32, #tpu.memory_space<vmem>>, %arg12: memref<8000x128xi32, #tpu.memory_space<vmem>>) attributes {dimension_semantics = [#tpu.dimension_semantics<arbitrary>], iteration_bounds = array<i64: 40>, scalar_prefetch = 0 : i64, scratch_operands = 0 : i64, tpu.core_type = #tpu.core_type<tc>, window_params = [{pipeline_mode = #tpu.pipeline_mode<synchronous>, transform_indices = @transform_0, window_bounds = array<i64: 10000, 128>}, {pipeline_mode = #tpu.pipeline_mode<synchronous>, transform_indices = @transform_1, window_bounds = array<i64: 128, 128>}, {pipeline_mode = #tpu.pipeline_mode<synchronous>, transform_indices = @transform_2, window_bounds = array<i64: 1, 128>}, {pipeline_mode = #tpu.pipeline_mode<synchronous>, transform_indices = @transform_3, window_bounds = array<i64: 128, 128>}, {pipeline_mode = #tpu.pipeline_mode<synchronous>, transform_indices = @transform_4, window_bounds = array<i64: 128, 128>}, {transform_indices = @transform_5, window_bounds = array<i64: 8000, 16>}, {pipeline_mode = #tpu.pipeline_mode<synchronous>, transform_indices = @transform_6, window_bounds = array<i64: 16, 256>}, {pipeline_mode = #tpu.pipeline_mode<synchronous>, transform_indices = @transform_7, window_bounds = array<i64: 1, 256>}, {pipeline_mode = #tpu.pipeline_mode<synchronous>, transform_indices = @transform_8, window_bounds = array<i64: 10000, 128>}, {pipeline_mode = #tpu.pipeline_mode<synchronous>, transform_indices = @transform_9, window_bounds = array<i64: 10000, 128>}, {pipeline_mode = #tpu.pipeline_mode<synchronous>, transform_indices = @transform_10, window_bounds = array<i64: 10000, 128>}, {transform_indices = @transform_11, window_bounds = array<i64: 8000, 128>}]} {
    %eq3A = arith.constant 0 : i32
    %eq3A_0 = arith.cmpi eq, %arg0, %eq3A : i32
    %convert_element_type3A = arith.extui %eq3A_0 : i1 to i32
    %cond3A = arith.constant 0 : i32
    %cond3A_1 = arith.cmpi ne, %convert_element_type3A, %cond3A : i32
    scf.if %cond3A_1 {
      %get3A_39 = arith.constant 0 : index
      %get3A_40 = arith.constant 0 : index
      %get3A_41 = vector.load %arg1[%get3A_39, %get3A_40] : memref<10000x128xf32, #tpu.memory_space<vmem>>, vector<10000x128xf32>
      %get3A_42 = arith.constant 0 : index
      %get3A_43 = arith.constant 0 : index
      %get3A_44 = vector.load %arg2[%get3A_42, %get3A_43] : memref<128x128xf32, #tpu.memory_space<vmem>>, vector<128x128xf32>
      %dot_general3A_45 = arith.constant dense<0.000000e+00> : vector<10000x128xf32>
      %dot_general3A_46 = tpu.matmul %get3A_41, %get3A_44, %dot_general3A_45 {dimension_numbers = #tpu.dot_dimension_numbers<[1], [0], [0], [1], [0, 0, 1, 1], [], []>, transpose_lhs_hint = false} : vector<10000x128xf32>, vector<128x128xf32>, vector<10000x128xf32> -> vector<10000x128xf32>
      %get3A_47 = arith.constant 0 : index
      %get3A_48 = arith.constant 0 : index
      %get3A_49 = vector.load %arg3[%get3A_47, %get3A_48] : memref<1x128xf32, #tpu.memory_space<vmem>>, vector<1x128xf32>
      %add3A_50 = vector.broadcast %get3A_49 : vector<1x128xf32> to vector<10000x128xf32>
      %add3A_51 = arith.addf %dot_general3A_46, %add3A_50 : vector<10000x128xf32>
      %swap3A_52 = arith.constant 0 : index
      %swap3A_53 = arith.constant 0 : index
      %swap3A_54 = vector.load %arg9[%swap3A_52, %swap3A_53] : memref<10000x128xf32, #tpu.memory_space<vmem>>, vector<10000x128xf32>
      tpu.vector_store %arg9[%swap3A_52, %swap3A_53], %add3A_51 {strides = array<i32>} : memref<10000x128xf32, #tpu.memory_space<vmem>>, vector<10000x128xf32>,
      %get3A_55 = arith.constant 0 : index
      %get3A_56 = arith.constant 0 : index
      %get3A_57 = vector.load %arg4[%get3A_55, %get3A_56] : memref<128x128xf32, #tpu.memory_space<vmem>>, vector<128x128xf32>
      %dot_general3A_58 = arith.constant dense<0.000000e+00> : vector<10000x128xf32>
      %dot_general3A_59 = tpu.matmul %add3A_51, %get3A_57, %dot_general3A_58 {dimension_numbers = #tpu.dot_dimension_numbers<[1], [0], [0], [1], [0, 0, 1, 1], [], []>, transpose_lhs_hint = false} : vector<10000x128xf32>, vector<128x128xf32>, vector<10000x128xf32> -> vector<10000x128xf32>
      %swap3A_60 = arith.constant 0 : index
      %swap3A_61 = arith.constant 0 : index
      %swap3A_62 = vector.load %arg10[%swap3A_60, %swap3A_61] : memref<10000x128xf32, #tpu.memory_space<vmem>>, vector<10000x128xf32>
      tpu.vector_store %arg10[%swap3A_60, %swap3A_61], %dot_general3A_59 {strides = array<i32>} : memref<10000x128xf32, #tpu.memory_space<vmem>>, vector<10000x128xf32>,
      %get3A_63 = arith.constant 0 : index
      %get3A_64 = arith.constant 0 : index
      %get3A_65 = vector.load %arg5[%get3A_63, %get3A_64] : memref<128x128xf32, #tpu.memory_space<vmem>>, vector<128x128xf32>
      %dot_general3A_66 = arith.constant dense<0.000000e+00> : vector<10000x128xf32>
      %dot_general3A_67 = tpu.matmul %add3A_51, %get3A_65, %dot_general3A_66 {dimension_numbers = #tpu.dot_dimension_numbers<[1], [0], [0], [1], [0, 0, 1, 1], [], []>, transpose_lhs_hint = false} : vector<10000x128xf32>, vector<128x128xf32>, vector<10000x128xf32> -> vector<10000x128xf32>
      %swap3A_68 = arith.constant 0 : index
      %swap3A_69 = arith.constant 0 : index
      %swap3A_70 = vector.load %arg11[%swap3A_68, %swap3A_69] : memref<10000x128xf32, #tpu.memory_space<vmem>>, vector<10000x128xf32>
      tpu.vector_store %arg11[%swap3A_68, %swap3A_69], %dot_general3A_67 {strides = array<i32>} : memref<10000x128xf32, #tpu.memory_space<vmem>>, vector<10000x128xf32>,
    } else {
    }
    %get3A = arith.constant 0 : index
    %get3A_2 = arith.constant 0 : index
    %get3A_3 = vector.load %arg6[%get3A, %get3A_2] : memref<8000x16xf32, #tpu.memory_space<vmem>>, vector<8000x16xf32>
    %get3A_4 = arith.constant 0 : index
    %get3A_5 = arith.constant 0 : index
    %get3A_6 = vector.load %arg7[%get3A_4, %get3A_5] : memref<16x256xf32, #tpu.memory_space<vmem>>, vector<16x256xf32>
    %dot_general3A = arith.constant dense<0.000000e+00> : vector<8000x256xf32>
    %dot_general3A_7 = tpu.matmul %get3A_3, %get3A_6, %dot_general3A {dimension_numbers = #tpu.dot_dimension_numbers<[1], [0], [0], [1], [0, 0, 1, 1], [], []>, transpose_lhs_hint = false} : vector<8000x16xf32>, vector<16x256xf32>, vector<8000x256xf32> -> vector<8000x256xf32>
    %get3A_8 = arith.constant 0 : index
    %get3A_9 = arith.constant 0 : index
    %get3A_10 = vector.load %arg8[%get3A_8, %get3A_9] : memref<1x256xf32, #tpu.memory_space<vmem>>, vector<1x256xf32>
    %add3A = vector.broadcast %get3A_10 : vector<1x256xf32> to vector<8000x256xf32>
    %add3A_11 = arith.addf %dot_general3A_7, %add3A : vector<8000x256xf32>
    %slice3A = vector.extract_strided_slice %add3A_11 {offsets = [0, 0], sizes = [8000, 64], strides = [1, 1]} : vector<8000x256xf32> to vector<8000x64xf32>
    %slice3A_12 = vector.extract_strided_slice %add3A_11 {offsets = [0, 64], sizes = [8000, 64], strides = [1, 1]} : vector<8000x256xf32> to vector<8000x64xf32>
    %convert_element_type3A_13 = arith.truncf %slice3A : vector<8000x64xf32> to vector<8000x64xbf16>
    %bitcast_convert_type3A = tpu.bitcast %convert_element_type3A_13 : vector<8000x64xbf16> -> vector<8000x64xi16>
    %convert_element_type3A_14 = arith.truncf %slice3A_12 : vector<8000x64xf32> to vector<8000x64xbf16>
    %bitcast_convert_type3A_15 = tpu.bitcast %convert_element_type3A_14 : vector<8000x64xbf16> -> vector<8000x64xi16>
    %convert_element_type3A_16 = arith.extui %bitcast_convert_type3A : vector<8000x64xi16> to vector<8000x64xi32>
    %convert_element_type3A_17 = arith.extui %bitcast_convert_type3A_15 : vector<8000x64xi16> to vector<8000x64xi32>
    %shift_left3A = arith.constant 16 : i32
    %shift_left3A_18 = vector.broadcast %shift_left3A : i32 to vector<8000x64xi32>
    %shift_left3A_19 = arith.shli %convert_element_type3A_17, %shift_left3A_18 : vector<8000x64xi32>
    %or3A = arith.ori %convert_element_type3A_16, %shift_left3A_19 : vector<8000x64xi32>
    %bitcast_convert_type3A_20 = tpu.bitcast %or3A : vector<8000x64xi32> -> vector<8000x64xi32>
    %swap3A = arith.constant 0 : index
    %swap3A_21 = arith.constant 0 : index
    %swap3A_22 = vector.load %arg12[%swap3A, %swap3A_21] : memref<8000x128xi32, #tpu.memory_space<vmem>>, vector<8000x64xi32>
    tpu.vector_store %arg12[%swap3A, %swap3A_21], %bitcast_convert_type3A_20 {strides = array<i32>} : memref<8000x128xi32, #tpu.memory_space<vmem>>, vector<8000x64xi32>,
    %slice3A_23 = vector.extract_strided_slice %add3A_11 {offsets = [0, 128], sizes = [8000, 64], strides = [1, 1]} : vector<8000x256xf32> to vector<8000x64xf32>
    %slice3A_24 = vector.extract_strided_slice %add3A_11 {offsets = [0, 192], sizes = [8000, 64], strides = [1, 1]} : vector<8000x256xf32> to vector<8000x64xf32>
    %convert_element_type3A_25 = arith.truncf %slice3A_23 : vector<8000x64xf32> to vector<8000x64xbf16>
    %bitcast_convert_type3A_26 = tpu.bitcast %convert_element_type3A_25 : vector<8000x64xbf16> -> vector<8000x64xi16>
    %convert_element_type3A_27 = arith.truncf %slice3A_24 : vector<8000x64xf32> to vector<8000x64xbf16>
    %bitcast_convert_type3A_28 = tpu.bitcast %convert_element_type3A_27 : vector<8000x64xbf16> -> vector<8000x64xi16>
    %convert_element_type3A_29 = arith.extui %bitcast_convert_type3A_26 : vector<8000x64xi16> to vector<8000x64xi32>
    %convert_element_type3A_30 = arith.extui %bitcast_convert_type3A_28 : vector<8000x64xi16> to vector<8000x64xi32>
    %shift_left3A_31 = arith.constant 16 : i32
    %shift_left3A_32 = vector.broadcast %shift_left3A_31 : i32 to vector<8000x64xi32>
    %shift_left3A_33 = arith.shli %convert_element_type3A_30, %shift_left3A_32 : vector<8000x64xi32>
    %or3A_34 = arith.ori %convert_element_type3A_29, %shift_left3A_33 : vector<8000x64xi32>
    %bitcast_convert_type3A_35 = tpu.bitcast %or3A_34 : vector<8000x64xi32> -> vector<8000x64xi32>
    %swap3A_36 = arith.constant 0 : index
    %swap3A_37 = arith.constant 64 : index
    %swap3A_38 = vector.load %arg12[%swap3A_36, %swap3A_37] : memref<8000x128xi32, #tpu.memory_space<vmem>>, vector<8000x64xi32>
    tpu.vector_store %arg12[%swap3A_36, %swap3A_37], %bitcast_convert_type3A_35 {strides = array<i32>} : memref<8000x128xi32, #tpu.memory_space<vmem>>, vector<8000x64xi32>,
    return
  }
  func.func @transform_0(%arg0: i32) -> (i32, i32) {
    %c0_i32 = arith.constant 0 : i32
    %c0_i32_0 = arith.constant 0 : i32
    %c0_i32_1 = arith.constant 0 : i32
    return %c0_i32, %c0_i32_0 : i32, i32
  }
  func.func @transform_1(%arg0: i32) -> (i32, i32) {
    %c0_i32 = arith.constant 0 : i32
    %c0_i32_0 = arith.constant 0 : i32
    %c0_i32_1 = arith.constant 0 : i32
    return %c0_i32, %c0_i32_0 : i32, i32
  }
  func.func @transform_2(%arg0: i32) -> (i32, i32) {
    %c0_i32 = arith.constant 0 : i32
    %c0_i32_0 = arith.constant 0 : i32
    %c0_i32_1 = arith.constant 0 : i32
    return %c0_i32, %c0_i32_0 : i32, i32
  }
  func.func @transform_3(%arg0: i32) -> (i32, i32) {
    %c0_i32 = arith.constant 0 : i32
    %c0_i32_0 = arith.constant 0 : i32
    %c0_i32_1 = arith.constant 0 : i32
    return %c0_i32, %c0_i32_0 : i32, i32
  }
  func.func @transform_4(%arg0: i32) -> (i32, i32) {
    %c0_i32 = arith.constant 0 : i32
    %c0_i32_0 = arith.constant 0 : i32
    %c0_i32_1 = arith.constant 0 : i32
    return %c0_i32, %c0_i32_0 : i32, i32
  }
  func.func @transform_5(%arg0: i32) -> (i32, i32) {
    %c0_i32 = arith.constant 0 : i32
    %c0_i32_0 = arith.constant 0 : i32
    return %arg0, %c0_i32 : i32, i32
  }
  func.func @transform_6(%arg0: i32) -> (i32, i32) {
    %c0_i32 = arith.constant 0 : i32
    %c0_i32_0 = arith.constant 0 : i32
    %c0_i32_1 = arith.constant 0 : i32
    return %c0_i32, %c0_i32_0 : i32, i32
  }
  func.func @transform_7(%arg0: i32) -> (i32, i32) {
    %c0_i32 = arith.constant 0 : i32
    %c0_i32_0 = arith.constant 0 : i32
    %c0_i32_1 = arith.constant 0 : i32
    return %c0_i32, %c0_i32_0 : i32, i32
  }
  func.func @transform_8(%arg0: i32) -> (i32, i32) {
    %c0_i32 = arith.constant 0 : i32
    %c0_i32_0 = arith.constant 0 : i32
    %c0_i32_1 = arith.constant 0 : i32
    return %c0_i32, %c0_i32_0 : i32, i32
  }
  func.func @transform_9(%arg0: i32) -> (i32, i32) {
    %c0_i32 = arith.constant 0 : i32
    %c0_i32_0 = arith.constant 0 : i32
    %c0_i32_1 = arith.constant 0 : i32
    return %c0_i32, %c0_i32_0 : i32, i32
  }
  func.func @transform_10(%arg0: i32) -> (i32, i32) {
    %c0_i32 = arith.constant 0 : i32
    %c0_i32_0 = arith.constant 0 : i32
    %c0_i32_1 = arith.constant 0 : i32
    return %c0_i32, %c0_i32_0 : i32, i32
  }
  func.func @transform_11(%arg0: i32) -> (i32, i32) {
    %c0_i32 = arith.constant 0 : i32
    %c0_i32_0 = arith.constant 0 : i32
    return %arg0, %c0_i32 : i32, i32
  }
}

module attributes {stable_mosaic.version = 14 : i64} {
  func.func @_t3_body(%arg0: i32, %arg1: memref<2000x128xf32, #tpu.memory_space<vmem>>, %arg2: memref<2x2000x128xf32, #tpu.memory_space<vmem>>, %arg3: memref<128x128xf32, #tpu.memory_space<vmem>>, %arg4: memref<128x128xf32, #tpu.memory_space<vmem>>, %arg5: memref<1x128xf32, #tpu.memory_space<vmem>>, %arg6: memref<2000x128xf32, #tpu.memory_space<vmem>>) attributes {dimension_semantics = [#tpu.dimension_semantics<arbitrary>], iteration_bounds = array<i64: 5>, scalar_prefetch = 0 : i64, scratch_operands = 0 : i64, tpu.core_type = #tpu.core_type<tc>, window_params = [{transform_indices = @transform_0, window_bounds = array<i64: 2000, 128>}, {transform_indices = @transform_1, window_bounds = array<i64: 2, 2000, 128>}, {pipeline_mode = #tpu.pipeline_mode<synchronous>, transform_indices = @transform_2, window_bounds = array<i64: 128, 128>}, {pipeline_mode = #tpu.pipeline_mode<synchronous>, transform_indices = @transform_3, window_bounds = array<i64: 128, 128>}, {pipeline_mode = #tpu.pipeline_mode<synchronous>, transform_indices = @transform_4, window_bounds = array<i64: 1, 128>}, {transform_indices = @transform_5, window_bounds = array<i64: 2000, 128>}]} {
    %get3A = arith.constant 0 : index
    %get3A_0 = arith.constant 0 : index
    %get3A_1 = vector.load %arg1[%get3A, %get3A_0] : memref<2000x128xf32, #tpu.memory_space<vmem>>, vector<2000x128xf32>
    %get3A_2 = arith.constant 0 : index
    %get3A_3 = arith.constant 0 : index
    %get3A_4 = arith.constant 0 : index
    %get3A_5 = vector.load %arg2[%get3A_2, %get3A_3, %get3A_4] : memref<2x2000x128xf32, #tpu.memory_space<vmem>>, vector<1x2000x128xf32>
    %get3A_6 = vector.shape_cast %get3A_5 : vector<1x2000x128xf32> to vector<2000x128xf32>
    %get3A_7 = arith.constant 1 : index
    %get3A_8 = arith.constant 0 : index
    %get3A_9 = arith.constant 0 : index
    %get3A_10 = vector.load %arg2[%get3A_7, %get3A_8, %get3A_9] : memref<2x2000x128xf32, #tpu.memory_space<vmem>>, vector<1x2000x128xf32>
    %get3A_11 = vector.shape_cast %get3A_10 : vector<1x2000x128xf32> to vector<2000x128xf32>
    %add3A = arith.addf %get3A_6, %get3A_11 : vector<2000x128xf32>
    %get3A_12 = arith.constant 0 : index
    %get3A_13 = arith.constant 0 : index
    %get3A_14 = vector.load %arg3[%get3A_12, %get3A_13] : memref<128x128xf32, #tpu.memory_space<vmem>>, vector<128x128xf32>
    %dot_general3A = arith.constant dense<0.000000e+00> : vector<2000x128xf32>
    %dot_general3A_15 = tpu.matmul %get3A_1, %get3A_14, %dot_general3A {dimension_numbers = #tpu.dot_dimension_numbers<[1], [0], [0], [1], [0, 0, 1, 1], [], []>, transpose_lhs_hint = false} : vector<2000x128xf32>, vector<128x128xf32>, vector<2000x128xf32> -> vector<2000x128xf32>
    %get3A_16 = arith.constant 0 : index
    %get3A_17 = arith.constant 0 : index
    %get3A_18 = vector.load %arg4[%get3A_16, %get3A_17] : memref<128x128xf32, #tpu.memory_space<vmem>>, vector<128x128xf32>
    %dot_general3A_19 = arith.constant dense<0.000000e+00> : vector<2000x128xf32>
    %dot_general3A_20 = tpu.matmul %add3A, %get3A_18, %dot_general3A_19 {dimension_numbers = #tpu.dot_dimension_numbers<[1], [0], [0], [1], [0, 0, 1, 1], [], []>, transpose_lhs_hint = false} : vector<2000x128xf32>, vector<128x128xf32>, vector<2000x128xf32> -> vector<2000x128xf32>
    %add3A_21 = arith.addf %dot_general3A_15, %dot_general3A_20 : vector<2000x128xf32>
    %get3A_22 = arith.constant 0 : index
    %get3A_23 = arith.constant 0 : index
    %get3A_24 = vector.load %arg5[%get3A_22, %get3A_23] : memref<1x128xf32, #tpu.memory_space<vmem>>, vector<1x128xf32>
    %add3A_25 = vector.broadcast %get3A_24 : vector<1x128xf32> to vector<2000x128xf32>
    %add3A_26 = arith.addf %add3A_21, %add3A_25 : vector<2000x128xf32>
    %max3A = arith.constant 0.000000e+00 : f32
    %max3A_27 = vector.broadcast %max3A : f32 to vector<2000x128xf32>
    %max3A_28 = arith.maximumf %add3A_26, %max3A_27 : vector<2000x128xf32>
    %add3A_29 = arith.addf %get3A_1, %max3A_28 : vector<2000x128xf32>
    %swap3A = arith.constant 0 : index
    %swap3A_30 = arith.constant 0 : index
    %swap3A_31 = vector.load %arg6[%swap3A, %swap3A_30] : memref<2000x128xf32, #tpu.memory_space<vmem>>, vector<2000x128xf32>
    tpu.vector_store %arg6[%swap3A, %swap3A_30], %add3A_29 {strides = array<i32>} : memref<2000x128xf32, #tpu.memory_space<vmem>>, vector<2000x128xf32>,
    return
  }
  func.func @transform_0(%arg0: i32) -> (i32, i32) {
    %c0_i32 = arith.constant 0 : i32
    %c0_i32_0 = arith.constant 0 : i32
    return %arg0, %c0_i32 : i32, i32
  }
  func.func @transform_1(%arg0: i32) -> (i32, i32, i32) {
    %c0_i32 = arith.constant 0 : i32
    %c0_i32_0 = arith.constant 0 : i32
    %c0_i32_1 = arith.constant 0 : i32
    return %c0_i32, %arg0, %c0_i32_0 : i32, i32, i32
  }
  func.func @transform_2(%arg0: i32) -> (i32, i32) {
    %c0_i32 = arith.constant 0 : i32
    %c0_i32_0 = arith.constant 0 : i32
    %c0_i32_1 = arith.constant 0 : i32
    return %c0_i32, %c0_i32_0 : i32, i32
  }
  func.func @transform_3(%arg0: i32) -> (i32, i32) {
    %c0_i32 = arith.constant 0 : i32
    %c0_i32_0 = arith.constant 0 : i32
    %c0_i32_1 = arith.constant 0 : i32
    return %c0_i32, %c0_i32_0 : i32, i32
  }
  func.func @transform_4(%arg0: i32) -> (i32, i32) {
    %c0_i32 = arith.constant 0 : i32
    %c0_i32_0 = arith.constant 0 : i32
    %c0_i32_1 = arith.constant 0 : i32
    return %c0_i32, %c0_i32_0 : i32, i32
  }
  func.func @transform_5(%arg0: i32) -> (i32, i32) {
    %c0_i32 = arith.constant 0 : i32
    %c0_i32_0 = arith.constant 0 : i32
    return %arg0, %c0_i32 : i32, i32
  }
}

</mosaic_0001>

<sc_bundles>
// kernel: kernel.5.cloned.1.call-start
scs
__scs_entry_jumppad:
0x0: {  	(pc) =	sbr.rel $0x88, $3  }
0x1: {  	(tag) =	ssettag $0x0;
	lr =	simm.s32 $0x1  }
0x2: {  	[smem:$0x3F96] =	sst lr;
	_ =	strace $0xD0000000  }
0x3: {  	_ = 	snop  }
0x4: {  	_ = 	snop  }
0x5: {  	_ = 	snop  }
0x6: {  	_ = 	snop  }
0x7: {  	_ = 	snop  }
__scs_overlays_trampoline_lowered:
0x8: {  	[smem:$0x3FA5] =	sst s0  }
0x9: {  	[smem:$0x3FA6] =	sst s1  }
0xa: {  	[smem:$0x3FA7] =	sst s2  }
0xb: {  	[smem:$0x3FA8] =	sst s3  }
0xc: {  	[smem:$0x3FA9] =	sst s4  }
0xd: {  	[smem:$0x3FAA] =	sst s5  }
0xe: {  	[smem:$0x3FAB] =	sst s6  }
0xf: {  	[smem:$0x3FAC] =	sst s7  }
0x10: {  	[smem:$0x3FAD] =	sst s8  }
0x11: {  	[smem:$0x3FAE] =	sst s9;
	s0 =	simm.s32 @!p0 $0x0  }
0x12: {  	s1 =	sld [smem:$0x3F94];
	s0 =	simm.s32 @p0 $0x1  }
0x13: {  	[smem:$0x3FAF] =	sst s0;
	s0 =	simm.s32 @!p1 $0x0  }
0x14: {  	s2 =	sld [smem:$0x3F93];
	s0 =	simm.s32 @p1 $0x1  }
0x15: {  	[smem:$0x3FB0] =	sst s0;
	s0 =	simm.s32 @!p2 $0x0  }
0x16: {  	s3 =	sld [smem:$0x3FDB];
	s0 =	simm.s32 @p2 $0x1  }
0x17: {  	s4 =	simm.s32 $0x1BF5;
	[smem:$0x3FB2] =	sst s0  }
0x18: {  	s0 =	sld [smem:$0x3F95];
	_ =	swait.ge [sflag:s4], $0x0  }
0x19: {  	s7 =	sld [smem:$0x3F96]  }
0x1a: {  	s8 =	sadd.s32 $0xFFFFE003, lr  }
0x1b: {  	s9 =	sadd.s32 $0xFFFFFEF7, lr;
	s5 =	simm.s32 $0xFFFFFFFF;
	p2 =	slt.u32 s8, $0xFFFFF086  }
0x1c: {  	p1 =	slt.u32 s9, $0xF7A;
	s5 =	simm.s32 @!p2 $0x0  }
0x1d: {  	s5 =	simm.s32 @p1 $0x1;
	p0 =	seq.s32 s7, s2  }
0x1e: {  	s7 =	smul.u32 @!p0 $0xF7A, s2;
	p2 =	seq.s32 @!p0 s5, $0x0  }
0x1f: {  	s9 =	smul.u32 $0xF7A, s1;
	s8 =	simm.s32 @!p0 $0x1BF5;
	p2 =	por !p2, p0  }
0x20: {  	[sflag:s8] =	ssyncset.s32 @!p0 $0xFFFFF086;
	s6 =	sadd.s32 @!p0 s3, s7;
	s7 =	simm.s32 @!p0 $0x108  }
0x21: {  	s3 =	sadd.s32 s3, s9;
	s6 =	sadd.s32 @!p0 $0x88, s6;
	s7 =	simm.s32 @p2 $0x1082  }
0x22: {  	[simem:s7], [sflag:s8] =	dma.local @!p0 [hbm:s6], $0xF7A  }
0x23: {  	s9 =	sor.u32 $0xD0000000, s2;
	s6 =	simm.s32 $0x108;
	_ =	swait.ge @!p0 [sflag:s8], $0x0  }
0x24: {  	s3 =	sadd.s32 $0x88, s3;
	s6 =	simm.s32 @!p1 $0x1082;
	[sflag:s4] =	ssyncset.s32 $0xFFFFF086  }
0x25: {  	[simem:s6], [sflag:s4] =	dma.local [hbm:s3], $0xF7A  }
0x26: {  	[smem:$0x3F96] =	sst s1;
	(tag) =	ssettag s2;
	_ =	strace s9  }
0x27: {  	s1 =	sld [smem:$0x3FA6]  }
0x28: {  	s2 =	sld [smem:$0x3FA7]  }
0x29: {  	s4 =	sld [smem:$0x3FA9]  }
0x2a: {  	p0 =	seq.s32 s5, $0x0;
	s5 =	sld [smem:$0x3FAA]  }
0x2b: {  	s6 =	sld [smem:$0x3FAB]  }
0x2c: {  	s7 =	sld [smem:$0x3FAC]  }
0x2d: {  	s3 =	simm.s32 $0x108;
	s8 =	sld [smem:$0x3FAD]  }
0x2e: {  	s3 =	simm.s32 @!p0 $0x1082;
	s9 =	sld [smem:$0x3FAE]  }
0x2f: {  	lr =	sadd.s32 s0, s3;
	s0 =	sld [smem:$0x3FA5]  }
0x30: {  	s3 =	sld [smem:$0x3FA8]  }
0x31: {  	[smem:$0x3FB1] =	sst s10  }
0x32: {  	s10 =	sld [smem:$0x3FAF];
	_ =	sdelay $0x3  }
0x33: {  	p0 =	seq.s32 s10, $0x1;
	s10 =	sld [smem:$0x3FB1];
	_ =	sdelay $0x3  }
0x34: {  	[smem:$0x3FB1] =	sst s10  }
0x35: {  	s10 =	sld [smem:$0x3FB0];
	_ =	sdelay $0x3  }
0x36: {  	p1 =	seq.s32 s10, $0x1;
	s10 =	sld [smem:$0x3FB1];
	_ =	sdelay $0x3  }
0x37: {  	[smem:$0x3FB1] =	sst s10  }
0x38: {  	s10 =	sld [smem:$0x3FB2]  }
0x39: {  	_ = 	snop;
	(pc) =	sbr.ind lr, $3  }
0x3a: {  	_ = 	snop  }
0x3b: {  	_ = 	snop  }
0x3c: {  	p2 =	seq.s32 s10, $0x1;
	s10 =	sld [smem:$0x3FB1]  }
0x3d: {  	_ =	shalt  }
0x3e: {  	_ =	shalt  }
0x3f: {  	_ =	shalt  }
0x40: {  	_ =	shalt  }
0x41: {  	_ =	shalt  }
0x42: {  	_ =	shalt  }
0x43: {  	_ =	shalt  }
0x44: {  	_ =	shalt  }
0x45: {  	_ =	shalt  }
0x46: {  	_ =	shalt  }
0x47: {  	_ =	shalt  }
0x48: {  	_ =	shalt  }
0x49: {  	_ =	shalt  }
0x4a: {  	_ =	shalt  }
0x4b: {  	_ =	shalt  }
0x4c: {  	_ =	shalt  }
0x4d: {  	_ =	shalt  }
0x4e: {  	_ =	shalt  }
0x4f: {  	_ =	shalt  }
0x50: {  	_ =	shalt  }
0x51: {  	_ =	shalt  }
0x52: {  	_ =	shalt  }
0x53: {  	_ =	shalt  }
0x54: {  	_ =	shalt  }
0x55: {  	_ =	shalt  }
0x56: {  	_ =	shalt  }
0x57: {  	_ =	shalt  }
0x58: {  	_ =	shalt  }
0x59: {  	_ =	shalt  }
0x5a: {  	_ =	shalt  }
0x5b: {  	_ =	shalt  }
0x5c: {  	_ =	shalt  }
0x5d: {  	_ =	shalt  }
0x5e: {  	_ =	shalt  }
0x5f: {  	_ =	shalt  }
0x60: {  	_ =	shalt  }
0x61: {  	_ =	shalt  }
0x62: {  	_ =	shalt  }
0x63: {  	_ =	shalt  }
0x64: {  	_ =	shalt  }
0x65: {  	_ =	shalt  }
0x66: {  	_ =	shalt  }
0x67: {  	_ =	shalt  }
0x68: {  	_ =	shalt  }
0x69: {  	_ =	shalt  }
0x6a: {  	_ =	shalt  }
0x6b: {  	_ =	shalt  }
0x6c: {  	_ =	shalt  }
0x6d: {  	_ =	shalt  }
0x6e: {  	_ =	shalt  }
0x6f: {  	_ =	shalt  }
0x70: {  	_ =	shalt  }
0x71: {  	_ =	shalt  }
0x72: {  	_ =	shalt  }
0x73: {  	_ =	shalt  }
0x74: {  	_ =	shalt  }
0x75: {  	_ =	shalt  }
0x76: {  	_ =	shalt  }
0x77: {  	_ =	shalt  }
0x78: {  	_ =	shalt  }
0x79: {  	_ =	shalt  }
0x7a: {  	_ =	shalt  }
0x7b: {  	_ =	shalt  }
0x7c: {  	_ =	shalt  }
0x7d: {  	_ =	shalt  }
0x7e: {  	_ =	shalt  }
0x7f: {  	_ =	shalt  }
0x80: {  	_ =	shalt  }
0x81: {  	_ =	shalt  }
0x82: {  	_ =	shalt  }
0x83: {  	_ =	shalt  }
0x84: {  	_ =	shalt  }
0x85: {  	_ =	shalt  }
0x86: {  	_ =	shalt  }
0x87: {  	_ =	shalt  }
.Lfunc_end0:
.L_simem_size_0:
called_computation_lowered:
.L_overlay_start_0:
0x88: {  	s2 =	sld [smem:$0x3FD9]  }
0x89: {  	s3 =	sld [smem:$0x3FFE];
	_ =	sdelay $0x1  }
0x8a: {  	s1 =	srdreg.scid  }
0x8b: {  	s0 =	sand.u32 $0x1, s1  }
0x8c: {  	s14 =	sshll.u32 s0, $0xA;
	s2 =	sadd.s32 s3, s2  }
0x8d: {  	s2 =	sadd.s32 s2, s14  }
0x8e: {  	[smem:$0x3FBD] =	sst s2  }
0x8f: {  	_ = 	snop  }
0x90: {  	s2 =	sld [smem:$0x3FD0];
	_ =	sdelay $0x2  }
0x91: {  	s15 =	simm.s32 $0xA;
	s4 =	simm.s32 $0x10  }
0x92: {  	[smem:s4], [sflag:s15] =	dma.local [hbm:s2], $0x1  }
0x93: {  	_ =	swait.eq [sflag:s15], $0x1  }
0x94: {  	[sflag:s15] =	ssyncset.done $0x0  }
0x95: {  	[sflag:s15] =	ssyncadd.s32 $0xFFFFFFFF  }
0x96: {  	s16 =	sld [smem:$0x11];
	(tm) =	ssettm $0x1  }
0x97: {  	s17 =	sld [smem:$0x3FFB];
	_ =	sdelay $0x3  }
0x98: {  	_ =	strace s17  }
0x99: {  	s3 =	sld [smem:$0x3FFC];
	_ =	sdelay $0x3  }
0x9a: {  	_ =	strace s3  }
0x9b: {  	s3 =	sld [smem:$0x3FFD];
	_ =	sdelay $0x3  }
0x9c: {  	_ =	strace s3  }
0x9d: {  	_ =	strace $0x8FFFFFFF  }
0x9e: {  	s18 =	sld [smem:$0x3FDB];
	_ =	sdelay $0x1  }
0x9f: {  	s19 =	simm.s32 $_scs_section_size  }
0xa0: {  	s5 =	simm.s32 $_size__tile_overlayer_lowered;
	s6 =	simm.s32 $_tile_overlayer_lowered  }
0xa1: {  	s22 =	simm.s32 $0x1BFF;
	s21 =	sshll.u32 s6, $0x1;
	s3 =	sadd.s32 s19, s18  }
0xa2: {  	s7 =	simm.s32 $0x0;
	s20 =	sshll.u32 s5, $0x1;
	s5 =	sadd.s32 s21, s3  }
0xa3: {  	[timem:s7], [sflag:s22] =	dma.local [hbm:s5], s20  }
0xa4: {  	_ =	swait.ge [sflag:s22], s20  }
0xa5: {  	s4 =	ssub.s32 $0x0, s20;
	[sflag:s22] =	ssyncset.done $0x0  }
0xa6: {  	[sflag:s22] =	ssyncadd.s32 s4;
	_ =	sdelay $0x1  }
0xa7: {  	s23 =	simm.s32 $0x1B8B  }
0xa8: {  	_ =	swait.ge [sflag:s23], $0x1  }
0xa9: {  	[sflag:s23] =	ssyncset.done $0x0  }
0xaa: {  	s25 =	simm.s32 $0x1B8E;
	s24 =	sld [smem:$0x3FFE];
	[sflag:s23] =	ssyncadd.s32 $0xFFFFFFFF  }
0xab: {  	s26 =	simm.s32 $execute0_lowered;
	[smem:$0x3FD2] =	sst s25  }
0xac: {  	s5 =	sshll.u32 s26, $0x1;
	_ =	strace $0x80000046;
	[dreg:$0x1] =	wrdreg $0xFFFFFFFF  }
0xad: {  	s28 =	simm.s32 $_size_execute0_lowered;
	s3 =	sadd.s32 s3, s5;
	[dreg:$0x0] =	wrdreg $0x0  }
0xae: {  	s5 =	sshll.u32 s28, $0x1;
	[dreg:$0x2] =	wrdreg s3  }
0xaf: {  	[dreg:$0x3] =	wrdreg s5  }
0xb0: {  	[dreg:$0x4] =	wrdreg $0xC0  }
0xb1: {  	_ =	task [dreg:s7], $0x5FFFF  }
0xb2: {  	[dreg:$0x1] =	wrdreg $0xFFFFFFFF  }
0xb3: {  	[dreg:$0x0] =	wrdreg $0x60  }
0xb4: {  	[dreg:$0x2] =	wrdreg s24  }
0xb5: {  	[dreg:$0x3] =	wrdreg s16  }
0xb6: {  	[dreg:$0x4] =	wrdreg $0xC0000  }
0xb7: {  	[dreg:$0x5] =	wrdreg $0x9  }
0xb8: {  	_ =	task.clear_ibuf [dreg:s7], $0x6FFFF;
	_ =	strace $0x90000046  }
0xb9: {  	s29 =	simm.s32 $0x9;
	_ =	strace $0x80000048  }
0xba: {  	_ =	swait.ge [sflag:s29], $0x1  }
0xbb: {  	[sflag:s29] =	ssyncadd.s32 $0xFFFFFFFF  }
0xbc: {  	_ =	strace $0x90000048  }
0xbd: {  	_ =	sfence  }
0xbe: {  	s30 =	sld [smem:$0x0];
	_ =	sdelay $0x2  }
0xbf: {  	s31 =	sshll.u32 s1, $0xD;
	s1 =	sshrl.u32 s1, $0x2  }
0xc0: {  	s3 =	sand.u32 $0x4000, s31;
	s1 =	sadd.s32 s1, s30  }
0xc1: {  	s0 =	sor.u32 s3, s0;
	s1 =	sshll.u32 s1, $0x11  }
0xc2: {  	s0 =	sor.u32 s1, s0  }
0xc3: {  	s0 =	sadd.s32 $0x8F2B, s0  }
0xc4: {  	[sflag:s0] =	ssyncadd.remote.s32 $0x1  }
0xc5: {  	_ =	sfence.sel $0xFFFF  }
0xc6: {  	[dreg:$0x0] =	wrdreg $0xFFFFFFFF;
	(pc) =	sbr.abs _section_cstart, $3  }
0xc7: {  	[dreg:$0x1] =	wrdreg $0xFFFFFFFF  }
0xc8: {  	_ =	task.clear_ibuf [dreg:s7], $0x2FFFF;
	_ =	strace $0x9FFFFFFF  }
0xc9: {  	(tm) =	ssettm $0x7FFFFFFF  }
tec
execute0_lowered:
.L_overlay_start_1:
0x0: {  	(tag) =	ssettag $0x1  }
0x1: {  	s0 =	rddreg [dreg:$0x0]  }
0x2: {  	s1 =	rddreg [dreg:$0x1]  }
0x3: {  	s2 =	rddreg [dreg:$0x2]  }
0x4: {  	s3 =	srdreg.scid;
	s4 =	simm.s32 $0x0;
	s11 =	stileid.u32  }
0x5: {  	s3 =	sand.u32 $0x1, s3;
	[smem:$0x7FF] =	sst s4;
	s6 =	smul.u32 $0x13C00, s11  }
0x6: {  	s7 =	sadd.s32 $0x2600, s0;
	s10 =	sadd.s32 $0x25600, s0;
	s8 =	sadd.s32 $0x551800, s0  }
0x7: {  	s12 =	smul.u32 $0x4F000, s11;
	s9 =	sadd.s32 $0x48600, s0;
	s11 =	sshll.u32 s11, $0x1  }
0x8: {  	s5 =	smul.u32 $0x13C000, s3;
	s13 =	ssub.s32 $0x2, s3;
	s3 =	sor.u32 s3, s11  }
0x9: {  	_ =	strace $0x80000047;
	[dreg:$0x4] =	wrdreg s7;
	s24 =	smul.u32 $0x2710, s3  }
0xa: {  	[dreg:$0x5] =	wrdreg s10;
	s7 =	sadd.s32 $0x52A600, s0;
	s3 =	smul.u32 $0x8C00, s3  }
0xb: {  	s10 =	sshrl.u32 s13, $0x1;
	s5 =	sadd.s32 s6, s5;
	[dreg:$0x12] =	wrdreg s24  }
0xc: {  	s6 =	sshrl.u32 s12, $0x2;
	s5 =	sshrl.u32 s5, $0x3;
	[dreg:$0x13] =	wrdreg s3  }
0xd: {  	s0 =	sadd.s32 s5, s0;
	s5 =	ssub.s32 s13, s10;
	s10 =	sadd.s32 s6, s2  }
0xe: {  	s6 =	sadd.s32 $0x1400, s10;
	[dreg:$0x6] =	wrdreg s10  }
0xf: {  	s14 =	sadd.s32 $0x2800, s10;
	[dreg:$0x7] =	wrdreg s6  }
0x10: {  	s15 =	sadd.s32 $0x3C00, s10;
	[dreg:$0x8] =	wrdreg s14  }
0x11: {  	s16 =	sadd.s32 $0x5000, s10;
	[dreg:$0x9] =	wrdreg s15  }
0x12: {  	s17 =	sadd.s32 $0x6400, s10;
	[dreg:$0xa] =	wrdreg s16  }
0x13: {  	s18 =	sadd.s32 $0x7800, s10;
	[dreg:$0xb] =	wrdreg s17  }
0x14: {  	s19 =	sadd.s32 $0x8C00, s10;
	[dreg:$0xc] =	wrdreg s18  }
0x15: {  	s20 =	sadd.s32 $0xA000, s10;
	[dreg:$0xd] =	wrdreg s19  }
0x16: {  	s21 =	sadd.s32 $0xB400, s10;
	[dreg:$0xe] =	wrdreg s20  }
0x17: {  	s22 =	sadd.s32 $0xC800, s10;
	[dreg:$0xf] =	wrdreg s21  }
0x18: {  	s23 =	sadd.s32 $0xDC00, s10;
	[dreg:$0x10] =	wrdreg s22  }
0x19: {  	s0 =	sadd.s32 $0x578A00, s0;
	[dreg:$0x11] =	wrdreg s23  }
0x1a: {  	s25 =	smax.u32 s5, $0x1;
	[dreg:$0x14] =	wrdreg s0  }
0x1b: {  	s26 =	sadd.s32 $0xF000, s10;
	[dreg:$0x15] =	wrdreg s25  }
0x1c: {  	s31 =	simm.s32 $0x9800;
	s28 =	sadd.s32 $0x10400, s10;
	[dreg:$0x16] =	wrdreg s26  }
0x1d: {  	s11 =	simm.s32 $0x0;
	s29 =	sadd.s32 $0x11800, s10;
	[dreg:$0x17] =	wrdreg s28  }
0x1e: {  	s3 =	simm.s32 $0x5;
	s30 =	sadd.s32 $0x12C00, s10;
	[dreg:$0x18] =	wrdreg s29  }
0x1f: {  	s24 =	simm.s32 $0x4;
	s13 =	simm.s32 $0x28;
	[dreg:$0x19] =	wrdreg s30  }
0x20: {  	s0 =	simm.s32 $0xAC00;
	s16 =	simm.s32 $0x8400;
	s17 =	simm.s32 $0x1  }
0x21: {  	s18 =	simm.s32 $0x3;
	s19 =	simm.s32 $0x4800;
	s20 =	simm.s32 $0x7000  }
0x22: {  	v0 =	vimm.f32 $0.0e+00;
	s21 =	simm.s32 $0x2;
	s25 =	simm.s32 $0x7;
	s26 =	simm.s32 $0x9  }
.LBB2_1:
0x23: {  	s5 =	simm.s32 $0x40;
	s6 =	simm.s32 $0x300  }
.LBB2_2:
0x24: {  	p0 =	sne.s32 s6, $0x4F00;
	[tilespmem:s5+$0xAC30] =	vst v0  }
0x25: {  	[tilespmem:s5+$0x97C0] =	vst v0  }
0x26: {  	[tilespmem:s5+$0x97D0] =	vst v0  }
0x27: {  	[tilespmem:s5+$0x97E0] =	vst v0  }
0x28: {  	[tilespmem:s5+$0x97F0] =	vst v0  }
0x29: {  	[tilespmem:s5+$0x9800] =	vst v0  }
0x2a: {  	[tilespmem:s5+$0x9810] =	vst v0  }
0x2b: {  	[tilespmem:s5+$0x9820] =	vst v0  }
0x2c: {  	[tilespmem:s5+$0x9830] =	vst v0  }
0x2d: {  	[tilespmem:s5+$0xABC0] =	vst v0  }
0x2e: {  	[tilespmem:s5+$0xABD0] =	vst v0  }
.Ltmp0:
0x2f: {  	[tilespmem:s5+$0xABE0] =	vst v0;
	(pc) =	sbr.rel @p0 .LBB2_2-.Ltmp0, $4  }
0x30: {  	[tilespmem:s5+$0xABF0] =	vst v0  }
0x31: {  	[tilespmem:s5+$0xAC00] =	vst v0  }
0x32: {  	[tilespmem:s5+$0xAC10] =	vst v0  }
0x33: {  	[tilespmem:s5+$0xAC20] =	vst v0;
	s5 =	sshra.s32 s6, $0x2;
	s6 =	sadd.s32 $0x200, s6  }
0x34: {  	[tilespmem:s5+$0xAC30] =	vst v0  }
0x35: {  	[tilespmem:s5+$0x97C0] =	vst v0  }
0x36: {  	[tilespmem:s5+$0x97D0] =	vst v0  }
0x37: {  	[tilespmem:s5+$0x97E0] =	vst v0  }
0x38: {  	[tilespmem:s5+$0x97F0] =	vst v0  }
0x39: {  	[tilespmem:s5+$0x9800] =	vst v0  }
0x3a: {  	[tilespmem:s5+$0x9810] =	vst v0  }
0x3b: {  	[tilespmem:s5+$0x9820] =	vst v0  }
0x3c: {  	[tilespmem:s5+$0x9830] =	vst v0  }
0x3d: {  	[tilespmem:s5+$0xABC0] =	vst v0  }
0x3e: {  	[tilespmem:s5+$0xABD0] =	vst v0  }
0x3f: {  	[tilespmem:s5+$0xABE0] =	vst v0  }
0x40: {  	[tilespmem:s5+$0xABF0] =	vst v0  }
0x41: {  	[tilespmem:s5+$0xAC00] =	vst v0  }
0x42: {  	[tilespmem:s5+$0xAC10] =	vst v0  }
0x43: {  	[dreg:$0x1a] =	wrdreg s11;
	[tilespmem:s5+$0xAC20] =	vst v0  }
0x44: {  	[spmem:s10] =	stream.linear.scatter [tilespmem:s31], [sflag:$0x5], $0x1400, $0x38;
	[tilespmem:$0x1FC00] =	vst v63  }
0x45: {  	s15 =	rddreg [dreg:$0x7]  }
0x46: {  	[spmem:s15] =	stream.linear.scatter [tilespmem:s0], [sflag:$0x5], $0x1400, $0x38;
	[tilespmem:$0x1FC00] =	vst v63  }
0x47: {  	s22 =	rddreg [dreg:$0x8]  }
0x48: {  	[spmem:s22] =	stream.linear.scatter [tilespmem:s31], [sflag:$0x5], $0x1400, $0x38;
	[tilespmem:$0x1FC00] =	vst v63  }
0x49: {  	s23 =	rddreg [dreg:$0x9]  }
0x4a: {  	[spmem:s23] =	stream.linear.scatter [tilespmem:s0], [sflag:$0x5], $0x1400, $0x38;
	[tilespmem:$0x1FC00] =	vst v63  }
0x4b: {  	s28 =	rddreg [dreg:$0xa]  }
0x4c: {  	[spmem:s28] =	stream.linear.scatter [tilespmem:s31], [sflag:$0x5], $0x1400, $0x38;
	[tilespmem:$0x1FC00] =	vst v63  }
0x4d: {  	s29 =	rddreg [dreg:$0xb]  }
0x4e: {  	[spmem:s29] =	stream.linear.scatter [tilespmem:s0], [sflag:$0x5], $0x1400, $0x38;
	[tilespmem:$0x1FC00] =	vst v63  }
0x4f: {  	s6 =	rddreg [dreg:$0xc]  }
0x50: {  	[spmem:s6] =	stream.linear.scatter [tilespmem:s31], [sflag:$0x5], $0x1400, $0x38;
	[tilespmem:$0x1FC00] =	vst v63  }
0x51: {  	s10 =	rddreg [dreg:$0xd]  }
0x52: {  	[spmem:s10] =	stream.linear.scatter [tilespmem:s0], [sflag:$0x5], $0x1400, $0x38;
	[tilespmem:$0x1FC00] =	vst v63  }
0x53: {  	s11 =	rddreg [dreg:$0xe]  }
0x54: {  	[spmem:s11] =	stream.linear.scatter [tilespmem:s31], [sflag:$0x5], $0x1400, $0x38;
	[tilespmem:$0x1FC00] =	vst v63  }
0x55: {  	s12 =	rddreg [dreg:$0xf]  }
0x56: {  	[spmem:s12] =	stream.linear.scatter [tilespmem:s0], [sflag:$0x5], $0x1400, $0x38;
	[tilespmem:$0x1FC00] =	vst v63  }
0x57: {  	s14 =	rddreg [dreg:$0x10]  }
0x58: {  	[spmem:s14] =	stream.linear.scatter [tilespmem:s31], [sflag:$0x5], $0x1400, $0x38;
	[tilespmem:$0x1FC00] =	vst v63  }
0x59: {  	s15 =	rddreg [dreg:$0x11]  }
0x5a: {  	[spmem:s15] =	stream.linear.scatter [tilespmem:s0], [sflag:$0x5], $0x1400, $0x38;
	[tilespmem:$0x1FC00] =	vst v63  }
0x5b: {  	s22 =	rddreg [dreg:$0x16]  }
0x5c: {  	[spmem:s22] =	stream.linear.scatter [tilespmem:s31], [sflag:$0x5], $0x1400, $0x38;
	[tilespmem:$0x1FC00] =	vst v63  }
0x5d: {  	s23 =	rddreg [dreg:$0x17]  }
0x5e: {  	[spmem:s23] =	stream.linear.scatter [tilespmem:s0], [sflag:$0x5], $0x1400, $0x38;
	[tilespmem:$0x1FC00] =	vst v63  }
0x5f: {  	s28 =	rddreg [dreg:$0x18]  }
0x60: {  	[spmem:s28] =	stream.linear.scatter [tilespmem:s31], [sflag:$0x5], $0x1400, $0x38;
	[tilespmem:$0x1FC00] =	vst v63  }
0x61: {  	s29 =	rddreg [dreg:$0x19]  }
0x62: {  	[spmem:s29] =	stream.linear.scatter [tilespmem:s31], [sflag:$0x5], $0x1000, $0x38;
	[tilespmem:$0x1FC00] =	vst v63  }
0x63: {  	_ =	swait.ge [sflag:s3], $0x1400  }
0x64: {  	[sflag:s3] =	ssyncset.done $0x0  }
0x65: {  	[sflag:s3] =	ssyncadd.s32 $0xFFFFEC00  }
0x66: {  	_ =	swait.ge [sflag:s3], $0x1400  }
0x67: {  	[sflag:s3] =	ssyncset.done $0x0  }
0x68: {  	[sflag:s3] =	ssyncadd.s32 $0xFFFFEC00  }
0x69: {  	_ =	swait.ge [sflag:s3], $0x1400  }
0x6a: {  	[sflag:s3] =	ssyncset.done $0x0  }
0x6b: {  	[sflag:s3] =	ssyncadd.s32 $0xFFFFEC00  }
0x6c: {  	_ =	swait.ge [sflag:s3], $0x1400  }
0x6d: {  	[sflag:s3] =	ssyncset.done $0x0  }
0x6e: {  	[sflag:s3] =	ssyncadd.s32 $0xFFFFEC00  }
0x6f: {  	_ =	swait.ge [sflag:s3], $0x1400  }
0x70: {  	[sflag:s3] =	ssyncset.done $0x0  }
0x71: {  	[sflag:s3] =	ssyncadd.s32 $0xFFFFEC00  }
0x72: {  	_ =	swait.ge [sflag:s3], $0x1400  }
0x73: {  	[sflag:s3] =	ssyncset.done $0x0  }
0x74: {  	[sflag:s3] =	ssyncadd.s32 $0xFFFFEC00  }
0x75: {  	_ =	swait.ge [sflag:s3], $0x1400  }
0x76: {  	[sflag:s3] =	ssyncset.done $0x0  }
0x77: {  	[sflag:s3] =	ssyncadd.s32 $0xFFFFEC00  }
0x78: {  	_ =	swait.ge [sflag:s3], $0x1400  }
0x79: {  	[sflag:s3] =	ssyncset.done $0x0  }
0x7a: {  	[sflag:s3] =	ssyncadd.s32 $0xFFFFEC00  }
0x7b: {  	_ =	swait.ge [sflag:s3], $0x1400  }
0x7c: {  	[sflag:s3] =	ssyncset.done $0x0  }
0x7d: {  	[sflag:s3] =	ssyncadd.s32 $0xFFFFEC00  }
0x7e: {  	_ =	swait.ge [sflag:s3], $0x1400  }
0x7f: {  	[sflag:s3] =	ssyncset.done $0x0  }
0x80: {  	[sflag:s3] =	ssyncadd.s32 $0xFFFFEC00  }
0x81: {  	_ =	swait.ge [sflag:s3], $0x1400  }
0x82: {  	[sflag:s3] =	ssyncset.done $0x0  }
0x83: {  	[sflag:s3] =	ssyncadd.s32 $0xFFFFEC00  }
0x84: {  	_ =	swait.ge [sflag:s3], $0x1400  }
0x85: {  	[sflag:s3] =	ssyncset.done $0x0  }
0x86: {  	[sflag:s3] =	ssyncadd.s32 $0xFFFFEC00  }
0x87: {  	_ =	swait.ge [sflag:s3], $0x1400  }
0x88: {  	[sflag:s3] =	ssyncset.done $0x0  }
0x89: {  	[sflag:s3] =	ssyncadd.s32 $0xFFFFEC00  }
0x8a: {  	_ =	swait.ge [sflag:s3], $0x1400  }
0x8b: {  	[sflag:s3] =	ssyncset.done $0x0  }
0x8c: {  	[sflag:s3] =	ssyncadd.s32 $0xFFFFEC00  }
0x8d: {  	_ =	swait.ge [sflag:s3], $0x1400  }
0x8e: {  	[sflag:s3] =	ssyncset.done $0x0  }
0x8f: {  	[sflag:s3] =	ssyncadd.s32 $0xFFFFEC00  }
0x90: {  	_ =	swait.ge [sflag:s3], $0x1000  }
0x91: {  	[sflag:s3] =	ssyncset.done $0x0  }
0x92: {  	[sflag:s3] =	ssyncadd.s32 $0xFFFFF000  }
0x93: {  	s30 =	simm.s32 $0x0;
	[bflag:$0x0] =	sbarrier.arrive $0xFFFF  }
.LBB2_4:
0x94: {  	s5 =	smul.u32 $0x1C00, s30  }
0x95: {  	s6 =	rddreg [dreg:$0x13]  }
0x96: {  	s5 =	sadd.s32 s6, s5  }
0x97: {  	s12 =	rddreg [dreg:$0x4];
	s5 =	sshrl.u32 s5, $0x3  }
0x98: {  	s11 =	simm.s32 $0x0;
	s10 =	simm.s32 $0xA;
	s6 =	sadd.s32 s12, s5  }
0x99: {  	[tilespmem:s11], [sflag:$0xA] =	stream.linear.gather [hbm4b:s6+s11], $0x1900, $0x38;
	[tilespmem:$0x1FC00] =	vst v63  }
0x9a: {  	_ =	swait.ge [sflag:s10], $0x1900  }
0x9b: {  	[sflag:s10] =	ssyncset.done $0x0;
	s14 =	rddreg [dreg:$0x5]  }
0x9c: {  	s15 =	simm.s32 $0x1900;
	[sflag:s10] =	ssyncadd.s32 $0xFFFFE700;
	s5 =	sadd.s32 s14, s5  }
0x9d: {  	[tilespmem:s15], [sflag:$0xA] =	stream.linear.gather [hbm4b:s5+s11], $0x1900, $0x38;
	[tilespmem:$0x1FC00] =	vst v63  }
0x9e: {  	s23 =	smul.u32 $0x7D0, s30;
	_ =	swait.ge [sflag:s10], $0x1900  }
0x9f: {  	[sflag:s10] =	ssyncset.done $0x0;
	s29 =	rddreg [dreg:$0x12]  }
0xa0: {  	s22 =	simm.s32 $0x3400;
	[sflag:s10] =	ssyncadd.s32 $0xFFFFE700;
	s5 =	sadd.s32 s29, s23  }
0xa1: {  	[tilespmem:s22], [sflag:$0x1] =	stream.indirect.gather [hbm4b:s7+s13], $0x80, s11, s13, $0xb8;
	[tilespmem:$0x1FC00] =	vst v63  }
0xa2: {  	s28 =	simm.s32 $0x5C00;
	s6 =	sshll.u32 s5, $0x4  }
0xa3: {  	[tilespmem:s28], [sflag:$0x3] =	stream.indirect.gather [hbm4b:s8+s13], $0x80, s15, s13, $0xb8;
	[tilespmem:$0x1FC00] =	vst v63  }
0xa4: {  	s6 =	sadd.s32 s9, s6  }
0xa5: {  	[tilespmem:s16], [sflag:$0x5] =	stream.linear.gather [hbm4b:s6+s11], $0x1400, $0x38;
	[tilespmem:$0x1FC00] =	vst v63  }
0xa6: {  	s22 =	simm.s32 $0x0;
	s6 =	sadd.s32 $0x50, s5  }
.LBB2_5:
0xa7: {  	_ =	swait.ge [sflag:s17], $0x1400  }
0xa8: {  	[sflag:s17] =	ssyncset.done $0x0  }
0xa9: {  	[sflag:s17] =	ssyncadd.s32 $0xFFFFEC00  }
0xaa: {  	s28 =	sshllo.u32 s22, $0x1;
	s23 =	sshll.u32 s22, $0x8;
	_ =	swait.ge [sflag:s18], $0x1400  }
0xab: {  	s10 =	sshll.u32 s28, $0x7;
	s29 =	sand.u32 $0x3FFFFF00, s23;
	[sflag:s18] =	ssyncset.done $0x0  }
0xac: {  	s10 =	sand.u32 $0x3FFFFF80, s10;
	[sflag:s18] =	ssyncadd.s32 $0xFFFFEC00  }
0xad: {  	[tilespmem:s19], [sflag:$0x2] =	stream.indirect.gather [hbm4b:s7+s13], $0x80, s10, s13, $0xb8;
	[tilespmem:$0x1FC00] =	vst v63  }
0xae: {  	s23 =	sadd.s32 $0x1980, s29  }
0xaf: {  	[tilespmem:s20], [sflag:$0x4] =	stream.indirect.gather [hbm4b:s8+s13], $0x80, s23, s13, $0xb8;
	[tilespmem:$0x1FC00] =	vst v63  }
0xb0: {  	_ =	swait.ge [sflag:s3], $0x1400  }
0xb1: {  	p0 =	seq.s32 s22, $0x0;
	[sflag:s3] =	ssyncset.done $0x0  }
0xb2: {  	s10 =	simm.s32 @!p0 $0x6;
	[sflag:s3] =	ssyncadd.s32 $0xFFFFEC00  }
0xb3: {  	_ =	swait.ge @!p0 [sflag:s10], $0x1400  }
0xb4: {  	[sflag:s10] =	ssyncset.done @!p0 $0x0  }
0xb5: {  	[sflag:s10] =	ssyncadd.s32 @!p0 $0xFFFFEC00;
	s10 =	simm.s32 @!p0 $0x8  }
0xb6: {  	_ =	swait.ge @!p0 [sflag:s10], $0x1400  }
0xb7: {  	[sflag:s10] =	ssyncset.done @!p0 $0x0  }
0xb8: {  	s14 =	simm.s32 $0x0;
	[sflag:s10] =	ssyncadd.s32 @!p0 $0xFFFFEC00  }
0xb9: {  	v1 =	vld [tilespmem:s14+$0x3470]  }
0xba: {  	v2 =	vld [tilespmem:s14+$0x5C70]  }
0xbb: {  	v3 =	vld [tilespmem:s14+$0x8470]  }
0xbc: {  	v4 =	vld [tilespmem:s14+$0x3400]  }
0xbd: {  	v5 =	vld [tilespmem:s14+$0x3410]  }
0xbe: {  	v7 =	vld [tilespmem:s14+$0x8430]  }
0xbf: {  	v6 =	vld [tilespmem:s14+$0x5C00]  }
0xc0: {  	v11 =	vld [tilespmem:s14+$0x3420]  }
0xc1: {  	v12 =	vld [tilespmem:s14+$0x3430]  }
0xc2: {  	v13 =	vld [tilespmem:s14+$0x5C30]  }
0xc3: {  	v14 =	vld [tilespmem:s14+$0x3440]  }
0xc4: {  	v15 =	vld [tilespmem:s14+$0x3450]  }
0xc5: {  	v16 =	vld [tilespmem:s14+$0x5C40]  }
0xc6: {  	v17 =	vld [tilespmem:s14+$0x5C50]  }
0xc7: {  	v18 =	vld [tilespmem:s14+$0x3460]  }
0xc8: {  	v19 =	vld [tilespmem:s14+$0x5C60];
	v1 =	vadd.f32 v2, v1  }
0xc9: {  	v2 =	vld [tilespmem:s14+$0x5C10];
	v8 =	vand.u32 $0xFFFF0000, v3  }
0xca: {  	v1 =	vadd.f32 v8, v1;
	v8 =	vld [tilespmem:s14+$0x5C20]  }
0xcb: {  	v20 =	vld [tilespmem:s14+$0x8440]  }
0xcc: {  	v21 =	vld [tilespmem:s14+$0x8450];
	v9 =	vand.u32 $0xFFFF0000, v7;
	v22 =	vadd.f32 v6, v4;
	v1 =	vmax.f32 v1, $0.0e+00  }
0xcd: {  	v10 =	vld [tilespmem:s14+$0x8460];
	v6 =	vadd.f32 v13, v12;
	v1 =	vadd.f32 v9, v1  }
0xce: {  	v12 =	vld [tilespmem:s14+$0x8400];
	v9 =	vadd.f32 v2, v5;
	v2 =	vshll.u32 v3, $0x10;
	v5 =	vadd.f32 v19, v18  }
0xcf: {  	s12 =	smul.u32 $0x50, s22;
	v4 =	vld [tilespmem:s14+$0x8410];
	[tilespmem:s14+$0x9870] =	vst v1;
	v8 =	vadd.f32 v8, v11;
	v1 =	vshll.u32 v7, $0x10;
	v11 =	vadd.f32 v16, v14  }
0xd0: {  	s11 =	simm.s32 $0x80;
	v3 =	vld [tilespmem:s14+$0x8420];
	v7 =	vadd.f32 v17, v15;
	v14 =	vshll.u32 v20, $0x10;
	v16 =	vand.u32 $0xFFFF0000, v20  }
0xd1: {  	s15 =	simm.s32 $0x400;
	s10 =	sadd.s32 s5, s12;
	v15 =	vshll.u32 v21, $0x10;
	v13 =	vld [tilespmem:s11+$0x3470];
	v17 =	vadd.f32 v14, v22;
	v14 =	vand.u32 $0xFFFF0000, v21  }
.LBB2_6:
0xd2: {  	p1 =	sne.s32 s15, $0x4E00;
	v18 =	vld [tilespmem:s11+$0x5C70];
	v9 =	vadd.f32 v16, v9;
	v16 =	vshll.u32 v10, $0x10;
	v10 =	vand.u32 $0xFFFF0000, v10  }
0xd3: {  	v8 =	vadd.f32 v15, v8;
	v6 =	vadd.f32 v14, v6;
	v19 =	vld [tilespmem:s11+$0x8470];
	v17 =	vmax.f32 v17, $0.0e+00  }
0xd4: {  	v11 =	vadd.f32 v16, v11;
	v7 =	vadd.f32 v10, v7;
	v14 =	vld [tilespmem:s11+$0x3400];
	v9 =	vmax.f32 v9, $0.0e+00  }
0xd5: {  	v2 =	vadd.f32 v2, v5;
	v8 =	vmax.f32 v8, $0.0e+00;
	v6 =	vmax.f32 v6, $0.0e+00;
	v10 =	vld [tilespmem:s11+$0x3410]  }
0xd6: {  	v15 =	vshll.u32 v12, $0x10;
	v11 =	vmax.f32 v11, $0.0e+00;
	v7 =	vmax.f32 v7, $0.0e+00;
	v5 =	vld [tilespmem:s11+$0x8430]  }
0xd7: {  	v12 =	vand.u32 $0xFFFF0000, v12;
	v16 =	vld [tilespmem:s11+$0x5C00];
	v13 =	vadd.f32 v18, v13;
	v18 =	vmax.f32 v2, $0.0e+00  }
0xd8: {  	v21 =	vshll.u32 v4, $0x10;
	v20 =	vld [tilespmem:s11+$0x5C10];
	v2 =	vshll.u32 v19, $0x10;
	v19 =	vand.u32 $0xFFFF0000, v19  }
0xd9: {  	v4 =	vand.u32 $0xFFFF0000, v4;
	v22 =	vld [tilespmem:s11+$0x3420];
	v13 =	vadd.f32 v19, v13;
	v19 =	vshll.u32 v3, $0x10  }
0xda: {  	v15 =	vadd.f32 v15, v17;
	v12 =	vadd.f32 v12, v9;
	v3 =	vand.u32 $0xFFFF0000, v3;
	v23 =	vld [tilespmem:s11+$0x3430]  }
0xdb: {  	v17 =	vld [tilespmem:s11+$0x5C20];
	v24 =	vshll.u32 v5, $0x10;
	v5 =	vand.u32 $0xFFFF0000, v5;
	v9 =	vmax.f32 v13, $0.0e+00  }
0xdc: {  	v14 =	vadd.f32 v16, v14;
	v13 =	vld [tilespmem:s11+$0x5C30];
	v5 =	vadd.f32 v5, v9;
	[tilespmem:s14+$0x9800] =	vst v15  }
0xdd: {  	v8 =	vadd.f32 v21, v8;
	v9 =	vadd.f32 v20, v10;
	v10 =	vld [tilespmem:s11+$0x3440];
	[tilespmem:s14+$0x9810] =	vst v12  }
0xde: {  	v4 =	vadd.f32 v4, v6;
	v12 =	vld [tilespmem:s11+$0x3450];
	[tilespmem:s11+$0x9870] =	vst v5;
	v5 =	vadd.f32 v19, v11  }
0xdf: {  	v3 =	vadd.f32 v3, v7;
	v7 =	vadd.f32 v1, v18;
	v1 =	vmov v24;
	v11 =	vld [tilespmem:s11+$0x5C40];
	[tilespmem:s14+$0x9820] =	vst v8  }
0xe0: {  	v8 =	vadd.f32 v17, v22;
	v15 =	vld [tilespmem:s11+$0x5C50];
	[tilespmem:s14+$0x9830] =	vst v4  }
0xe1: {  	v6 =	vadd.f32 v13, v23;
	v13 =	vld [tilespmem:s11+$0x3460];
	[tilespmem:s14+$0x9840] =	vst v5  }
0xe2: {  	v5 =	vld [tilespmem:s11+$0x5C60];
	[tilespmem:s14+$0x9850] =	vst v3  }
0xe3: {  	v3 =	vld [tilespmem:s11+$0x8440];
	[tilespmem:s14+$0x9860] =	vst v7;
	s14 =	smov.u32 s11  }
0xe4: {  	v18 =	vld [tilespmem:s14+$0x8450];
	v11 =	vadd.f32 v11, v10  }
.Ltmp1:
0xe5: {  	v10 =	vld [tilespmem:s14+$0x8460];
	v7 =	vadd.f32 v15, v12;
	(pc) =	sbr.rel @p1 .LBB2_6-.Ltmp1, $4  }
0xe6: {  	v12 =	vld [tilespmem:s14+$0x8400]  }
0xe7: {  	v4 =	vld [tilespmem:s14+$0x8410];
	v5 =	vadd.f32 v5, v13  }
0xe8: {  	s11 =	sshra.s32 s15, $0x2;
	v15 =	vshll.u32 v3, $0x10;
	v16 =	vand.u32 $0xFFFF0000, v3;
	v3 =	vld [tilespmem:s14+$0x8420]  }
0xe9: {  	s15 =	sadd.s32 $0x200, s15;
	v13 =	vld [tilespmem:s11+$0x3470];
	v17 =	vadd.f32 v15, v14;
	v15 =	vshll.u32 v18, $0x10;
	v14 =	vand.u32 $0xFFFF0000, v18  }
0xea: {  	v18 =	vld [tilespmem:s11+$0x5C70]  }
0xeb: {  	v19 =	vld [tilespmem:s11+$0x8470]  }
0xec: {  	v20 =	vld [tilespmem:s11+$0x3400]  }
0xed: {  	v21 =	vld [tilespmem:s11+$0x3410]  }
0xee: {  	v22 =	vld [tilespmem:s11+$0x8430];
	v9 =	vadd.f32 v16, v9  }
0xef: {  	v23 =	vld [tilespmem:s11+$0x5C00];
	v8 =	vadd.f32 v15, v8;
	v6 =	vadd.f32 v14, v6;
	v41 =	vand.u32 $0xFFFF0000, v10  }
0xf0: {  	v24 =	vld [tilespmem:s11+$0x5C10];
	v2 =	vadd.f32 v2, v5;
	v17 =	vmax.f32 v17, $0.0e+00;
	v13 =	vadd.f32 v18, v13  }
0xf1: {  	v29 =	vld [tilespmem:s11+$0x3420];
	v25 =	vshll.u32 v12, $0x10;
	v32 =	vand.u32 $0xFFFF0000, v12;
	v26 =	vand.u32 $0xFFFF0000, v19  }
0xf2: {  	v30 =	vld [tilespmem:s11+$0x3430];
	v17 =	vadd.f32 v25, v17;
	v9 =	vmax.f32 v9, $0.0e+00;
	v13 =	vadd.f32 v26, v13  }
0xf3: {  	v31 =	vld [tilespmem:s11+$0x5C20];
	v38 =	vshll.u32 v10, $0x10;
	v42 =	vadd.f32 v41, v7;
	v9 =	vadd.f32 v32, v9  }
0xf4: {  	v33 =	vld [tilespmem:s11+$0x5C30];
	v8 =	vmax.f32 v8, $0.0e+00;
	[tilespmem:s14+$0x9800] =	vst v17;
	v34 =	vand.u32 $0xFFFF0000, v22;
	v13 =	vmax.f32 v13, $0.0e+00  }
0xf5: {  	v36 =	vshll.u32 v4, $0x10;
	v35 =	vld [tilespmem:s11+$0x3440];
	[tilespmem:s14+$0x9810] =	vst v9;
	v9 =	vadd.f32 v38, v11;
	v12 =	vadd.f32 v34, v13  }
0xf6: {  	v6 =	vmax.f32 v6, $0.0e+00;
	v39 =	vand.u32 $0xFFFF0000, v4;
	v8 =	vadd.f32 v36, v8  }
0xf7: {  	v4 =	vadd.f32 v39, v6;
	v44 =	vshll.u32 v3, $0x10;
	v37 =	vld [tilespmem:s11+$0x3450];
	v43 =	vmax.f32 v9, $0.0e+00;
	[tilespmem:s11+$0x9870] =	vst v12  }
0xf8: {  	v46 =	vmax.f32 v42, $0.0e+00;
	v3 =	vand.u32 $0xFFFF0000, v3;
	v40 =	vld [tilespmem:s11+$0x5C40];
	v7 =	vadd.f32 v44, v43;
	[tilespmem:s14+$0x9820] =	vst v8  }
0xf9: {  	v2 =	vmax.f32 v2, $0.0e+00;
	v3 =	vadd.f32 v3, v46;
	v45 =	vld [tilespmem:s11+$0x5C50];
	[tilespmem:s14+$0x9830] =	vst v4  }
0xfa: {  	v1 =	vadd.f32 v1, v2;
	v47 =	vld [tilespmem:s11+$0x3460];
	[tilespmem:s14+$0x9840] =	vst v7  }
0xfb: {  	v48 =	vld [tilespmem:s11+$0x5C60];
	[tilespmem:s14+$0x9850] =	vst v3  }
0xfc: {  	v2 =	vld [tilespmem:s11+$0x8440];
	[tilespmem:s14+$0x9860] =	vst v1  }
0xfd: {  	v1 =	vld [tilespmem:s11+$0x8450]  }
0xfe: {  	v7 =	vld [tilespmem:s11+$0x8460]  }
0xff: {  	v49 =	vadd.f32 v24, v21;
	v51 =	vadd.f32 v31, v29;
	v53 =	vld [tilespmem:s11+$0x8400]  }
0x100: {  	v50 =	vshll.u32 v19, $0x10;
	v52 =	vadd.f32 v33, v30;
	v3 =	vadd.f32 v23, v20;
	v55 =	vld [tilespmem:s11+$0x8410]  }
0x101: {  	v11 =	vadd.f32 v40, v35;
	v9 =	vadd.f32 v45, v37;
	v54 =	vshll.u32 v2, $0x10  }
0x102: {  	v4 =	vadd.f32 v48, v47;
	v2 =	vand.u32 $0xFFFF0000, v2;
	v3 =	vadd.f32 v54, v3  }
0x103: {  	v56 =	vshll.u32 v1, $0x10;
	v1 =	vand.u32 $0xFFFF0000, v1;
	v2 =	vadd.f32 v2, v49  }
0x104: {  	v57 =	vshll.u32 v7, $0x10;
	v7 =	vand.u32 $0xFFFF0000, v7;
	v59 =	vshll.u32 v53, $0x10  }
0x105: {  	v58 =	vld [tilespmem:s11+$0x8420];
	v60 =	vand.u32 $0xFFFF0000, v53;
	v61 =	vshll.u32 v55, $0x10;
	v4 =	vadd.f32 v50, v4  }
0x106: {  	v5 =	vand.u32 $0xFFFF0000, v55;
	v1 =	vadd.f32 v1, v52;
	v3 =	vmax.f32 v3, $0.0e+00  }
0x107: {  	v10 =	vadd.f32 v56, v51;
	v2 =	vmax.f32 v2, $0.0e+00;
	v3 =	vadd.f32 v59, v3  }
0x108: {  	v6 =	vadd.f32 v57, v11;
	v1 =	vmax.f32 v1, $0.0e+00;
	v2 =	vadd.f32 v60, v2  }
0x109: {  	v7 =	vadd.f32 v7, v9;
	v10 =	vmax.f32 v10, $0.0e+00;
	v1 =	vadd.f32 v5, v1;
	[tilespmem:s11+$0x9800] =	vst v3  }
0x10a: {  	v62 =	vshll.u32 v58, $0x10;
	v6 =	vmax.f32 v6, $0.0e+00;
	v3 =	vadd.f32 v61, v10;
	[tilespmem:s11+$0x9810] =	vst v2  }
0x10b: {  	s15 =	smul.u32 $0x28, s28;
	v63 =	vand.u32 $0xFFFF0000, v58;
	v6 =	vadd.f32 v62, v6;
	v2 =	vmax.f32 v7, $0.0e+00;
	[tilespmem:s11+$0x9830] =	vst v1  }
0x10c: {  	v4 =	vmax.f32 v4, $0.0e+00;
	v2 =	vadd.f32 v63, v2;
	[tilespmem:s11+$0x9820] =	vst v3;
	v3 =	vshll.u32 v22, $0x10  }
0x10d: {  	s14 =	sadd.s32 s5, s15;
	[tilespmem:s11+$0x9840] =	vst v6;
	v1 =	vadd.f32 v3, v4  }
0x10e: {  	s28 =	sshll.u32 s14, $0x4;
	[tilespmem:s11+$0x9850] =	vst v2  }
0x10f: {  	s10 =	sshll.u32 s10, $0x4;
	s14 =	sadd.s32 s9, s28;
	[tilespmem:s11+$0x9860] =	vst v1  }
0x110: {  	[tilespmem:s16], [sflag:$0x5] =	stream.linear.gather [hbm4b:s14+s4], $0x1400, $0x38;
	[tilespmem:$0x1FC00] =	vst v63  }
0x111: {  	s10 =	sadd.s32 s1, s10  }
0x112: {  	[hbm4b:s10+s4] =	stream.linear.scatter [tilespmem:s31], [sflag:$0x6], $0x1400, $0x38;
	[tilespmem:$0x1FC00] =	vst v63  }
0x113: {  	s15 =	sadd.s32 $0x1900, s29  }
0x114: {  	[spmem:s2] =	stream.indirect.scatter.add.f32 [tilespmem:s31], [sflag:$0x8], $0x80, s15, s13, $0xb8;
	[tilespmem:$0x1FC00] =	vst v63  }
0x115: {  	p1 =	sne.s32 s22, $0x18;
	_ =	swait.ge [sflag:s21], $0x1400  }
.Ltmp2:
0x116: {  	[sflag:s21] =	ssyncset.done $0x0;
	(pc) =	sbr.rel @p1 .LBB2_9-.Ltmp2, $4  }
0x117: {  	[sflag:s21] =	ssyncadd.s32 $0xFFFFEC00  }
0x118: {  	_ =	swait.ge [sflag:s24], $0x1400  }
0x119: {  	[sflag:s24] =	ssyncset.done $0x0  }
0x11a: {  	[sflag:s24] =	ssyncadd.s32 $0xFFFFEC00  }
.Ltmp3:
0x11b: {  	(pc) =	sbr.rel .LBB2_10-.Ltmp3, $4  }
0x11c: {  	_ = 	snop  }
0x11d: {  	_ =	swait.ge [sflag:s3], $0x1400  }
0x11e: {  	[sflag:s3] =	ssyncset.done $0x0  }
0x11f: {  	[sflag:s3] =	ssyncadd.s32 $0xFFFFEC00  }
.LBB2_9:
0x120: {  	s10 =	sadd.s32 $0x100, s29;
	s11 =	simm.s32 $0x3400  }
0x121: {  	[tilespmem:s11], [sflag:$0x1] =	stream.indirect.gather [hbm4b:s7+s13], $0x80, s10, s13, $0xb8;
	[tilespmem:$0x1FC00] =	vst v63  }
.Ltmp4:
0x122: {  	s15 =	sadd.s32 $0x1A00, s29;
	s29 =	simm.s32 $0x5C00;
	(pc) =	sbr.rel @p0 .LBB2_11-.Ltmp4, $4  }
0x123: {  	[tilespmem:s29], [sflag:$0x3] =	stream.indirect.gather [hbm4b:s8+s13], $0x80, s15, s13, $0xb8;
	[tilespmem:$0x1FC00] =	vst v63  }
0x124: {  	_ =	swait.ge [sflag:s3], $0x1400  }
0x125: {  	[sflag:s3] =	ssyncset.done $0x0  }
0x126: {  	[sflag:s3] =	ssyncadd.s32 $0xFFFFEC00  }
.LBB2_10:
0x127: {  	_ =	swait.ge [sflag:s25], $0x1400  }
0x128: {  	[sflag:s25] =	ssyncset.done $0x0  }
0x129: {  	[sflag:s25] =	ssyncadd.s32 $0xFFFFEC00  }
0x12a: {  	_ =	swait.ge [sflag:s26], $0x1400  }
0x12b: {  	[sflag:s26] =	ssyncset.done $0x0  }
0x12c: {  	[sflag:s26] =	ssyncadd.s32 $0xFFFFEC00  }
.LBB2_11:
0x12d: {  	s11 =	simm.s32 $0x0  }
0x12e: {  	v1 =	vld [tilespmem:s11+$0x4870]  }
0x12f: {  	v2 =	vld [tilespmem:s11+$0x7070]  }
0x130: {  	v3 =	vld [tilespmem:s11+$0x8470]  }
0x131: {  	v4 =	vld [tilespmem:s11+$0x4800]  }
0x132: {  	v5 =	vld [tilespmem:s11+$0x4810]  }
0x133: {  	v7 =	vld [tilespmem:s11+$0x8430]  }
0x134: {  	v6 =	vld [tilespmem:s11+$0x7000]  }
0x135: {  	v10 =	vld [tilespmem:s11+$0x4820]  }
0x136: {  	v12 =	vld [tilespmem:s11+$0x4830]  }
0x137: {  	v13 =	vld [tilespmem:s11+$0x7030]  }
0x138: {  	v14 =	vld [tilespmem:s11+$0x4840]  }
0x139: {  	v15 =	vld [tilespmem:s11+$0x4850]  }
0x13a: {  	v16 =	vld [tilespmem:s11+$0x7040]  }
0x13b: {  	v17 =	vld [tilespmem:s11+$0x7050]  }
0x13c: {  	v18 =	vld [tilespmem:s11+$0x4860]  }
0x13d: {  	v19 =	vld [tilespmem:s11+$0x7060];
	v1 =	vadd.f32 v2, v1  }
0x13e: {  	v2 =	vld [tilespmem:s11+$0x7010];
	v8 =	vand.u32 $0xFFFF0000, v3  }
0x13f: {  	v1 =	vadd.f32 v8, v1;
	v8 =	vld [tilespmem:s11+$0x7020]  }
0x140: {  	v20 =	vld [tilespmem:s11+$0x8440]  }
0x141: {  	v21 =	vld [tilespmem:s11+$0x8450];
	v9 =	vand.u32 $0xFFFF0000, v7;
	v22 =	vadd.f32 v6, v4;
	v1 =	vmax.f32 v1, $0.0e+00  }
0x142: {  	v11 =	vld [tilespmem:s11+$0x8460];
	v6 =	vadd.f32 v13, v12;
	v1 =	vadd.f32 v9, v1  }
0x143: {  	v12 =	vld [tilespmem:s11+$0x8400];
	v9 =	vadd.f32 v2, v5;
	v2 =	vshll.u32 v3, $0x10;
	v5 =	vadd.f32 v19, v18  }
0x144: {  	v4 =	vld [tilespmem:s11+$0x8410];
	[tilespmem:s11+$0xAC70] =	vst v1;
	v8 =	vadd.f32 v8, v10;
	v1 =	vshll.u32 v7, $0x10;
	v10 =	vadd.f32 v16, v14  }
0x145: {  	s10 =	simm.s32 $0x80;
	v3 =	vld [tilespmem:s11+$0x8420];
	v7 =	vadd.f32 v17, v15;
	v14 =	vshll.u32 v20, $0x10;
	v16 =	vand.u32 $0xFFFF0000, v20  }
0x146: {  	s14 =	simm.s32 $0x400;
	v15 =	vshll.u32 v21, $0x10;
	v13 =	vld [tilespmem:s10+$0x4870];
	v17 =	vadd.f32 v14, v22;
	v14 =	vand.u32 $0xFFFF0000, v21  }
.LBB2_12:
0x147: {  	p0 =	sne.s32 s14, $0x4E00;
	v18 =	vld [tilespmem:s10+$0x7070];
	v9 =	vadd.f32 v16, v9;
	v16 =	vshll.u32 v11, $0x10;
	v11 =	vand.u32 $0xFFFF0000, v11  }
0x148: {  	v8 =	vadd.f32 v15, v8;
	v6 =	vadd.f32 v14, v6;
	v19 =	vld [tilespmem:s10+$0x8470];
	v17 =	vmax.f32 v17, $0.0e+00  }
0x149: {  	v10 =	vadd.f32 v16, v10;
	v7 =	vadd.f32 v11, v7;
	v14 =	vld [tilespmem:s10+$0x4800];
	v9 =	vmax.f32 v9, $0.0e+00  }
0x14a: {  	v2 =	vadd.f32 v2, v5;
	v8 =	vmax.f32 v8, $0.0e+00;
	v6 =	vmax.f32 v6, $0.0e+00;
	v11 =	vld [tilespmem:s10+$0x4810]  }
0x14b: {  	v15 =	vshll.u32 v12, $0x10;
	v10 =	vmax.f32 v10, $0.0e+00;
	v7 =	vmax.f32 v7, $0.0e+00;
	v5 =	vld [tilespmem:s10+$0x8430]  }
0x14c: {  	v12 =	vand.u32 $0xFFFF0000, v12;
	v16 =	vld [tilespmem:s10+$0x7000];
	v13 =	vadd.f32 v18, v13;
	v18 =	vmax.f32 v2, $0.0e+00  }
0x14d: {  	v21 =	vshll.u32 v4, $0x10;
	v20 =	vld [tilespmem:s10+$0x7010];
	v2 =	vshll.u32 v19, $0x10;
	v19 =	vand.u32 $0xFFFF0000, v19  }
0x14e: {  	v4 =	vand.u32 $0xFFFF0000, v4;
	v22 =	vld [tilespmem:s10+$0x4820];
	v13 =	vadd.f32 v19, v13;
	v19 =	vshll.u32 v3, $0x10  }
0x14f: {  	v15 =	vadd.f32 v15, v17;
	v12 =	vadd.f32 v12, v9;
	v3 =	vand.u32 $0xFFFF0000, v3;
	v23 =	vld [tilespmem:s10+$0x4830]  }
0x150: {  	v17 =	vld [tilespmem:s10+$0x7020];
	v24 =	vshll.u32 v5, $0x10;
	v5 =	vand.u32 $0xFFFF0000, v5;
	v9 =	vmax.f32 v13, $0.0e+00  }
0x151: {  	v14 =	vadd.f32 v16, v14;
	v13 =	vld [tilespmem:s10+$0x7030];
	v5 =	vadd.f32 v5, v9;
	[tilespmem:s11+$0xAC00] =	vst v15  }
0x152: {  	v8 =	vadd.f32 v21, v8;
	v9 =	vadd.f32 v20, v11;
	v11 =	vld [tilespmem:s10+$0x4840];
	[tilespmem:s11+$0xAC10] =	vst v12  }
0x153: {  	v4 =	vadd.f32 v4, v6;
	v12 =	vld [tilespmem:s10+$0x4850];
	[tilespmem:s10+$0xAC70] =	vst v5;
	v5 =	vadd.f32 v19, v10  }
0x154: {  	v3 =	vadd.f32 v3, v7;
	v7 =	vadd.f32 v1, v18;
	v1 =	vmov v24;
	v10 =	vld [tilespmem:s10+$0x7040];
	[tilespmem:s11+$0xAC20] =	vst v8  }
0x155: {  	v8 =	vadd.f32 v17, v22;
	v15 =	vld [tilespmem:s10+$0x7050];
	[tilespmem:s11+$0xAC30] =	vst v4  }
0x156: {  	v6 =	vadd.f32 v13, v23;
	v13 =	vld [tilespmem:s10+$0x4860];
	[tilespmem:s11+$0xAC40] =	vst v5  }
0x157: {  	v5 =	vld [tilespmem:s10+$0x7060];
	[tilespmem:s11+$0xAC50] =	vst v3  }
0x158: {  	v3 =	vld [tilespmem:s10+$0x8440];
	[tilespmem:s11+$0xAC60] =	vst v7;
	s11 =	smov.u32 s10  }
0x159: {  	v18 =	vld [tilespmem:s11+$0x8450];
	v10 =	vadd.f32 v10, v11  }
.Ltmp5:
0x15a: {  	v11 =	vld [tilespmem:s11+$0x8460];
	v7 =	vadd.f32 v15, v12;
	(pc) =	sbr.rel @p0 .LBB2_12-.Ltmp5, $4  }
0x15b: {  	v12 =	vld [tilespmem:s11+$0x8400]  }
0x15c: {  	v4 =	vld [tilespmem:s11+$0x8410];
	v5 =	vadd.f32 v5, v13  }
0x15d: {  	s10 =	sshra.s32 s14, $0x2;
	v15 =	vshll.u32 v3, $0x10;
	v16 =	vand.u32 $0xFFFF0000, v3;
	v3 =	vld [tilespmem:s11+$0x8420]  }
0x15e: {  	s14 =	sadd.s32 $0x200, s14;
	v13 =	vld [tilespmem:s10+$0x4870];
	v17 =	vadd.f32 v15, v14;
	v15 =	vshll.u32 v18, $0x10;
	v14 =	vand.u32 $0xFFFF0000, v18  }
0x15f: {  	v18 =	vld [tilespmem:s10+$0x7070]  }
0x160: {  	v19 =	vld [tilespmem:s10+$0x8470]  }
0x161: {  	v20 =	vld [tilespmem:s10+$0x4800]  }
0x162: {  	v21 =	vld [tilespmem:s10+$0x4810]  }
0x163: {  	v22 =	vld [tilespmem:s10+$0x8430];
	v9 =	vadd.f32 v16, v9  }
0x164: {  	v23 =	vld [tilespmem:s10+$0x7000];
	v8 =	vadd.f32 v15, v8;
	v6 =	vadd.f32 v14, v6;
	v40 =	vand.u32 $0xFFFF0000, v11  }
0x165: {  	v24 =	vld [tilespmem:s10+$0x7010];
	v2 =	vadd.f32 v2, v5;
	v17 =	vmax.f32 v17, $0.0e+00;
	v13 =	vadd.f32 v18, v13  }
0x166: {  	v28 =	vld [tilespmem:s10+$0x4820];
	v25 =	vshll.u32 v12, $0x10;
	v31 =	vand.u32 $0xFFFF0000, v12;
	v26 =	vand.u32 $0xFFFF0000, v19  }
0x167: {  	v29 =	vld [tilespmem:s10+$0x4830];
	v17 =	vadd.f32 v25, v17;
	v9 =	vmax.f32 v9, $0.0e+00;
	v13 =	vadd.f32 v26, v13  }
0x168: {  	v30 =	vld [tilespmem:s10+$0x7020];
	v37 =	vshll.u32 v11, $0x10;
	v41 =	vadd.f32 v40, v7;
	v9 =	vadd.f32 v31, v9  }
0x169: {  	v32 =	vld [tilespmem:s10+$0x7030];
	v8 =	vmax.f32 v8, $0.0e+00;
	[tilespmem:s11+$0xAC00] =	vst v17;
	v33 =	vand.u32 $0xFFFF0000, v22;
	v13 =	vmax.f32 v13, $0.0e+00  }
0x16a: {  	v35 =	vshll.u32 v4, $0x10;
	v34 =	vld [tilespmem:s10+$0x4840];
	[tilespmem:s11+$0xAC10] =	vst v9;
	v9 =	vadd.f32 v37, v10;
	v12 =	vadd.f32 v33, v13  }
0x16b: {  	v6 =	vmax.f32 v6, $0.0e+00;
	v38 =	vand.u32 $0xFFFF0000, v4;
	v8 =	vadd.f32 v35, v8  }
0x16c: {  	v4 =	vadd.f32 v38, v6;
	v43 =	vshll.u32 v3, $0x10;
	v36 =	vld [tilespmem:s10+$0x4850];
	v42 =	vmax.f32 v9, $0.0e+00;
	[tilespmem:s10+$0xAC70] =	vst v12  }
0x16d: {  	v45 =	vmax.f32 v41, $0.0e+00;
	v3 =	vand.u32 $0xFFFF0000, v3;
	v39 =	vld [tilespmem:s10+$0x7040];
	v7 =	vadd.f32 v43, v42;
	[tilespmem:s11+$0xAC20] =	vst v8  }
0x16e: {  	v2 =	vmax.f32 v2, $0.0e+00;
	v3 =	vadd.f32 v3, v45;
	v44 =	vld [tilespmem:s10+$0x7050];
	[tilespmem:s11+$0xAC30] =	vst v4  }
0x16f: {  	v1 =	vadd.f32 v1, v2;
	v46 =	vld [tilespmem:s10+$0x4860];
	[tilespmem:s11+$0xAC40] =	vst v7  }
0x170: {  	v47 =	vld [tilespmem:s10+$0x7060];
	[tilespmem:s11+$0xAC50] =	vst v3  }
0x171: {  	v2 =	vld [tilespmem:s10+$0x8440];
	[tilespmem:s11+$0xAC60] =	vst v1  }
0x172: {  	v1 =	vld [tilespmem:s10+$0x8450]  }
0x173: {  	v7 =	vld [tilespmem:s10+$0x8460]  }
0x174: {  	v48 =	vadd.f32 v24, v21;
	v50 =	vadd.f32 v30, v28;
	v52 =	vld [tilespmem:s10+$0x8400]  }
0x175: {  	v49 =	vshll.u32 v19, $0x10;
	v51 =	vadd.f32 v32, v29;
	v3 =	vadd.f32 v23, v20;
	v54 =	vld [tilespmem:s10+$0x8410]  }
0x176: {  	v10 =	vadd.f32 v39, v34;
	v9 =	vadd.f32 v44, v36;
	v53 =	vshll.u32 v2, $0x10  }
0x177: {  	v4 =	vadd.f32 v47, v46;
	v2 =	vand.u32 $0xFFFF0000, v2;
	v3 =	vadd.f32 v53, v3  }
0x178: {  	v55 =	vshll.u32 v1, $0x10;
	v1 =	vand.u32 $0xFFFF0000, v1;
	v2 =	vadd.f32 v2, v48  }
0x179: {  	v56 =	vshll.u32 v7, $0x10;
	v7 =	vand.u32 $0xFFFF0000, v7;
	v58 =	vshll.u32 v52, $0x10  }
0x17a: {  	v57 =	vld [tilespmem:s10+$0x8420];
	v60 =	vand.u32 $0xFFFF0000, v52;
	v61 =	vshll.u32 v54, $0x10;
	v4 =	vadd.f32 v49, v4  }
0x17b: {  	v5 =	vand.u32 $0xFFFF0000, v54;
	v1 =	vadd.f32 v1, v51;
	v3 =	vmax.f32 v3, $0.0e+00  }
0x17c: {  	v11 =	vadd.f32 v55, v50;
	v2 =	vmax.f32 v2, $0.0e+00;
	v3 =	vadd.f32 v58, v3  }
0x17d: {  	v6 =	vadd.f32 v56, v10;
	v1 =	vmax.f32 v1, $0.0e+00;
	v2 =	vadd.f32 v60, v2  }
0x17e: {  	v7 =	vadd.f32 v7, v9;
	v59 =	vmax.f32 v11, $0.0e+00;
	v1 =	vadd.f32 v5, v1;
	[tilespmem:s10+$0xAC00] =	vst v3  }
0x17f: {  	v62 =	vshll.u32 v57, $0x10;
	v6 =	vmax.f32 v6, $0.0e+00;
	v3 =	vadd.f32 v61, v59;
	[tilespmem:s10+$0xAC10] =	vst v2  }
0x180: {  	v63 =	vand.u32 $0xFFFF0000, v57;
	v6 =	vadd.f32 v62, v6;
	v2 =	vmax.f32 v7, $0.0e+00;
	[tilespmem:s10+$0xAC30] =	vst v1  }
0x181: {  	p0 =	seq.s32 s22, $0x18;
	v4 =	vmax.f32 v4, $0.0e+00;
	v2 =	vadd.f32 v63, v2;
	[tilespmem:s10+$0xAC20] =	vst v3;
	v3 =	vshll.u32 v22, $0x10  }
0x182: {  	s11 =	sadd.s32 @!p0 s12, s6;
	[tilespmem:s10+$0xAC40] =	vst v6;
	v1 =	vadd.f32 v3, v4  }
0x183: {  	s22 =	sadd.s32 $0x1, s22;
	s11 =	sshll.u32 @!p0 s11, $0x4;
	[tilespmem:s10+$0xAC50] =	vst v2  }
0x184: {  	s12 =	simm.s32 @!p0 $0x8400;
	[tilespmem:s10+$0xAC60] =	vst v1;
	s10 =	sadd.s32 @!p0 s9, s11;
	s11 =	simm.s32 @!p0 $0x0  }
0x185: {  	[tilespmem:s12], [sflag:$0x5] =	stream.linear.gather @!p0 [hbm4b:s10+s11], $0x1400, $0x38;
	[tilespmem:$0x1FC00] =	vst v63  }
0x186: {  	p0 =	sne.s32 s22, $0x19  }
.Ltmp6:
0x187: {  	_ = 	snop;
	(pc) =	sbr.rel @p0 .LBB2_5-.Ltmp6, $4  }
0x188: {  	s29 =	sadd.s32 s1, s28  }
0x189: {  	[hbm4b:s29+s4] =	stream.linear.scatter [tilespmem:s0], [sflag:$0x7], $0x1400, $0x38;
	[tilespmem:$0x1FC00] =	vst v63  }
0x18a: {  	_ = 	snop  }
0x18b: {  	[spmem:s2] =	stream.indirect.scatter.add.f32 [tilespmem:s0], [sflag:$0x9], $0x80, s23, s13, $0xb8;
	[tilespmem:$0x1FC00] =	vst v63  }
0x18c: {  	s5 =	simm.s32 $0x6  }
0x18d: {  	_ =	swait.ge [sflag:s5], $0x1400  }
0x18e: {  	[sflag:s5] =	ssyncset.done $0x0  }
0x18f: {  	s29 =	simm.s32 $0x8;
	[sflag:s5] =	ssyncadd.s32 $0xFFFFEC00  }
0x190: {  	_ =	swait.ge [sflag:s29], $0x1400  }
0x191: {  	[sflag:s29] =	ssyncset.done $0x0  }
0x192: {  	s30 =	sadd.s32 $0x1, s30;
	[sflag:s29] =	ssyncadd.s32 $0xFFFFEC00  }
0x193: {  	p0 =	sne.s32 s30, $0x5;
	_ =	swait.ge [sflag:s25], $0x1400  }
.Ltmp7:
0x194: {  	[sflag:s25] =	ssyncset.done $0x0;
	(pc) =	sbr.rel @p0 .LBB2_4-.Ltmp7, $4  }
0x195: {  	[sflag:s25] =	ssyncadd.s32 $0xFFFFEC00  }
0x196: {  	_ =	swait.ge [sflag:s26], $0x1400  }
0x197: {  	[sflag:s26] =	ssyncset.done $0x0  }
0x198: {  	[sflag:s26] =	ssyncadd.s32 $0xFFFFEC00  }
0x199: {  	s5 =	stileid.u32;
	[bflag:$0x0] =	sbarrier.arrive $0xFFFF  }
0x19a: {  	s28 =	simm.s32 $0xA;
	s5 =	sshll.u32 s5, $0x6;
	s10 =	rddreg [dreg:$0x6]  }
0x19b: {  	s11 =	rddreg [dreg:$0x14];
	s5 =	sor.u32 $0x1C0A, s5;
	s6 =	sshrl.u32 s10, $0x3  }
0x19c: {  	[hbm:s11], [sflag:s5] =	dma.local [spmem:s6], $0x2780  }
0x19d: {  	_ =	swait.ge [sflag:s28], $0x2780  }
0x19e: {  	s29 =	rddreg [dreg:$0x1a]  }
0x19f: {  	s30 =	rddreg [dreg:$0x15];
	s11 =	sadd.s32 $0x1, s29  }
0x1a0: {  	p0 =	sne.s32 s11, s30  }
.Ltmp8:
0x1a1: {  	_ = 	snop;
	(pc) =	sbr.rel @p0 .LBB2_1-.Ltmp8, $3  }
0x1a2: {  	_ =	sdelay $0x1  }
0x1a3: {  	[sflag:s28] =	ssyncset.done $0x0  }
0x1a4: {  	[sflag:s28] =	ssyncadd.s32 $0xFFFFD880  }
0x1a5: {  	_ =	sfence.sel $0x180000  }
0x1a6: {  	[bflag:$0x0] =	sbarrier.arrive $0xFFFF  }
0x1a7: {  	_ =	strace $0x90000047  }
0x1a8: {  	s0 =	stileid.u32;
	[bflag:$0x2] =	sbarrier.arrive $0xFFFF  }
0x1a9: {  	p0 =	sne.s32 s0, $0x0;
	s0 =	rddreg [dreg:$0x3]  }
0x1aa: {  	s0 =	sadd.s32 @!p0 $0x100000, s0  }
0x1ab: {  	[sflag:s0] =	ssyncadd.tile.s32 @!p0 $0x1;
	_ =	shalt  }
.Lfunc_end2:
_tile_overlayer_lowered:
.L_overlay_start_2:
0x1ac: {  	(tag) =	ssettag $0x2  }
0x1ad: {  	s0 =	rddreg [dreg:$0x0];
	s2 =	stileid.u32  }
0x1ae: {  	s1 =	rddreg [dreg:$0x1];
	p0 =	sne.s32 s2, $0x0  }
0x1af: {  	s3 =	rddreg [dreg:$0x2];
	[bflag:$0x3] =	sbarrier.arrive $0xFFFF;
	s2 =	simm.s32 @!p0 $0x1C0A  }
0x1b0: {  	[timem:s3], [sflag:s2] =	dma.local @!p0 [hbm:s0], s1  }
0x1b1: {  	s0 =	simm.s32 @!p0 $0xA  }
0x1b2: {  	_ =	swait.ge @!p0 [sflag:s0], s1  }
0x1b3: {  	s1 =	ssub.s32 @!p0 $0x0, s1;
	[sflag:s0] =	ssyncset.done @!p0 $0x0  }
0x1b4: {  	[sflag:s0] =	ssyncadd.s32 @!p0 s1  }
0x1b5: {  	[bflag:$0x3] =	sbarrier.arrive $0xFFFF  }
0x1b6: {  	_ =	shalt  }

</sc_bundles>
